<compile_context>
chip_gen: v7x
topology: tpu7x:2x2x1
jax: 0.10.2.dev20260603
libtpu: 0.0.44.dev20260713+nightly
codegen_flags: <defaults>
</compile_context>

<pallas_src>
import jax
import jax.numpy as jnp
from jax import lax
from jax.experimental import pallas as pl
from jax.experimental.pallas import tpu as pltpu
from jax.experimental.pallas import tpu_sc as plsc

N_ROWS = 160000
N_COLS = 256
N_SEG = 10000
S_PAD = 10240
NC = 2
NS = 16
L = 16
DC = N_COLS // NC
RPT = N_ROWS // NS
CH = 80
NCH = RPT // CH
NBUF = 4
SEG_PT = S_PAD // NS
OB = 80
NOB = SEG_PT // OB


def _scatter_mean_body(x_hbm, idx_hbm, out_hbm,
                       acc_sh, cnt_sh, ones_buf, cbuf,
                       x_bufs, idx_bufs, x_sems, i_sems, s_sems):
    c = lax.axis_index("c")
    s = lax.axis_index("s")
    col0 = c * DC
    row0 = s * RPT
    seg0 = s * SEG_PT

    zv = jnp.zeros((L,), jnp.float32)
    onev = jnp.ones((L,), jnp.float32)

    def fill_ones(i, carry):
        ones_buf[pl.ds(i * L, L)] = onev
        return carry
    lax.fori_loop(0, CH // L, fill_ones, 0)

    obuf = x_bufs[0]

    def zero_blk(i, carry):
        for jj in range(DC // L):
            obuf[i, pl.ds(jj * L, L)] = zv
        return carry
    lax.fori_loop(0, OB, zero_blk, 0)

    def zero_cnt(i, carry):
        cbuf[pl.ds(i * L, L)] = zv
        return carry
    lax.fori_loop(0, OB // L, zero_cnt, 0)

    for m in range(NOB):
        pltpu.sync_copy(obuf, acc_sh.at[pl.ds(seg0 + m * OB, OB), :])
        pltpu.sync_copy(cbuf, cnt_sh.at[pl.ds(seg0 + m * OB, OB)])

    plsc.subcore_barrier()

    def start_load(k, b):
        r0 = pl.multiple_of(row0 + k * CH, 8)
        pltpu.async_copy(idx_hbm.at[pl.ds(r0, CH)], idx_bufs[b], i_sems[b])
        pltpu.async_copy(x_hbm.at[pl.ds(r0, CH), pl.ds(col0, DC)],
                         x_bufs[b], x_sems[b])

    def wait_load(b):
        pltpu.make_async_copy(idx_hbm.at[pl.ds(0, CH)],
                              idx_bufs[b], i_sems[b]).wait()
        pltpu.make_async_copy(
            x_hbm.at[pl.ds(0, CH), pl.ds(col0, DC)],
            x_bufs[b], x_sems[b]).wait()

    def scatter(k, b):
        d = pltpu.async_copy(ones_buf, cnt_sh.at[idx_bufs[b]],
                             x_sems[NBUF], add=True)
        pltpu.sync_copy(x_bufs[b], acc_sh.at[idx_bufs[b]], add=True)
        d.wait()

    for b in range(NBUF):
        start_load(b, b)

    NTRI = NCH // NBUF

    def tri(i, carry):
        ds = []
        for j in range(NBUF):
            wait_load(j)
            ds.append((
                pltpu.async_copy(ones_buf, cnt_sh.at[idx_bufs[j]],
                                 s_sems[j], add=True),
                pltpu.async_copy(x_bufs[j], acc_sh.at[idx_bufs[j]],
                                 s_sems[j], add=True)))
        for j in range(NBUF):
            k = NBUF * i + j
            d1, d2 = ds[j]
            d1.wait()
            d2.wait()

            @pl.when(k + NBUF < NCH)
            def _():
                start_load(k + NBUF, j)
        return carry
    lax.fori_loop(0, NTRI, tri, 0)
    for j in range(NTRI * NBUF, NCH):
        b = j % NBUF
        wait_load(b)
        scatter(j, b)
    plsc.subcore_barrier()

    def finalize(m, carry):
        g0 = seg0 + m * OB
        pltpu.sync_copy(acc_sh.at[pl.ds(g0, OB), :], obuf)
        pltpu.sync_copy(cnt_sh.at[pl.ds(g0, OB)], cbuf)

        def rowfix(g, inner):
            cv = jnp.maximum(cbuf[pl.ds(g * L, L)], 1.0)
            rv = jnp.full((L,), 1.0, jnp.float32) / cv
            for j in range(L):
                rvec = jnp.full((L,), rv[j], jnp.float32)
                row = g * L + j
                for jj in range(DC // L):
                    sl = pl.ds(jj * L, L)
                    obuf[row, sl] = obuf[row, sl] * rvec
            return inner
        lax.fori_loop(0, OB // L, rowfix, 0)
        pltpu.sync_copy(obuf, out_hbm.at[pl.ds(g0, OB), pl.ds(col0, DC)])
        return carry
    lax.fori_loop(0, NOB, finalize, 0)


@jax.jit
def kernel(x, index):
    idx32 = index.astype(jnp.int32)
    mesh = plsc.VectorSubcoreMesh(core_axis_name="c", subcore_axis_name="s")
    f = pl.kernel(
        _scatter_mean_body,
        out_type=jax.ShapeDtypeStruct((S_PAD, N_COLS), jnp.float32),
        mesh=mesh,
        scratch_types=[
            pltpu.VMEM_SHARED((S_PAD, DC), jnp.float32),
            pltpu.VMEM_SHARED((S_PAD,), jnp.float32),
            pltpu.VMEM((CH,), jnp.float32),
            pltpu.VMEM((OB,), jnp.float32),
            [pltpu.VMEM((CH, DC), jnp.float32)] * NBUF,
            [pltpu.VMEM((CH,), jnp.int32)] * NBUF,
            [pltpu.SemaphoreType.DMA] * (NBUF + 1),
            [pltpu.SemaphoreType.DMA] * NBUF,
            [pltpu.SemaphoreType.DMA] * NBUF,
        ],
    )
    return f(x, idx32)[:N_SEG]

# --- scband reference (transcript-rebuilt; emitter-appended) ---
"""Pipeline reference for scband-mean-pooling-6777458393322 (READ-ONLY COPY).

The authoritative reference and input builder live on the scoring server;
editing this copy changes nothing except your own understanding.
"""

import jax, jax.numpy as jnp
import numpy as np

NUM_SEGMENTS = 10000

def setup_inputs(seed: int = 0) -> dict:
    key = jax.random.key(seed)
    k1, k2 = jax.random.split(key)
    x = jax.random.normal(k1, (160000, 256), dtype=jnp.float32)
    index = jnp.sort(jax.random.randint(k2, (160000,), 0, NUM_SEGMENTS, dtype=jnp.int64))
    return {"x": x, "index": index}

def reference(x, index):
    # scatter_mean(x, index, dim=0): sum per segment / count per segment
    seg_sum = jax.ops.segment_sum(x, index, num_segments=NUM_SEGMENTS)
    ones = jnp.ones((x.shape[0],), dtype=x.dtype)
    counts = jax.ops.segment_sum(ones, index, num_segments=NUM_SEGMENTS)
    counts = jnp.clip(counts, 1.0, None)
    mean = seg_sum / counts[:, None]
    return mean

if __name__ == "__main__":
    import jax
    _d = setup_inputs()
    print(jax.jit(kernel)(*tuple(_d.values())))

</pallas_src>

<mosaic_0001>
#map = affine_map<(d0, d1) -> (0, 0)>
#map1 = affine_map<(d0, d1) -> (0)>
module attributes {stable_mosaic.version = 14 : i64} {
  func.func @_scatter_mean_body(%arg0: i32, %arg1: i32, %arg2: memref<160000x256xf32, #tpu.memory_space<hbm>>, %arg3: memref<160000xi32, #tpu.memory_space<hbm>>, %arg4: memref<10240x256xf32, #tpu.memory_space<hbm>>, %arg5: memref<10240x128xf32, #tpu.memory_space<vmem_shared>>, %arg6: memref<10240xf32, #tpu.memory_space<vmem_shared>>, %arg7: memref<80xf32, #tpu.memory_space<vmem>>, %arg8: memref<80xf32, #tpu.memory_space<vmem>>, %arg9: memref<80x128xf32, #tpu.memory_space<vmem>>, %arg10: memref<80x128xf32, #tpu.memory_space<vmem>>, %arg11: memref<80x128xf32, #tpu.memory_space<vmem>>, %arg12: memref<80x128xf32, #tpu.memory_space<vmem>>, %arg13: memref<80xi32, #tpu.memory_space<vmem>>, %arg14: memref<80xi32, #tpu.memory_space<vmem>>, %arg15: memref<80xi32, #tpu.memory_space<vmem>>, %arg16: memref<80xi32, #tpu.memory_space<vmem>>, %arg17: memref<!tpu.dma_semaphore, #tpu.memory_space<semaphore_mem>>, %arg18: memref<!tpu.dma_semaphore, #tpu.memory_space<semaphore_mem>>, %arg19: memref<!tpu.dma_semaphore, #tpu.memory_space<semaphore_mem>>, %arg20: memref<!tpu.dma_semaphore, #tpu.memory_space<semaphore_mem>>, %arg21: memref<!tpu.dma_semaphore, #tpu.memory_space<semaphore_mem>>, %arg22: memref<!tpu.dma_semaphore, #tpu.memory_space<semaphore_mem>>, %arg23: memref<!tpu.dma_semaphore, #tpu.memory_space<semaphore_mem>>, %arg24: memref<!tpu.dma_semaphore, #tpu.memory_space<semaphore_mem>>, %arg25: memref<!tpu.dma_semaphore, #tpu.memory_space<semaphore_mem>>, %arg26: memref<!tpu.dma_semaphore, #tpu.memory_space<semaphore_mem>>, %arg27: memref<!tpu.dma_semaphore, #tpu.memory_space<semaphore_mem>>, %arg28: memref<!tpu.dma_semaphore, #tpu.memory_space<semaphore_mem>>, %arg29: memref<!tpu.dma_semaphore, #tpu.memory_space<semaphore_mem>>) attributes {dimension_semantics = [#tpu.dimension_semantics<core_parallel>, #tpu.dimension_semantics<subcore_parallel>], iteration_bounds = array<i64: 2, 16>, scalar_prefetch = 0 : i64, scratch_operands = 25 : i64, tpu.core_type = #tpu.core_type<sc_vector_subcore>, window_params = [{transform_indices = #map}, {transform_indices = #map1}, {transform_indices = #map}]} {
    %mul3A = arith.constant 128 : i32
    %mul3A_0 = arith.muli %arg0, %mul3A : i32
    %mul3A_1 = arith.constant 10000 : i32
    %mul3A_2 = arith.muli %arg1, %mul3A_1 : i32
    %mul3A_3 = arith.constant 640 : i32
    %mul3A_4 = arith.muli %arg1, %mul3A_3 : i32
    %broadcast_in_dim3A = arith.constant 0.000000e+00 : f32
    %broadcast_in_dim3A_5 = vector.broadcast %broadcast_in_dim3A : f32 to vector<16xf32>
    %broadcast_in_dim3A_6 = arith.constant 1.000000e+00 : f32
    %broadcast_in_dim3A_7 = vector.broadcast %broadcast_in_dim3A_6 : f32 to vector<16xf32>
    %scan3A = arith.constant 0 : i32
    %scan3A_8 = arith.constant 0 : i32
    %scan3A_9 = arith.constant 5 : i32
    %scan3A_10 = arith.addi %scan3A_8, %scan3A_9 : i32
    %scan3A_11 = arith.constant 1 : i32
    scf.for %scan3A_106 = %scan3A_8 to %scan3A_10 step %scan3A_11  : i32 {
      %mul3A_107 = arith.constant 16 : i32
      %mul3A_108 = arith.muli %scan3A_106, %mul3A_107 : i32
      %swap3A = arith.index_cast %mul3A_108 : i32 to index
      %swap3A_109 = tpu.vector_load %arg7[%swap3A] {strides = array<i32>} : memref<80xf32, #tpu.memory_space<vmem>>, vector<16xf32>,
      %swap3A_110 = vector.shape_cast %swap3A_109 : vector<16xf32> to vector<16xf32>
      %swap3A_111 = vector.shape_cast %broadcast_in_dim3A_7 : vector<16xf32> to vector<16xf32>
      tpu.vector_store %arg7[%swap3A], %swap3A_111 {strides = array<i32>} : memref<80xf32, #tpu.memory_space<vmem>>, vector<16xf32>,
    }
    %scan3A_12 = arith.constant 5 : i32
    %scan3A_13 = arith.constant 0 : i32
    %scan3A_14 = arith.constant 0 : i32
    %scan3A_15 = arith.constant 80 : i32
    %scan3A_16 = arith.addi %scan3A_14, %scan3A_15 : i32
    %scan3A_17 = arith.constant 1 : i32
    scf.for %scan3A_106 = %scan3A_14 to %scan3A_16 step %scan3A_17  : i32 {
      %swap3A = arith.index_cast %scan3A_106 : i32 to index
      %swap3A_107 = arith.constant 0 : index
      %swap3A_108 = tpu.vector_load %arg9[%swap3A, %swap3A_107] {strides = array<i32>} : memref<80x128xf32, #tpu.memory_space<vmem>>, vector<1x16xf32>,
      %swap3A_109 = vector.shape_cast %swap3A_108 : vector<1x16xf32> to vector<16xf32>
      %swap3A_110 = vector.shape_cast %broadcast_in_dim3A_5 : vector<16xf32> to vector<1x16xf32>
      tpu.vector_store %arg9[%swap3A, %swap3A_107], %swap3A_110 {strides = array<i32>} : memref<80x128xf32, #tpu.memory_space<vmem>>, vector<1x16xf32>,
      %swap3A_111 = arith.index_cast %scan3A_106 : i32 to index
      %swap3A_112 = arith.constant 16 : index
      %swap3A_113 = tpu.vector_load %arg9[%swap3A_111, %swap3A_112] {strides = array<i32>} : memref<80x128xf32, #tpu.memory_space<vmem>>, vector<1x16xf32>,
      %swap3A_114 = vector.shape_cast %swap3A_113 : vector<1x16xf32> to vector<16xf32>
      %swap3A_115 = vector.shape_cast %broadcast_in_dim3A_5 : vector<16xf32> to vector<1x16xf32>
      tpu.vector_store %arg9[%swap3A_111, %swap3A_112], %swap3A_115 {strides = array<i32>} : memref<80x128xf32, #tpu.memory_space<vmem>>, vector<1x16xf32>,
      %swap3A_116 = arith.index_cast %scan3A_106 : i32 to index
      %swap3A_117 = arith.constant 32 : index
      %swap3A_118 = tpu.vector_load %arg9[%swap3A_116, %swap3A_117] {strides = array<i32>} : memref<80x128xf32, #tpu.memory_space<vmem>>, vector<1x16xf32>,
      %swap3A_119 = vector.shape_cast %swap3A_118 : vector<1x16xf32> to vector<16xf32>
      %swap3A_120 = vector.shape_cast %broadcast_in_dim3A_5 : vector<16xf32> to vector<1x16xf32>
      tpu.vector_store %arg9[%swap3A_116, %swap3A_117], %swap3A_120 {strides = array<i32>} : memref<80x128xf32, #tpu.memory_space<vmem>>, vector<1x16xf32>,
      %swap3A_121 = arith.index_cast %scan3A_106 : i32 to index
      %swap3A_122 = arith.constant 48 : index
      %swap3A_123 = tpu.vector_load %arg9[%swap3A_121, %swap3A_122] {strides = array<i32>} : memref<80x128xf32, #tpu.memory_space<vmem>>, vector<1x16xf32>,
      %swap3A_124 = vector.shape_cast %swap3A_123 : vector<1x16xf32> to vector<16xf32>
      %swap3A_125 = vector.shape_cast %broadcast_in_dim3A_5 : vector<16xf32> to vector<1x16xf32>
      tpu.vector_store %arg9[%swap3A_121, %swap3A_122], %swap3A_125 {strides = array<i32>} : memref<80x128xf32, #tpu.memory_space<vmem>>, vector<1x16xf32>,
      %swap3A_126 = arith.index_cast %scan3A_106 : i32 to index
      %swap3A_127 = arith.constant 64 : index
      %swap3A_128 = tpu.vector_load %arg9[%swap3A_126, %swap3A_127] {strides = array<i32>} : memref<80x128xf32, #tpu.memory_space<vmem>>, vector<1x16xf32>,
      %swap3A_129 = vector.shape_cast %swap3A_128 : vector<1x16xf32> to vector<16xf32>
      %swap3A_130 = vector.shape_cast %broadcast_in_dim3A_5 : vector<16xf32> to vector<1x16xf32>
      tpu.vector_store %arg9[%swap3A_126, %swap3A_127], %swap3A_130 {strides = array<i32>} : memref<80x128xf32, #tpu.memory_space<vmem>>, vector<1x16xf32>,
      %swap3A_131 = arith.index_cast %scan3A_106 : i32 to index
      %swap3A_132 = arith.constant 80 : index
      %swap3A_133 = tpu.vector_load %arg9[%swap3A_131, %swap3A_132] {strides = array<i32>} : memref<80x128xf32, #tpu.memory_space<vmem>>, vector<1x16xf32>,
      %swap3A_134 = vector.shape_cast %swap3A_133 : vector<1x16xf32> to vector<16xf32>
      %swap3A_135 = vector.shape_cast %broadcast_in_dim3A_5 : vector<16xf32> to vector<1x16xf32>
      tpu.vector_store %arg9[%swap3A_131, %swap3A_132], %swap3A_135 {strides = array<i32>} : memref<80x128xf32, #tpu.memory_space<vmem>>, vector<1x16xf32>,
      %swap3A_136 = arith.index_cast %scan3A_106 : i32 to index
      %swap3A_137 = arith.constant 96 : index
      %swap3A_138 = tpu.vector_load %arg9[%swap3A_136, %swap3A_137] {strides = array<i32>} : memref<80x128xf32, #tpu.memory_space<vmem>>, vector<1x16xf32>,
      %swap3A_139 = vector.shape_cast %swap3A_138 : vector<1x16xf32> to vector<16xf32>
      %swap3A_140 = vector.shape_cast %broadcast_in_dim3A_5 : vector<16xf32> to vector<1x16xf32>
      tpu.vector_store %arg9[%swap3A_136, %swap3A_137], %swap3A_140 {strides = array<i32>} : memref<80x128xf32, #tpu.memory_space<vmem>>, vector<1x16xf32>,
      %swap3A_141 = arith.index_cast %scan3A_106 : i32 to index
      %swap3A_142 = arith.constant 112 : index
      %swap3A_143 = tpu.vector_load %arg9[%swap3A_141, %swap3A_142] {strides = array<i32>} : memref<80x128xf32, #tpu.memory_space<vmem>>, vector<1x16xf32>,
      %swap3A_144 = vector.shape_cast %swap3A_143 : vector<1x16xf32> to vector<16xf32>
      %swap3A_145 = vector.shape_cast %broadcast_in_dim3A_5 : vector<16xf32> to vector<1x16xf32>
      tpu.vector_store %arg9[%swap3A_141, %swap3A_142], %swap3A_145 {strides = array<i32>} : memref<80x128xf32, #tpu.memory_space<vmem>>, vector<1x16xf32>,
    }
    %scan3A_18 = arith.constant 80 : i32
    %scan3A_19 = arith.constant 0 : i32
    %scan3A_20 = arith.constant 0 : i32
    %scan3A_21 = arith.constant 5 : i32
    %scan3A_22 = arith.addi %scan3A_20, %scan3A_21 : i32
    %scan3A_23 = arith.constant 1 : i32
    scf.for %scan3A_106 = %scan3A_20 to %scan3A_22 step %scan3A_23  : i32 {
      %mul3A_107 = arith.constant 16 : i32
      %mul3A_108 = arith.muli %scan3A_106, %mul3A_107 : i32
      %swap3A = arith.index_cast %mul3A_108 : i32 to index
      %swap3A_109 = tpu.vector_load %arg8[%swap3A] {strides = array<i32>} : memref<80xf32, #tpu.memory_space<vmem>>, vector<16xf32>,
      %swap3A_110 = vector.shape_cast %swap3A_109 : vector<16xf32> to vector<16xf32>
      %swap3A_111 = vector.shape_cast %broadcast_in_dim3A_5 : vector<16xf32> to vector<16xf32>
      tpu.vector_store %arg8[%swap3A], %swap3A_111 {strides = array<i32>} : memref<80xf32, #tpu.memory_space<vmem>>, vector<16xf32>,
    }
    %scan3A_24 = arith.constant 5 : i32
    %add3A = arith.constant 0 : i32
    %add3A_25 = arith.addi %mul3A_4, %add3A : i32
    "tpu.region"() ({
      %run_scoped3A = tpu.sem_alloc : memref<!tpu.dma_semaphore, #tpu.memory_space<semaphore_mem>>
      %dma_start3A_106 = arith.constant 0 : i32
      %dma_start3A_107 = tpu.memref_slice %arg5[%add3A_25, %dma_start3A_106] : memref<10240x128xf32, #tpu.memory_space<vmem_shared>> -> memref<80x128xf32, #tpu.memory_space<vmem_shared>>
      %dma_start3A_108 = arith.constant 0 : i32
      %dma_start3A_109 = tpu.memref_slice %arg5[%add3A_25, %dma_start3A_108] : memref<10240x128xf32, #tpu.memory_space<vmem_shared>> -> memref<80x128xf32, #tpu.memory_space<vmem_shared>>
      tpu.enqueue_dma source(%arg9 : memref<80x128xf32, #tpu.memory_space<vmem>>) target(%dma_start3A_109 : memref<80x128xf32, #tpu.memory_space<vmem_shared>>) target_semaphore(%run_scoped3A : memref<!tpu.dma_semaphore, #tpu.memory_space<semaphore_mem>>)
      %dma_wait3A_110 = arith.constant 0 : i32
      %dma_wait3A_111 = tpu.memref_slice %arg5[%add3A_25, %dma_wait3A_110] : memref<10240x128xf32, #tpu.memory_space<vmem_shared>> -> memref<80x128xf32, #tpu.memory_space<vmem_shared>>
      %dma_wait3A_112 = arith.constant 0 : i32
      %dma_wait3A_113 = tpu.memref_slice %arg5[%add3A_25, %dma_wait3A_112] : memref<10240x128xf32, #tpu.memory_space<vmem_shared>> -> memref<80x128xf32, #tpu.memory_space<vmem_shared>>
      tpu.wait_dma2 semaphore(%run_scoped3A : memref<!tpu.dma_semaphore, #tpu.memory_space<semaphore_mem>>) src(%arg9 : memref<80x128xf32, #tpu.memory_space<vmem>>) dst(%dma_wait3A_113 : memref<80x128xf32, #tpu.memory_space<vmem_shared>>)
      tpu.yield
    }) : () -> ()
    %add3A_26 = arith.constant 0 : i32
    %add3A_27 = arith.addi %mul3A_4, %add3A_26 : i32
    "tpu.region"() ({
      %run_scoped3A = tpu.sem_alloc : memref<!tpu.dma_semaphore, #tpu.memory_space<semaphore_mem>>
      %dma_start3A_106 = tpu.memref_slice %arg6[%add3A_27] : memref<10240xf32, #tpu.memory_space<vmem_shared>> -> memref<80xf32, #tpu.memory_space<vmem_shared>>
      %dma_start3A_107 = tpu.memref_slice %arg6[%add3A_27] : memref<10240xf32, #tpu.memory_space<vmem_shared>> -> memref<80xf32, #tpu.memory_space<vmem_shared>>
      tpu.enqueue_dma source(%arg8 : memref<80xf32, #tpu.memory_space<vmem>>) target(%dma_start3A_107 : memref<80xf32, #tpu.memory_space<vmem_shared>>) target_semaphore(%run_scoped3A : memref<!tpu.dma_semaphore, #tpu.memory_space<semaphore_mem>>)
      %dma_wait3A_108 = tpu.memref_slice %arg6[%add3A_27] : memref<10240xf32, #tpu.memory_space<vmem_shared>> -> memref<80xf32, #tpu.memory_space<vmem_shared>>
      %dma_wait3A_109 = tpu.memref_slice %arg6[%add3A_27] : memref<10240xf32, #tpu.memory_space<vmem_shared>> -> memref<80xf32, #tpu.memory_space<vmem_shared>>
      tpu.wait_dma2 semaphore(%run_scoped3A : memref<!tpu.dma_semaphore, #tpu.memory_space<semaphore_mem>>) src(%arg8 : memref<80xf32, #tpu.memory_space<vmem>>) dst(%dma_wait3A_109 : memref<80xf32, #tpu.memory_space<vmem_shared>>)
      tpu.yield
    }) : () -> ()
    %add3A_28 = arith.constant 80 : i32
    %add3A_29 = arith.addi %mul3A_4, %add3A_28 : i32
    "tpu.region"() ({
      %run_scoped3A = tpu.sem_alloc : memref<!tpu.dma_semaphore, #tpu.memory_space<semaphore_mem>>
      %dma_start3A_106 = arith.constant 0 : i32
      %dma_start3A_107 = tpu.memref_slice %arg5[%add3A_29, %dma_start3A_106] : memref<10240x128xf32, #tpu.memory_space<vmem_shared>> -> memref<80x128xf32, #tpu.memory_space<vmem_shared>>
      %dma_start3A_108 = arith.constant 0 : i32
      %dma_start3A_109 = tpu.memref_slice %arg5[%add3A_29, %dma_start3A_108] : memref<10240x128xf32, #tpu.memory_space<vmem_shared>> -> memref<80x128xf32, #tpu.memory_space<vmem_shared>>
      tpu.enqueue_dma source(%arg9 : memref<80x128xf32, #tpu.memory_space<vmem>>) target(%dma_start3A_109 : memref<80x128xf32, #tpu.memory_space<vmem_shared>>) target_semaphore(%run_scoped3A : memref<!tpu.dma_semaphore, #tpu.memory_space<semaphore_mem>>)
      %dma_wait3A_110 = arith.constant 0 : i32
      %dma_wait3A_111 = tpu.memref_slice %arg5[%add3A_29, %dma_wait3A_110] : memref<10240x128xf32, #tpu.memory_space<vmem_shared>> -> memref<80x128xf32, #tpu.memory_space<vmem_shared>>
      %dma_wait3A_112 = arith.constant 0 : i32
      %dma_wait3A_113 = tpu.memref_slice %arg5[%add3A_29, %dma_wait3A_112] : memref<10240x128xf32, #tpu.memory_space<vmem_shared>> -> memref<80x128xf32, #tpu.memory_space<vmem_shared>>
      tpu.wait_dma2 semaphore(%run_scoped3A : memref<!tpu.dma_semaphore, #tpu.memory_space<semaphore_mem>>) src(%arg9 : memref<80x128xf32, #tpu.memory_space<vmem>>) dst(%dma_wait3A_113 : memref<80x128xf32, #tpu.memory_space<vmem_shared>>)
      tpu.yield
    }) : () -> ()
    %add3A_30 = arith.constant 80 : i32
    %add3A_31 = arith.addi %mul3A_4, %add3A_30 : i32
    "tpu.region"() ({
      %run_scoped3A = tpu.sem_alloc : memref<!tpu.dma_semaphore, #tpu.memory_space<semaphore_mem>>
      %dma_start3A_106 = tpu.memref_slice %arg6[%add3A_31] : memref<10240xf32, #tpu.memory_space<vmem_shared>> -> memref<80xf32, #tpu.memory_space<vmem_shared>>
      %dma_start3A_107 = tpu.memref_slice %arg6[%add3A_31] : memref<10240xf32, #tpu.memory_space<vmem_shared>> -> memref<80xf32, #tpu.memory_space<vmem_shared>>
      tpu.enqueue_dma source(%arg8 : memref<80xf32, #tpu.memory_space<vmem>>) target(%dma_start3A_107 : memref<80xf32, #tpu.memory_space<vmem_shared>>) target_semaphore(%run_scoped3A : memref<!tpu.dma_semaphore, #tpu.memory_space<semaphore_mem>>)
      %dma_wait3A_108 = tpu.memref_slice %arg6[%add3A_31] : memref<10240xf32, #tpu.memory_space<vmem_shared>> -> memref<80xf32, #tpu.memory_space<vmem_shared>>
      %dma_wait3A_109 = tpu.memref_slice %arg6[%add3A_31] : memref<10240xf32, #tpu.memory_space<vmem_shared>> -> memref<80xf32, #tpu.memory_space<vmem_shared>>
      tpu.wait_dma2 semaphore(%run_scoped3A : memref<!tpu.dma_semaphore, #tpu.memory_space<semaphore_mem>>) src(%arg8 : memref<80xf32, #tpu.memory_space<vmem>>) dst(%dma_wait3A_109 : memref<80xf32, #tpu.memory_space<vmem_shared>>)
      tpu.yield
    }) : () -> ()
    %add3A_32 = arith.constant 160 : i32
    %add3A_33 = arith.addi %mul3A_4, %add3A_32 : i32
    "tpu.region"() ({
      %run_scoped3A = tpu.sem_alloc : memref<!tpu.dma_semaphore, #tpu.memory_space<semaphore_mem>>
      %dma_start3A_106 = arith.constant 0 : i32
      %dma_start3A_107 = tpu.memref_slice %arg5[%add3A_33, %dma_start3A_106] : memref<10240x128xf32, #tpu.memory_space<vmem_shared>> -> memref<80x128xf32, #tpu.memory_space<vmem_shared>>
      %dma_start3A_108 = arith.constant 0 : i32
      %dma_start3A_109 = tpu.memref_slice %arg5[%add3A_33, %dma_start3A_108] : memref<10240x128xf32, #tpu.memory_space<vmem_shared>> -> memref<80x128xf32, #tpu.memory_space<vmem_shared>>
      tpu.enqueue_dma source(%arg9 : memref<80x128xf32, #tpu.memory_space<vmem>>) target(%dma_start3A_109 : memref<80x128xf32, #tpu.memory_space<vmem_shared>>) target_semaphore(%run_scoped3A : memref<!tpu.dma_semaphore, #tpu.memory_space<semaphore_mem>>)
      %dma_wait3A_110 = arith.constant 0 : i32
      %dma_wait3A_111 = tpu.memref_slice %arg5[%add3A_33, %dma_wait3A_110] : memref<10240x128xf32, #tpu.memory_space<vmem_shared>> -> memref<80x128xf32, #tpu.memory_space<vmem_shared>>
      %dma_wait3A_112 = arith.constant 0 : i32
      %dma_wait3A_113 = tpu.memref_slice %arg5[%add3A_33, %dma_wait3A_112] : memref<10240x128xf32, #tpu.memory_space<vmem_shared>> -> memref<80x128xf32, #tpu.memory_space<vmem_shared>>
      tpu.wait_dma2 semaphore(%run_scoped3A : memref<!tpu.dma_semaphore, #tpu.memory_space<semaphore_mem>>) src(%arg9 : memref<80x128xf32, #tpu.memory_space<vmem>>) dst(%dma_wait3A_113 : memref<80x128xf32, #tpu.memory_space<vmem_shared>>)
      tpu.yield
    }) : () -> ()
    %add3A_34 = arith.constant 160 : i32
    %add3A_35 = arith.addi %mul3A_4, %add3A_34 : i32
    "tpu.region"() ({
      %run_scoped3A = tpu.sem_alloc : memref<!tpu.dma_semaphore, #tpu.memory_space<semaphore_mem>>
      %dma_start3A_106 = tpu.memref_slice %arg6[%add3A_35] : memref<10240xf32, #tpu.memory_space<vmem_shared>> -> memref<80xf32, #tpu.memory_space<vmem_shared>>
      %dma_start3A_107 = tpu.memref_slice %arg6[%add3A_35] : memref<10240xf32, #tpu.memory_space<vmem_shared>> -> memref<80xf32, #tpu.memory_space<vmem_shared>>
      tpu.enqueue_dma source(%arg8 : memref<80xf32, #tpu.memory_space<vmem>>) target(%dma_start3A_107 : memref<80xf32, #tpu.memory_space<vmem_shared>>) target_semaphore(%run_scoped3A : memref<!tpu.dma_semaphore, #tpu.memory_space<semaphore_mem>>)
      %dma_wait3A_108 = tpu.memref_slice %arg6[%add3A_35] : memref<10240xf32, #tpu.memory_space<vmem_shared>> -> memref<80xf32, #tpu.memory_space<vmem_shared>>
      %dma_wait3A_109 = tpu.memref_slice %arg6[%add3A_35] : memref<10240xf32, #tpu.memory_space<vmem_shared>> -> memref<80xf32, #tpu.memory_space<vmem_shared>>
      tpu.wait_dma2 semaphore(%run_scoped3A : memref<!tpu.dma_semaphore, #tpu.memory_space<semaphore_mem>>) src(%arg8 : memref<80xf32, #tpu.memory_space<vmem>>) dst(%dma_wait3A_109 : memref<80xf32, #tpu.memory_space<vmem_shared>>)
      tpu.yield
    }) : () -> ()
    %add3A_36 = arith.constant 240 : i32
    %add3A_37 = arith.addi %mul3A_4, %add3A_36 : i32
    "tpu.region"() ({
      %run_scoped3A = tpu.sem_alloc : memref<!tpu.dma_semaphore, #tpu.memory_space<semaphore_mem>>
      %dma_start3A_106 = arith.constant 0 : i32
      %dma_start3A_107 = tpu.memref_slice %arg5[%add3A_37, %dma_start3A_106] : memref<10240x128xf32, #tpu.memory_space<vmem_shared>> -> memref<80x128xf32, #tpu.memory_space<vmem_shared>>
      %dma_start3A_108 = arith.constant 0 : i32
      %dma_start3A_109 = tpu.memref_slice %arg5[%add3A_37, %dma_start3A_108] : memref<10240x128xf32, #tpu.memory_space<vmem_shared>> -> memref<80x128xf32, #tpu.memory_space<vmem_shared>>
      tpu.enqueue_dma source(%arg9 : memref<80x128xf32, #tpu.memory_space<vmem>>) target(%dma_start3A_109 : memref<80x128xf32, #tpu.memory_space<vmem_shared>>) target_semaphore(%run_scoped3A : memref<!tpu.dma_semaphore, #tpu.memory_space<semaphore_mem>>)
      %dma_wait3A_110 = arith.constant 0 : i32
      %dma_wait3A_111 = tpu.memref_slice %arg5[%add3A_37, %dma_wait3A_110] : memref<10240x128xf32, #tpu.memory_space<vmem_shared>> -> memref<80x128xf32, #tpu.memory_space<vmem_shared>>
      %dma_wait3A_112 = arith.constant 0 : i32
      %dma_wait3A_113 = tpu.memref_slice %arg5[%add3A_37, %dma_wait3A_112] : memref<10240x128xf32, #tpu.memory_space<vmem_shared>> -> memref<80x128xf32, #tpu.memory_space<vmem_shared>>
      tpu.wait_dma2 semaphore(%run_scoped3A : memref<!tpu.dma_semaphore, #tpu.memory_space<semaphore_mem>>) src(%arg9 : memref<80x128xf32, #tpu.memory_space<vmem>>) dst(%dma_wait3A_113 : memref<80x128xf32, #tpu.memory_space<vmem_shared>>)
      tpu.yield
    }) : () -> ()
    %add3A_38 = arith.constant 240 : i32
    %add3A_39 = arith.addi %mul3A_4, %add3A_38 : i32
    "tpu.region"() ({
      %run_scoped3A = tpu.sem_alloc : memref<!tpu.dma_semaphore, #tpu.memory_space<semaphore_mem>>
      %dma_start3A_106 = tpu.memref_slice %arg6[%add3A_39] : memref<10240xf32, #tpu.memory_space<vmem_shared>> -> memref<80xf32, #tpu.memory_space<vmem_shared>>
      %dma_start3A_107 = tpu.memref_slice %arg6[%add3A_39] : memref<10240xf32, #tpu.memory_space<vmem_shared>> -> memref<80xf32, #tpu.memory_space<vmem_shared>>
      tpu.enqueue_dma source(%arg8 : memref<80xf32, #tpu.memory_space<vmem>>) target(%dma_start3A_107 : memref<80xf32, #tpu.memory_space<vmem_shared>>) target_semaphore(%run_scoped3A : memref<!tpu.dma_semaphore, #tpu.memory_space<semaphore_mem>>)
      %dma_wait3A_108 = tpu.memref_slice %arg6[%add3A_39] : memref<10240xf32, #tpu.memory_space<vmem_shared>> -> memref<80xf32, #tpu.memory_space<vmem_shared>>
      %dma_wait3A_109 = tpu.memref_slice %arg6[%add3A_39] : memref<10240xf32, #tpu.memory_space<vmem_shared>> -> memref<80xf32, #tpu.memory_space<vmem_shared>>
      tpu.wait_dma2 semaphore(%run_scoped3A : memref<!tpu.dma_semaphore, #tpu.memory_space<semaphore_mem>>) src(%arg8 : memref<80xf32, #tpu.memory_space<vmem>>) dst(%dma_wait3A_109 : memref<80xf32, #tpu.memory_space<vmem_shared>>)
      tpu.yield
    }) : () -> ()
    %add3A_40 = arith.constant 320 : i32
    %add3A_41 = arith.addi %mul3A_4, %add3A_40 : i32
    "tpu.region"() ({
      %run_scoped3A = tpu.sem_alloc : memref<!tpu.dma_semaphore, #tpu.memory_space<semaphore_mem>>
      %dma_start3A_106 = arith.constant 0 : i32
      %dma_start3A_107 = tpu.memref_slice %arg5[%add3A_41, %dma_start3A_106] : memref<10240x128xf32, #tpu.memory_space<vmem_shared>> -> memref<80x128xf32, #tpu.memory_space<vmem_shared>>
      %dma_start3A_108 = arith.constant 0 : i32
      %dma_start3A_109 = tpu.memref_slice %arg5[%add3A_41, %dma_start3A_108] : memref<10240x128xf32, #tpu.memory_space<vmem_shared>> -> memref<80x128xf32, #tpu.memory_space<vmem_shared>>
      tpu.enqueue_dma source(%arg9 : memref<80x128xf32, #tpu.memory_space<vmem>>) target(%dma_start3A_109 : memref<80x128xf32, #tpu.memory_space<vmem_shared>>) target_semaphore(%run_scoped3A : memref<!tpu.dma_semaphore, #tpu.memory_space<semaphore_mem>>)
      %dma_wait3A_110 = arith.constant 0 : i32
      %dma_wait3A_111 = tpu.memref_slice %arg5[%add3A_41, %dma_wait3A_110] : memref<10240x128xf32, #tpu.memory_space<vmem_shared>> -> memref<80x128xf32, #tpu.memory_space<vmem_shared>>
      %dma_wait3A_112 = arith.constant 0 : i32
      %dma_wait3A_113 = tpu.memref_slice %arg5[%add3A_41, %dma_wait3A_112] : memref<10240x128xf32, #tpu.memory_space<vmem_shared>> -> memref<80x128xf32, #tpu.memory_space<vmem_shared>>
      tpu.wait_dma2 semaphore(%run_scoped3A : memref<!tpu.dma_semaphore, #tpu.memory_space<semaphore_mem>>) src(%arg9 : memref<80x128xf32, #tpu.memory_space<vmem>>) dst(%dma_wait3A_113 : memref<80x128xf32, #tpu.memory_space<vmem_shared>>)
      tpu.yield
    }) : () -> ()
    %add3A_42 = arith.constant 320 : i32
    %add3A_43 = arith.addi %mul3A_4, %add3A_42 : i32
    "tpu.region"() ({
      %run_scoped3A = tpu.sem_alloc : memref<!tpu.dma_semaphore, #tpu.memory_space<semaphore_mem>>
      %dma_start3A_106 = tpu.memref_slice %arg6[%add3A_43] : memref<10240xf32, #tpu.memory_space<vmem_shared>> -> memref<80xf32, #tpu.memory_space<vmem_shared>>
      %dma_start3A_107 = tpu.memref_slice %arg6[%add3A_43] : memref<10240xf32, #tpu.memory_space<vmem_shared>> -> memref<80xf32, #tpu.memory_space<vmem_shared>>
      tpu.enqueue_dma source(%arg8 : memref<80xf32, #tpu.memory_space<vmem>>) target(%dma_start3A_107 : memref<80xf32, #tpu.memory_space<vmem_shared>>) target_semaphore(%run_scoped3A : memref<!tpu.dma_semaphore, #tpu.memory_space<semaphore_mem>>)
      %dma_wait3A_108 = tpu.memref_slice %arg6[%add3A_43] : memref<10240xf32, #tpu.memory_space<vmem_shared>> -> memref<80xf32, #tpu.memory_space<vmem_shared>>
      %dma_wait3A_109 = tpu.memref_slice %arg6[%add3A_43] : memref<10240xf32, #tpu.memory_space<vmem_shared>> -> memref<80xf32, #tpu.memory_space<vmem_shared>>
      tpu.wait_dma2 semaphore(%run_scoped3A : memref<!tpu.dma_semaphore, #tpu.memory_space<semaphore_mem>>) src(%arg8 : memref<80xf32, #tpu.memory_space<vmem>>) dst(%dma_wait3A_109 : memref<80xf32, #tpu.memory_space<vmem_shared>>)
      tpu.yield
    }) : () -> ()
    %add3A_44 = arith.constant 400 : i32
    %add3A_45 = arith.addi %mul3A_4, %add3A_44 : i32
    "tpu.region"() ({
      %run_scoped3A = tpu.sem_alloc : memref<!tpu.dma_semaphore, #tpu.memory_space<semaphore_mem>>
      %dma_start3A_106 = arith.constant 0 : i32
      %dma_start3A_107 = tpu.memref_slice %arg5[%add3A_45, %dma_start3A_106] : memref<10240x128xf32, #tpu.memory_space<vmem_shared>> -> memref<80x128xf32, #tpu.memory_space<vmem_shared>>
      %dma_start3A_108 = arith.constant 0 : i32
      %dma_start3A_109 = tpu.memref_slice %arg5[%add3A_45, %dma_start3A_108] : memref<10240x128xf32, #tpu.memory_space<vmem_shared>> -> memref<80x128xf32, #tpu.memory_space<vmem_shared>>
      tpu.enqueue_dma source(%arg9 : memref<80x128xf32, #tpu.memory_space<vmem>>) target(%dma_start3A_109 : memref<80x128xf32, #tpu.memory_space<vmem_shared>>) target_semaphore(%run_scoped3A : memref<!tpu.dma_semaphore, #tpu.memory_space<semaphore_mem>>)
      %dma_wait3A_110 = arith.constant 0 : i32
      %dma_wait3A_111 = tpu.memref_slice %arg5[%add3A_45, %dma_wait3A_110] : memref<10240x128xf32, #tpu.memory_space<vmem_shared>> -> memref<80x128xf32, #tpu.memory_space<vmem_shared>>
      %dma_wait3A_112 = arith.constant 0 : i32
      %dma_wait3A_113 = tpu.memref_slice %arg5[%add3A_45, %dma_wait3A_112] : memref<10240x128xf32, #tpu.memory_space<vmem_shared>> -> memref<80x128xf32, #tpu.memory_space<vmem_shared>>
      tpu.wait_dma2 semaphore(%run_scoped3A : memref<!tpu.dma_semaphore, #tpu.memory_space<semaphore_mem>>) src(%arg9 : memref<80x128xf32, #tpu.memory_space<vmem>>) dst(%dma_wait3A_113 : memref<80x128xf32, #tpu.memory_space<vmem_shared>>)
      tpu.yield
    }) : () -> ()
    %add3A_46 = arith.constant 400 : i32
    %add3A_47 = arith.addi %mul3A_4, %add3A_46 : i32
    "tpu.region"() ({
      %run_scoped3A = tpu.sem_alloc : memref<!tpu.dma_semaphore, #tpu.memory_space<semaphore_mem>>
      %dma_start3A_106 = tpu.memref_slice %arg6[%add3A_47] : memref<10240xf32, #tpu.memory_space<vmem_shared>> -> memref<80xf32, #tpu.memory_space<vmem_shared>>
      %dma_start3A_107 = tpu.memref_slice %arg6[%add3A_47] : memref<10240xf32, #tpu.memory_space<vmem_shared>> -> memref<80xf32, #tpu.memory_space<vmem_shared>>
      tpu.enqueue_dma source(%arg8 : memref<80xf32, #tpu.memory_space<vmem>>) target(%dma_start3A_107 : memref<80xf32, #tpu.memory_space<vmem_shared>>) target_semaphore(%run_scoped3A : memref<!tpu.dma_semaphore, #tpu.memory_space<semaphore_mem>>)
      %dma_wait3A_108 = tpu.memref_slice %arg6[%add3A_47] : memref<10240xf32, #tpu.memory_space<vmem_shared>> -> memref<80xf32, #tpu.memory_space<vmem_shared>>
      %dma_wait3A_109 = tpu.memref_slice %arg6[%add3A_47] : memref<10240xf32, #tpu.memory_space<vmem_shared>> -> memref<80xf32, #tpu.memory_space<vmem_shared>>
      tpu.wait_dma2 semaphore(%run_scoped3A : memref<!tpu.dma_semaphore, #tpu.memory_space<semaphore_mem>>) src(%arg8 : memref<80xf32, #tpu.memory_space<vmem>>) dst(%dma_wait3A_109 : memref<80xf32, #tpu.memory_space<vmem_shared>>)
      tpu.yield
    }) : () -> ()
    %add3A_48 = arith.constant 480 : i32
    %add3A_49 = arith.addi %mul3A_4, %add3A_48 : i32
    "tpu.region"() ({
      %run_scoped3A = tpu.sem_alloc : memref<!tpu.dma_semaphore, #tpu.memory_space<semaphore_mem>>
      %dma_start3A_106 = arith.constant 0 : i32
      %dma_start3A_107 = tpu.memref_slice %arg5[%add3A_49, %dma_start3A_106] : memref<10240x128xf32, #tpu.memory_space<vmem_shared>> -> memref<80x128xf32, #tpu.memory_space<vmem_shared>>
      %dma_start3A_108 = arith.constant 0 : i32
      %dma_start3A_109 = tpu.memref_slice %arg5[%add3A_49, %dma_start3A_108] : memref<10240x128xf32, #tpu.memory_space<vmem_shared>> -> memref<80x128xf32, #tpu.memory_space<vmem_shared>>
      tpu.enqueue_dma source(%arg9 : memref<80x128xf32, #tpu.memory_space<vmem>>) target(%dma_start3A_109 : memref<80x128xf32, #tpu.memory_space<vmem_shared>>) target_semaphore(%run_scoped3A : memref<!tpu.dma_semaphore, #tpu.memory_space<semaphore_mem>>)
      %dma_wait3A_110 = arith.constant 0 : i32
      %dma_wait3A_111 = tpu.memref_slice %arg5[%add3A_49, %dma_wait3A_110] : memref<10240x128xf32, #tpu.memory_space<vmem_shared>> -> memref<80x128xf32, #tpu.memory_space<vmem_shared>>
      %dma_wait3A_112 = arith.constant 0 : i32
      %dma_wait3A_113 = tpu.memref_slice %arg5[%add3A_49, %dma_wait3A_112] : memref<10240x128xf32, #tpu.memory_space<vmem_shared>> -> memref<80x128xf32, #tpu.memory_space<vmem_shared>>
      tpu.wait_dma2 semaphore(%run_scoped3A : memref<!tpu.dma_semaphore, #tpu.memory_space<semaphore_mem>>) src(%arg9 : memref<80x128xf32, #tpu.memory_space<vmem>>) dst(%dma_wait3A_113 : memref<80x128xf32, #tpu.memory_space<vmem_shared>>)
      tpu.yield
    }) : () -> ()
    %add3A_50 = arith.constant 480 : i32
    %add3A_51 = arith.addi %mul3A_4, %add3A_50 : i32
    "tpu.region"() ({
      %run_scoped3A = tpu.sem_alloc : memref<!tpu.dma_semaphore, #tpu.memory_space<semaphore_mem>>
      %dma_start3A_106 = tpu.memref_slice %arg6[%add3A_51] : memref<10240xf32, #tpu.memory_space<vmem_shared>> -> memref<80xf32, #tpu.memory_space<vmem_shared>>
      %dma_start3A_107 = tpu.memref_slice %arg6[%add3A_51] : memref<10240xf32, #tpu.memory_space<vmem_shared>> -> memref<80xf32, #tpu.memory_space<vmem_shared>>
      tpu.enqueue_dma source(%arg8 : memref<80xf32, #tpu.memory_space<vmem>>) target(%dma_start3A_107 : memref<80xf32, #tpu.memory_space<vmem_shared>>) target_semaphore(%run_scoped3A : memref<!tpu.dma_semaphore, #tpu.memory_space<semaphore_mem>>)
      %dma_wait3A_108 = tpu.memref_slice %arg6[%add3A_51] : memref<10240xf32, #tpu.memory_space<vmem_shared>> -> memref<80xf32, #tpu.memory_space<vmem_shared>>
      %dma_wait3A_109 = tpu.memref_slice %arg6[%add3A_51] : memref<10240xf32, #tpu.memory_space<vmem_shared>> -> memref<80xf32, #tpu.memory_space<vmem_shared>>
      tpu.wait_dma2 semaphore(%run_scoped3A : memref<!tpu.dma_semaphore, #tpu.memory_space<semaphore_mem>>) src(%arg8 : memref<80xf32, #tpu.memory_space<vmem>>) dst(%dma_wait3A_109 : memref<80xf32, #tpu.memory_space<vmem_shared>>)
      tpu.yield
    }) : () -> ()
    %add3A_52 = arith.constant 560 : i32
    %add3A_53 = arith.addi %mul3A_4, %add3A_52 : i32
    "tpu.region"() ({
      %run_scoped3A = tpu.sem_alloc : memref<!tpu.dma_semaphore, #tpu.memory_space<semaphore_mem>>
      %dma_start3A_106 = arith.constant 0 : i32
      %dma_start3A_107 = tpu.memref_slice %arg5[%add3A_53, %dma_start3A_106] : memref<10240x128xf32, #tpu.memory_space<vmem_shared>> -> memref<80x128xf32, #tpu.memory_space<vmem_shared>>
      %dma_start3A_108 = arith.constant 0 : i32
      %dma_start3A_109 = tpu.memref_slice %arg5[%add3A_53, %dma_start3A_108] : memref<10240x128xf32, #tpu.memory_space<vmem_shared>> -> memref<80x128xf32, #tpu.memory_space<vmem_shared>>
      tpu.enqueue_dma source(%arg9 : memref<80x128xf32, #tpu.memory_space<vmem>>) target(%dma_start3A_109 : memref<80x128xf32, #tpu.memory_space<vmem_shared>>) target_semaphore(%run_scoped3A : memref<!tpu.dma_semaphore, #tpu.memory_space<semaphore_mem>>)
      %dma_wait3A_110 = arith.constant 0 : i32
      %dma_wait3A_111 = tpu.memref_slice %arg5[%add3A_53, %dma_wait3A_110] : memref<10240x128xf32, #tpu.memory_space<vmem_shared>> -> memref<80x128xf32, #tpu.memory_space<vmem_shared>>
      %dma_wait3A_112 = arith.constant 0 : i32
      %dma_wait3A_113 = tpu.memref_slice %arg5[%add3A_53, %dma_wait3A_112] : memref<10240x128xf32, #tpu.memory_space<vmem_shared>> -> memref<80x128xf32, #tpu.memory_space<vmem_shared>>
      tpu.wait_dma2 semaphore(%run_scoped3A : memref<!tpu.dma_semaphore, #tpu.memory_space<semaphore_mem>>) src(%arg9 : memref<80x128xf32, #tpu.memory_space<vmem>>) dst(%dma_wait3A_113 : memref<80x128xf32, #tpu.memory_space<vmem_shared>>)
      tpu.yield
    }) : () -> ()
    %add3A_54 = arith.constant 560 : i32
    %add3A_55 = arith.addi %mul3A_4, %add3A_54 : i32
    "tpu.region"() ({
      %run_scoped3A = tpu.sem_alloc : memref<!tpu.dma_semaphore, #tpu.memory_space<semaphore_mem>>
      %dma_start3A_106 = tpu.memref_slice %arg6[%add3A_55] : memref<10240xf32, #tpu.memory_space<vmem_shared>> -> memref<80xf32, #tpu.memory_space<vmem_shared>>
      %dma_start3A_107 = tpu.memref_slice %arg6[%add3A_55] : memref<10240xf32, #tpu.memory_space<vmem_shared>> -> memref<80xf32, #tpu.memory_space<vmem_shared>>
      tpu.enqueue_dma source(%arg8 : memref<80xf32, #tpu.memory_space<vmem>>) target(%dma_start3A_107 : memref<80xf32, #tpu.memory_space<vmem_shared>>) target_semaphore(%run_scoped3A : memref<!tpu.dma_semaphore, #tpu.memory_space<semaphore_mem>>)
      %dma_wait3A_108 = tpu.memref_slice %arg6[%add3A_55] : memref<10240xf32, #tpu.memory_space<vmem_shared>> -> memref<80xf32, #tpu.memory_space<vmem_shared>>
      %dma_wait3A_109 = tpu.memref_slice %arg6[%add3A_55] : memref<10240xf32, #tpu.memory_space<vmem_shared>> -> memref<80xf32, #tpu.memory_space<vmem_shared>>
      tpu.wait_dma2 semaphore(%run_scoped3A : memref<!tpu.dma_semaphore, #tpu.memory_space<semaphore_mem>>) src(%arg8 : memref<80xf32, #tpu.memory_space<vmem>>) dst(%dma_wait3A_109 : memref<80xf32, #tpu.memory_space<vmem_shared>>)
      tpu.yield
    }) : () -> ()
    %barrier3A = arith.constant 0 : index
    tpu.barrier barrier_id(%barrier3A)
    %add3A_56 = arith.constant 0 : i32
    %add3A_57 = arith.addi %mul3A_2, %add3A_56 : i32
    %multiple_of3A = tpu.assume_multiple %add3A_57, 8 : i32
    %dma_start3A = tpu.memref_slice %arg3[%multiple_of3A] : memref<160000xi32, #tpu.memory_space<hbm>> -> memref<80xi32, #tpu.memory_space<hbm>>
    %dma_start3A_58 = tpu.memref_slice %arg3[%multiple_of3A] : memref<160000xi32, #tpu.memory_space<hbm>> -> memref<80xi32, #tpu.memory_space<hbm>>
    tpu.enqueue_dma source(%dma_start3A_58 : memref<80xi32, #tpu.memory_space<hbm>>) target(%arg13 : memref<80xi32, #tpu.memory_space<vmem>>) target_semaphore(%arg22 : memref<!tpu.dma_semaphore, #tpu.memory_space<semaphore_mem>>)
    %dma_start3A_59 = tpu.memref_slice %arg2[%multiple_of3A, %mul3A_0] : memref<160000x256xf32, #tpu.memory_space<hbm>> -> memref<80x128xf32, #tpu.memory_space<hbm>>
    %dma_start3A_60 = tpu.memref_slice %arg2[%multiple_of3A, %mul3A_0] : memref<160000x256xf32, #tpu.memory_space<hbm>> -> memref<80x128xf32, #tpu.memory_space<hbm>>
    tpu.enqueue_dma source(%dma_start3A_60 : memref<80x128xf32, #tpu.memory_space<hbm>>) target(%arg9 : memref<80x128xf32, #tpu.memory_space<vmem>>) target_semaphore(%arg17 : memref<!tpu.dma_semaphore, #tpu.memory_space<semaphore_mem>>)
    %add3A_61 = arith.constant 80 : i32
    %add3A_62 = arith.addi %mul3A_2, %add3A_61 : i32
    %multiple_of3A_63 = tpu.assume_multiple %add3A_62, 8 : i32
    %dma_start3A_64 = tpu.memref_slice %arg3[%multiple_of3A_63] : memref<160000xi32, #tpu.memory_space<hbm>> -> memref<80xi32, #tpu.memory_space<hbm>>
    %dma_start3A_65 = tpu.memref_slice %arg3[%multiple_of3A_63] : memref<160000xi32, #tpu.memory_space<hbm>> -> memref<80xi32, #tpu.memory_space<hbm>>
    tpu.enqueue_dma source(%dma_start3A_65 : memref<80xi32, #tpu.memory_space<hbm>>) target(%arg14 : memref<80xi32, #tpu.memory_space<vmem>>) target_semaphore(%arg23 : memref<!tpu.dma_semaphore, #tpu.memory_space<semaphore_mem>>)
    %dma_start3A_66 = tpu.memref_slice %arg2[%multiple_of3A_63, %mul3A_0] : memref<160000x256xf32, #tpu.memory_space<hbm>> -> memref<80x128xf32, #tpu.memory_space<hbm>>
    %dma_start3A_67 = tpu.memref_slice %arg2[%multiple_of3A_63, %mul3A_0] : memref<160000x256xf32, #tpu.memory_space<hbm>> -> memref<80x128xf32, #tpu.memory_space<hbm>>
    tpu.enqueue_dma source(%dma_start3A_67 : memref<80x128xf32, #tpu.memory_space<hbm>>) target(%arg10 : memref<80x128xf32, #tpu.memory_space<vmem>>) target_semaphore(%arg18 : memref<!tpu.dma_semaphore, #tpu.memory_space<semaphore_mem>>)
    %add3A_68 = arith.constant 160 : i32
    %add3A_69 = arith.addi %mul3A_2, %add3A_68 : i32
    %multiple_of3A_70 = tpu.assume_multiple %add3A_69, 8 : i32
    %dma_start3A_71 = tpu.memref_slice %arg3[%multiple_of3A_70] : memref<160000xi32, #tpu.memory_space<hbm>> -> memref<80xi32, #tpu.memory_space<hbm>>
    %dma_start3A_72 = tpu.memref_slice %arg3[%multiple_of3A_70] : memref<160000xi32, #tpu.memory_space<hbm>> -> memref<80xi32, #tpu.memory_space<hbm>>
    tpu.enqueue_dma source(%dma_start3A_72 : memref<80xi32, #tpu.memory_space<hbm>>) target(%arg15 : memref<80xi32, #tpu.memory_space<vmem>>) target_semaphore(%arg24 : memref<!tpu.dma_semaphore, #tpu.memory_space<semaphore_mem>>)
    %dma_start3A_73 = tpu.memref_slice %arg2[%multiple_of3A_70, %mul3A_0] : memref<160000x256xf32, #tpu.memory_space<hbm>> -> memref<80x128xf32, #tpu.memory_space<hbm>>
    %dma_start3A_74 = tpu.memref_slice %arg2[%multiple_of3A_70, %mul3A_0] : memref<160000x256xf32, #tpu.memory_space<hbm>> -> memref<80x128xf32, #tpu.memory_space<hbm>>
    tpu.enqueue_dma source(%dma_start3A_74 : memref<80x128xf32, #tpu.memory_space<hbm>>) target(%arg11 : memref<80x128xf32, #tpu.memory_space<vmem>>) target_semaphore(%arg19 : memref<!tpu.dma_semaphore, #tpu.memory_space<semaphore_mem>>)
    %add3A_75 = arith.constant 240 : i32
    %add3A_76 = arith.addi %mul3A_2, %add3A_75 : i32
    %multiple_of3A_77 = tpu.assume_multiple %add3A_76, 8 : i32
    %dma_start3A_78 = tpu.memref_slice %arg3[%multiple_of3A_77] : memref<160000xi32, #tpu.memory_space<hbm>> -> memref<80xi32, #tpu.memory_space<hbm>>
    %dma_start3A_79 = tpu.memref_slice %arg3[%multiple_of3A_77] : memref<160000xi32, #tpu.memory_space<hbm>> -> memref<80xi32, #tpu.memory_space<hbm>>
    tpu.enqueue_dma source(%dma_start3A_79 : memref<80xi32, #tpu.memory_space<hbm>>) target(%arg16 : memref<80xi32, #tpu.memory_space<vmem>>) target_semaphore(%arg25 : memref<!tpu.dma_semaphore, #tpu.memory_space<semaphore_mem>>)
    %dma_start3A_80 = tpu.memref_slice %arg2[%multiple_of3A_77, %mul3A_0] : memref<160000x256xf32, #tpu.memory_space<hbm>> -> memref<80x128xf32, #tpu.memory_space<hbm>>
    %dma_start3A_81 = tpu.memref_slice %arg2[%multiple_of3A_77, %mul3A_0] : memref<160000x256xf32, #tpu.memory_space<hbm>> -> memref<80x128xf32, #tpu.memory_space<hbm>>
    tpu.enqueue_dma source(%dma_start3A_81 : memref<80x128xf32, #tpu.memory_space<hbm>>) target(%arg12 : memref<80x128xf32, #tpu.memory_space<vmem>>) target_semaphore(%arg20 : memref<!tpu.dma_semaphore, #tpu.memory_space<semaphore_mem>>)
    %scan3A_82 = arith.constant 0 : i32
    %scan3A_83 = arith.constant 0 : i32
    %scan3A_84 = arith.constant 31 : i32
    %scan3A_85 = arith.addi %scan3A_83, %scan3A_84 : i32
    %scan3A_86 = arith.constant 1 : i32
    scf.for %scan3A_106 = %scan3A_83 to %scan3A_85 step %scan3A_86  : i32 {
      %dma_wait3A_107 = arith.constant 0 : i32
      %dma_wait3A_108 = tpu.memref_slice %arg3[%dma_wait3A_107] : memref<160000xi32, #tpu.memory_space<hbm>> -> memref<80xi32, #tpu.memory_space<hbm>>
      %dma_wait3A_109 = arith.constant 0 : i32
      %dma_wait3A_110 = tpu.memref_slice %arg3[%dma_wait3A_109] : memref<160000xi32, #tpu.memory_space<hbm>> -> memref<80xi32, #tpu.memory_space<hbm>>
      tpu.wait_dma2 semaphore(%arg22 : memref<!tpu.dma_semaphore, #tpu.memory_space<semaphore_mem>>) src(%dma_wait3A_110 : memref<80xi32, #tpu.memory_space<hbm>>) dst(%arg13 : memref<80xi32, #tpu.memory_space<vmem>>)
      %dma_wait3A_111 = arith.constant 0 : i32
      %dma_wait3A_112 = tpu.memref_slice %arg2[%dma_wait3A_111, %mul3A_0] : memref<160000x256xf32, #tpu.memory_space<hbm>> -> memref<80x128xf32, #tpu.memory_space<hbm>>
      %dma_wait3A_113 = arith.constant 0 : i32
      %dma_wait3A_114 = tpu.memref_slice %arg2[%dma_wait3A_113, %mul3A_0] : memref<160000x256xf32, #tpu.memory_space<hbm>> -> memref<80x128xf32, #tpu.memory_space<hbm>>
      tpu.wait_dma2 semaphore(%arg17 : memref<!tpu.dma_semaphore, #tpu.memory_space<semaphore_mem>>) src(%dma_wait3A_114 : memref<80x128xf32, #tpu.memory_space<hbm>>) dst(%arg9 : memref<80x128xf32, #tpu.memory_space<vmem>>)
      %dma_start3A_115 = arith.constant 0 : i32
      %dma_start3A_116 = tpu.memref_slice %arg6[%dma_start3A_115] : memref<10240xf32, #tpu.memory_space<vmem_shared>> -> memref<10240xf32, #tpu.memory_space<vmem_shared>>
      tpu.enqueue_indirect_dma source(%arg7 : memref<80xf32, #tpu.memory_space<vmem>>) target(%dma_start3A_116 : memref<10240xf32, #tpu.memory_space<vmem_shared>>) offsets(%arg13 : memref<80xi32, #tpu.memory_space<vmem>>) semaphore(%arg26 : memref<!tpu.dma_semaphore, #tpu.memory_space<semaphore_mem>>) {add = true}
      %dma_start3A_117 = arith.constant 0 : i32
      %dma_start3A_118 = arith.constant 0 : i32
      %dma_start3A_119 = tpu.memref_slice %arg5[%dma_start3A_117, %dma_start3A_118] : memref<10240x128xf32, #tpu.memory_space<vmem_shared>> -> memref<10240x128xf32, #tpu.memory_space<vmem_shared>>
      tpu.enqueue_indirect_dma source(%arg9 : memref<80x128xf32, #tpu.memory_space<vmem>>) target(%dma_start3A_119 : memref<10240x128xf32, #tpu.memory_space<vmem_shared>>) offsets(%arg13 : memref<80xi32, #tpu.memory_space<vmem>>) semaphore(%arg26 : memref<!tpu.dma_semaphore, #tpu.memory_space<semaphore_mem>>) {add = true}
      %dma_wait3A_120 = arith.constant 0 : i32
      %dma_wait3A_121 = tpu.memref_slice %arg3[%dma_wait3A_120] : memref<160000xi32, #tpu.memory_space<hbm>> -> memref<80xi32, #tpu.memory_space<hbm>>
      %dma_wait3A_122 = arith.constant 0 : i32
      %dma_wait3A_123 = tpu.memref_slice %arg3[%dma_wait3A_122] : memref<160000xi32, #tpu.memory_space<hbm>> -> memref<80xi32, #tpu.memory_space<hbm>>
      tpu.wait_dma2 semaphore(%arg23 : memref<!tpu.dma_semaphore, #tpu.memory_space<semaphore_mem>>) src(%dma_wait3A_123 : memref<80xi32, #tpu.memory_space<hbm>>) dst(%arg14 : memref<80xi32, #tpu.memory_space<vmem>>)
      %dma_wait3A_124 = arith.constant 0 : i32
      %dma_wait3A_125 = tpu.memref_slice %arg2[%dma_wait3A_124, %mul3A_0] : memref<160000x256xf32, #tpu.memory_space<hbm>> -> memref<80x128xf32, #tpu.memory_space<hbm>>
      %dma_wait3A_126 = arith.constant 0 : i32
      %dma_wait3A_127 = tpu.memref_slice %arg2[%dma_wait3A_126, %mul3A_0] : memref<160000x256xf32, #tpu.memory_space<hbm>> -> memref<80x128xf32, #tpu.memory_space<hbm>>
      tpu.wait_dma2 semaphore(%arg18 : memref<!tpu.dma_semaphore, #tpu.memory_space<semaphore_mem>>) src(%dma_wait3A_127 : memref<80x128xf32, #tpu.memory_space<hbm>>) dst(%arg10 : memref<80x128xf32, #tpu.memory_space<vmem>>)
      %dma_start3A_128 = arith.constant 0 : i32
      %dma_start3A_129 = tpu.memref_slice %arg6[%dma_start3A_128] : memref<10240xf32, #tpu.memory_space<vmem_shared>> -> memref<10240xf32, #tpu.memory_space<vmem_shared>>
      tpu.enqueue_indirect_dma source(%arg7 : memref<80xf32, #tpu.memory_space<vmem>>) target(%dma_start3A_129 : memref<10240xf32, #tpu.memory_space<vmem_shared>>) offsets(%arg14 : memref<80xi32, #tpu.memory_space<vmem>>) semaphore(%arg27 : memref<!tpu.dma_semaphore, #tpu.memory_space<semaphore_mem>>) {add = true}
      %dma_start3A_130 = arith.constant 0 : i32
      %dma_start3A_131 = arith.constant 0 : i32
      %dma_start3A_132 = tpu.memref_slice %arg5[%dma_start3A_130, %dma_start3A_131] : memref<10240x128xf32, #tpu.memory_space<vmem_shared>> -> memref<10240x128xf32, #tpu.memory_space<vmem_shared>>
      tpu.enqueue_indirect_dma source(%arg10 : memref<80x128xf32, #tpu.memory_space<vmem>>) target(%dma_start3A_132 : memref<10240x128xf32, #tpu.memory_space<vmem_shared>>) offsets(%arg14 : memref<80xi32, #tpu.memory_space<vmem>>) semaphore(%arg27 : memref<!tpu.dma_semaphore, #tpu.memory_space<semaphore_mem>>) {add = true}
      %dma_wait3A_133 = arith.constant 0 : i32
      %dma_wait3A_134 = tpu.memref_slice %arg3[%dma_wait3A_133] : memref<160000xi32, #tpu.memory_space<hbm>> -> memref<80xi32, #tpu.memory_space<hbm>>
      %dma_wait3A_135 = arith.constant 0 : i32
      %dma_wait3A_136 = tpu.memref_slice %arg3[%dma_wait3A_135] : memref<160000xi32, #tpu.memory_space<hbm>> -> memref<80xi32, #tpu.memory_space<hbm>>
      tpu.wait_dma2 semaphore(%arg24 : memref<!tpu.dma_semaphore, #tpu.memory_space<semaphore_mem>>) src(%dma_wait3A_136 : memref<80xi32, #tpu.memory_space<hbm>>) dst(%arg15 : memref<80xi32, #tpu.memory_space<vmem>>)
      %dma_wait3A_137 = arith.constant 0 : i32
      %dma_wait3A_138 = tpu.memref_slice %arg2[%dma_wait3A_137, %mul3A_0] : memref<160000x256xf32, #tpu.memory_space<hbm>> -> memref<80x128xf32, #tpu.memory_space<hbm>>
      %dma_wait3A_139 = arith.constant 0 : i32
      %dma_wait3A_140 = tpu.memref_slice %arg2[%dma_wait3A_139, %mul3A_0] : memref<160000x256xf32, #tpu.memory_space<hbm>> -> memref<80x128xf32, #tpu.memory_space<hbm>>
      tpu.wait_dma2 semaphore(%arg19 : memref<!tpu.dma_semaphore, #tpu.memory_space<semaphore_mem>>) src(%dma_wait3A_140 : memref<80x128xf32, #tpu.memory_space<hbm>>) dst(%arg11 : memref<80x128xf32, #tpu.memory_space<vmem>>)
      %dma_start3A_141 = arith.constant 0 : i32
      %dma_start3A_142 = tpu.memref_slice %arg6[%dma_start3A_141] : memref<10240xf32, #tpu.memory_space<vmem_shared>> -> memref<10240xf32, #tpu.memory_space<vmem_shared>>
      tpu.enqueue_indirect_dma source(%arg7 : memref<80xf32, #tpu.memory_space<vmem>>) target(%dma_start3A_142 : memref<10240xf32, #tpu.memory_space<vmem_shared>>) offsets(%arg15 : memref<80xi32, #tpu.memory_space<vmem>>) semaphore(%arg28 : memref<!tpu.dma_semaphore, #tpu.memory_space<semaphore_mem>>) {add = true}
      %dma_start3A_143 = arith.constant 0 : i32
      %dma_start3A_144 = arith.constant 0 : i32
      %dma_start3A_145 = tpu.memref_slice %arg5[%dma_start3A_143, %dma_start3A_144] : memref<10240x128xf32, #tpu.memory_space<vmem_shared>> -> memref<10240x128xf32, #tpu.memory_space<vmem_shared>>
      tpu.enqueue_indirect_dma source(%arg11 : memref<80x128xf32, #tpu.memory_space<vmem>>) target(%dma_start3A_145 : memref<10240x128xf32, #tpu.memory_space<vmem_shared>>) offsets(%arg15 : memref<80xi32, #tpu.memory_space<vmem>>) semaphore(%arg28 : memref<!tpu.dma_semaphore, #tpu.memory_space<semaphore_mem>>) {add = true}
      %dma_wait3A_146 = arith.constant 0 : i32
      %dma_wait3A_147 = tpu.memref_slice %arg3[%dma_wait3A_146] : memref<160000xi32, #tpu.memory_space<hbm>> -> memref<80xi32, #tpu.memory_space<hbm>>
      %dma_wait3A_148 = arith.constant 0 : i32
      %dma_wait3A_149 = tpu.memref_slice %arg3[%dma_wait3A_148] : memref<160000xi32, #tpu.memory_space<hbm>> -> memref<80xi32, #tpu.memory_space<hbm>>
      tpu.wait_dma2 semaphore(%arg25 : memref<!tpu.dma_semaphore, #tpu.memory_space<semaphore_mem>>) src(%dma_wait3A_149 : memref<80xi32, #tpu.memory_space<hbm>>) dst(%arg16 : memref<80xi32, #tpu.memory_space<vmem>>)
      %dma_wait3A_150 = arith.constant 0 : i32
      %dma_wait3A_151 = tpu.memref_slice %arg2[%dma_wait3A_150, %mul3A_0] : memref<160000x256xf32, #tpu.memory_space<hbm>> -> memref<80x128xf32, #tpu.memory_space<hbm>>
      %dma_wait3A_152 = arith.constant 0 : i32
      %dma_wait3A_153 = tpu.memref_slice %arg2[%dma_wait3A_152, %mul3A_0] : memref<160000x256xf32, #tpu.memory_space<hbm>> -> memref<80x128xf32, #tpu.memory_space<hbm>>
      tpu.wait_dma2 semaphore(%arg20 : memref<!tpu.dma_semaphore, #tpu.memory_space<semaphore_mem>>) src(%dma_wait3A_153 : memref<80x128xf32, #tpu.memory_space<hbm>>) dst(%arg12 : memref<80x128xf32, #tpu.memory_space<vmem>>)
      %dma_start3A_154 = arith.constant 0 : i32
      %dma_start3A_155 = tpu.memref_slice %arg6[%dma_start3A_154] : memref<10240xf32, #tpu.memory_space<vmem_shared>> -> memref<10240xf32, #tpu.memory_space<vmem_shared>>
      tpu.enqueue_indirect_dma source(%arg7 : memref<80xf32, #tpu.memory_space<vmem>>) target(%dma_start3A_155 : memref<10240xf32, #tpu.memory_space<vmem_shared>>) offsets(%arg16 : memref<80xi32, #tpu.memory_space<vmem>>) semaphore(%arg29 : memref<!tpu.dma_semaphore, #tpu.memory_space<semaphore_mem>>) {add = true}
      %dma_start3A_156 = arith.constant 0 : i32
      %dma_start3A_157 = arith.constant 0 : i32
      %dma_start3A_158 = tpu.memref_slice %arg5[%dma_start3A_156, %dma_start3A_157] : memref<10240x128xf32, #tpu.memory_space<vmem_shared>> -> memref<10240x128xf32, #tpu.memory_space<vmem_shared>>
      tpu.enqueue_indirect_dma source(%arg12 : memref<80x128xf32, #tpu.memory_space<vmem>>) target(%dma_start3A_158 : memref<10240x128xf32, #tpu.memory_space<vmem_shared>>) offsets(%arg16 : memref<80xi32, #tpu.memory_space<vmem>>) semaphore(%arg29 : memref<!tpu.dma_semaphore, #tpu.memory_space<semaphore_mem>>) {add = true}
      %mul3A_159 = arith.constant 4 : i32
      %mul3A_160 = arith.muli %mul3A_159, %scan3A_106 : i32
      %add3A_161 = arith.constant 0 : i32
      %add3A_162 = arith.addi %mul3A_160, %add3A_161 : i32
      %dma_wait3A_163 = arith.constant 0 : i32
      %dma_wait3A_164 = tpu.memref_slice %arg6[%dma_wait3A_163] : memref<10240xf32, #tpu.memory_space<vmem_shared>> -> memref<10240xf32, #tpu.memory_space<vmem_shared>>
      tpu.wait_indirect_dma semaphore(%arg26 : memref<!tpu.dma_semaphore, #tpu.memory_space<semaphore_mem>>) src(%arg7 : memref<80xf32, #tpu.memory_space<vmem>>) dst(%dma_wait3A_164 : memref<10240xf32, #tpu.memory_space<vmem_shared>>)
      %dma_wait3A_165 = arith.constant 0 : i32
      %dma_wait3A_166 = arith.constant 0 : i32
      %dma_wait3A_167 = tpu.memref_slice %arg5[%dma_wait3A_165, %dma_wait3A_166] : memref<10240x128xf32, #tpu.memory_space<vmem_shared>> -> memref<10240x128xf32, #tpu.memory_space<vmem_shared>>
      tpu.wait_indirect_dma semaphore(%arg26 : memref<!tpu.dma_semaphore, #tpu.memory_space<semaphore_mem>>) src(%arg9 : memref<80x128xf32, #tpu.memory_space<vmem>>) dst(%dma_wait3A_167 : memref<10240x128xf32, #tpu.memory_space<vmem_shared>>)
      %add3A_168 = arith.constant 4 : i32
      %add3A_169 = arith.addi %add3A_162, %add3A_168 : i32
      %lt3A = arith.constant 125 : i32
      %lt3A_170 = arith.cmpi slt, %add3A_169, %lt3A : i32
      %convert_element_type3A = arith.extui %lt3A_170 : i1 to i32
      %cond3A = arith.constant 0 : i32
      %cond3A_171 = arith.cmpi ne, %convert_element_type3A, %cond3A : i32
      scf.if %cond3A_171 {
        %add3A_220 = arith.constant 4 : i32
        %add3A_221 = arith.addi %add3A_162, %add3A_220 : i32
        %mul3A_222 = arith.constant 80 : i32
        %mul3A_223 = arith.muli %add3A_221, %mul3A_222 : i32
        %add3A_224 = arith.addi %mul3A_2, %mul3A_223 : i32
        %multiple_of3A_225 = tpu.assume_multiple %add3A_224, 8 : i32
        %dma_start3A_226 = tpu.memref_slice %arg3[%multiple_of3A_225] : memref<160000xi32, #tpu.memory_space<hbm>> -> memref<80xi32, #tpu.memory_space<hbm>>
        %dma_start3A_227 = tpu.memref_slice %arg3[%multiple_of3A_225] : memref<160000xi32, #tpu.memory_space<hbm>> -> memref<80xi32, #tpu.memory_space<hbm>>
        tpu.enqueue_dma source(%dma_start3A_227 : memref<80xi32, #tpu.memory_space<hbm>>) target(%arg13 : memref<80xi32, #tpu.memory_space<vmem>>) target_semaphore(%arg22 : memref<!tpu.dma_semaphore, #tpu.memory_space<semaphore_mem>>)
        %dma_start3A_228 = tpu.memref_slice %arg2[%multiple_of3A_225, %mul3A_0] : memref<160000x256xf32, #tpu.memory_space<hbm>> -> memref<80x128xf32, #tpu.memory_space<hbm>>
        %dma_start3A_229 = tpu.memref_slice %arg2[%multiple_of3A_225, %mul3A_0] : memref<160000x256xf32, #tpu.memory_space<hbm>> -> memref<80x128xf32, #tpu.memory_space<hbm>>
        tpu.enqueue_dma source(%dma_start3A_229 : memref<80x128xf32, #tpu.memory_space<hbm>>) target(%arg9 : memref<80x128xf32, #tpu.memory_space<vmem>>) target_semaphore(%arg17 : memref<!tpu.dma_semaphore, #tpu.memory_space<semaphore_mem>>)
      } else {
      }
      %mul3A_172 = arith.constant 4 : i32
      %mul3A_173 = arith.muli %mul3A_172, %scan3A_106 : i32
      %add3A_174 = arith.constant 1 : i32
      %add3A_175 = arith.addi %mul3A_173, %add3A_174 : i32
      %dma_wait3A_176 = arith.constant 0 : i32
      %dma_wait3A_177 = tpu.memref_slice %arg6[%dma_wait3A_176] : memref<10240xf32, #tpu.memory_space<vmem_shared>> -> memref<10240xf32, #tpu.memory_space<vmem_shared>>
      tpu.wait_indirect_dma semaphore(%arg27 : memref<!tpu.dma_semaphore, #tpu.memory_space<semaphore_mem>>) src(%arg7 : memref<80xf32, #tpu.memory_space<vmem>>) dst(%dma_wait3A_177 : memref<10240xf32, #tpu.memory_space<vmem_shared>>)
      %dma_wait3A_178 = arith.constant 0 : i32
      %dma_wait3A_179 = arith.constant 0 : i32
      %dma_wait3A_180 = tpu.memref_slice %arg5[%dma_wait3A_178, %dma_wait3A_179] : memref<10240x128xf32, #tpu.memory_space<vmem_shared>> -> memref<10240x128xf32, #tpu.memory_space<vmem_shared>>
      tpu.wait_indirect_dma semaphore(%arg27 : memref<!tpu.dma_semaphore, #tpu.memory_space<semaphore_mem>>) src(%arg10 : memref<80x128xf32, #tpu.memory_space<vmem>>) dst(%dma_wait3A_180 : memref<10240x128xf32, #tpu.memory_space<vmem_shared>>)
      %add3A_181 = arith.constant 4 : i32
      %add3A_182 = arith.addi %add3A_175, %add3A_181 : i32
      %lt3A_183 = arith.constant 125 : i32
      %lt3A_184 = arith.cmpi slt, %add3A_182, %lt3A_183 : i32
      %convert_element_type3A_185 = arith.extui %lt3A_184 : i1 to i32
      %cond3A_186 = arith.constant 0 : i32
      %cond3A_187 = arith.cmpi ne, %convert_element_type3A_185, %cond3A_186 : i32
      scf.if %cond3A_187 {
        %add3A_220 = arith.constant 4 : i32
        %add3A_221 = arith.addi %add3A_175, %add3A_220 : i32
        %mul3A_222 = arith.constant 80 : i32
        %mul3A_223 = arith.muli %add3A_221, %mul3A_222 : i32
        %add3A_224 = arith.addi %mul3A_2, %mul3A_223 : i32
        %multiple_of3A_225 = tpu.assume_multiple %add3A_224, 8 : i32
        %dma_start3A_226 = tpu.memref_slice %arg3[%multiple_of3A_225] : memref<160000xi32, #tpu.memory_space<hbm>> -> memref<80xi32, #tpu.memory_space<hbm>>
        %dma_start3A_227 = tpu.memref_slice %arg3[%multiple_of3A_225] : memref<160000xi32, #tpu.memory_space<hbm>> -> memref<80xi32, #tpu.memory_space<hbm>>
        tpu.enqueue_dma source(%dma_start3A_227 : memref<80xi32, #tpu.memory_space<hbm>>) target(%arg14 : memref<80xi32, #tpu.memory_space<vmem>>) target_semaphore(%arg23 : memref<!tpu.dma_semaphore, #tpu.memory_space<semaphore_mem>>)
        %dma_start3A_228 = tpu.memref_slice %arg2[%multiple_of3A_225, %mul3A_0] : memref<160000x256xf32, #tpu.memory_space<hbm>> -> memref<80x128xf32, #tpu.memory_space<hbm>>
        %dma_start3A_229 = tpu.memref_slice %arg2[%multiple_of3A_225, %mul3A_0] : memref<160000x256xf32, #tpu.memory_space<hbm>> -> memref<80x128xf32, #tpu.memory_space<hbm>>
        tpu.enqueue_dma source(%dma_start3A_229 : memref<80x128xf32, #tpu.memory_space<hbm>>) target(%arg10 : memref<80x128xf32, #tpu.memory_space<vmem>>) target_semaphore(%arg18 : memref<!tpu.dma_semaphore, #tpu.memory_space<semaphore_mem>>)
      } else {
      }
      %mul3A_188 = arith.constant 4 : i32
      %mul3A_189 = arith.muli %mul3A_188, %scan3A_106 : i32
      %add3A_190 = arith.constant 2 : i32
      %add3A_191 = arith.addi %mul3A_189, %add3A_190 : i32
      %dma_wait3A_192 = arith.constant 0 : i32
      %dma_wait3A_193 = tpu.memref_slice %arg6[%dma_wait3A_192] : memref<10240xf32, #tpu.memory_space<vmem_shared>> -> memref<10240xf32, #tpu.memory_space<vmem_shared>>
      tpu.wait_indirect_dma semaphore(%arg28 : memref<!tpu.dma_semaphore, #tpu.memory_space<semaphore_mem>>) src(%arg7 : memref<80xf32, #tpu.memory_space<vmem>>) dst(%dma_wait3A_193 : memref<10240xf32, #tpu.memory_space<vmem_shared>>)
      %dma_wait3A_194 = arith.constant 0 : i32
      %dma_wait3A_195 = arith.constant 0 : i32
      %dma_wait3A_196 = tpu.memref_slice %arg5[%dma_wait3A_194, %dma_wait3A_195] : memref<10240x128xf32, #tpu.memory_space<vmem_shared>> -> memref<10240x128xf32, #tpu.memory_space<vmem_shared>>
      tpu.wait_indirect_dma semaphore(%arg28 : memref<!tpu.dma_semaphore, #tpu.memory_space<semaphore_mem>>) src(%arg11 : memref<80x128xf32, #tpu.memory_space<vmem>>) dst(%dma_wait3A_196 : memref<10240x128xf32, #tpu.memory_space<vmem_shared>>)
      %add3A_197 = arith.constant 4 : i32
      %add3A_198 = arith.addi %add3A_191, %add3A_197 : i32
      %lt3A_199 = arith.constant 125 : i32
      %lt3A_200 = arith.cmpi slt, %add3A_198, %lt3A_199 : i32
      %convert_element_type3A_201 = arith.extui %lt3A_200 : i1 to i32
      %cond3A_202 = arith.constant 0 : i32
      %cond3A_203 = arith.cmpi ne, %convert_element_type3A_201, %cond3A_202 : i32
      scf.if %cond3A_203 {
        %add3A_220 = arith.constant 4 : i32
        %add3A_221 = arith.addi %add3A_191, %add3A_220 : i32
        %mul3A_222 = arith.constant 80 : i32
        %mul3A_223 = arith.muli %add3A_221, %mul3A_222 : i32
        %add3A_224 = arith.addi %mul3A_2, %mul3A_223 : i32
        %multiple_of3A_225 = tpu.assume_multiple %add3A_224, 8 : i32
        %dma_start3A_226 = tpu.memref_slice %arg3[%multiple_of3A_225] : memref<160000xi32, #tpu.memory_space<hbm>> -> memref<80xi32, #tpu.memory_space<hbm>>
        %dma_start3A_227 = tpu.memref_slice %arg3[%multiple_of3A_225] : memref<160000xi32, #tpu.memory_space<hbm>> -> memref<80xi32, #tpu.memory_space<hbm>>
        tpu.enqueue_dma source(%dma_start3A_227 : memref<80xi32, #tpu.memory_space<hbm>>) target(%arg15 : memref<80xi32, #tpu.memory_space<vmem>>) target_semaphore(%arg24 : memref<!tpu.dma_semaphore, #tpu.memory_space<semaphore_mem>>)
        %dma_start3A_228 = tpu.memref_slice %arg2[%multiple_of3A_225, %mul3A_0] : memref<160000x256xf32, #tpu.memory_space<hbm>> -> memref<80x128xf32, #tpu.memory_space<hbm>>
        %dma_start3A_229 = tpu.memref_slice %arg2[%multiple_of3A_225, %mul3A_0] : memref<160000x256xf32, #tpu.memory_space<hbm>> -> memref<80x128xf32, #tpu.memory_space<hbm>>
        tpu.enqueue_dma source(%dma_start3A_229 : memref<80x128xf32, #tpu.memory_space<hbm>>) target(%arg11 : memref<80x128xf32, #tpu.memory_space<vmem>>) target_semaphore(%arg19 : memref<!tpu.dma_semaphore, #tpu.memory_space<semaphore_mem>>)
      } else {
      }
      %mul3A_204 = arith.constant 4 : i32
      %mul3A_205 = arith.muli %mul3A_204, %scan3A_106 : i32
      %add3A_206 = arith.constant 3 : i32
      %add3A_207 = arith.addi %mul3A_205, %add3A_206 : i32
      %dma_wait3A_208 = arith.constant 0 : i32
      %dma_wait3A_209 = tpu.memref_slice %arg6[%dma_wait3A_208] : memref<10240xf32, #tpu.memory_space<vmem_shared>> -> memref<10240xf32, #tpu.memory_space<vmem_shared>>
      tpu.wait_indirect_dma semaphore(%arg29 : memref<!tpu.dma_semaphore, #tpu.memory_space<semaphore_mem>>) src(%arg7 : memref<80xf32, #tpu.memory_space<vmem>>) dst(%dma_wait3A_209 : memref<10240xf32, #tpu.memory_space<vmem_shared>>)
      %dma_wait3A_210 = arith.constant 0 : i32
      %dma_wait3A_211 = arith.constant 0 : i32
      %dma_wait3A_212 = tpu.memref_slice %arg5[%dma_wait3A_210, %dma_wait3A_211] : memref<10240x128xf32, #tpu.memory_space<vmem_shared>> -> memref<10240x128xf32, #tpu.memory_space<vmem_shared>>
      tpu.wait_indirect_dma semaphore(%arg29 : memref<!tpu.dma_semaphore, #tpu.memory_space<semaphore_mem>>) src(%arg12 : memref<80x128xf32, #tpu.memory_space<vmem>>) dst(%dma_wait3A_212 : memref<10240x128xf32, #tpu.memory_space<vmem_shared>>)
      %add3A_213 = arith.constant 4 : i32
      %add3A_214 = arith.addi %add3A_207, %add3A_213 : i32
      %lt3A_215 = arith.constant 125 : i32
      %lt3A_216 = arith.cmpi slt, %add3A_214, %lt3A_215 : i32
      %convert_element_type3A_217 = arith.extui %lt3A_216 : i1 to i32
      %cond3A_218 = arith.constant 0 : i32
      %cond3A_219 = arith.cmpi ne, %convert_element_type3A_217, %cond3A_218 : i32
      scf.if %cond3A_219 {
        %add3A_220 = arith.constant 4 : i32
        %add3A_221 = arith.addi %add3A_207, %add3A_220 : i32
        %mul3A_222 = arith.constant 80 : i32
        %mul3A_223 = arith.muli %add3A_221, %mul3A_222 : i32
        %add3A_224 = arith.addi %mul3A_2, %mul3A_223 : i32
        %multiple_of3A_225 = tpu.assume_multiple %add3A_224, 8 : i32
        %dma_start3A_226 = tpu.memref_slice %arg3[%multiple_of3A_225] : memref<160000xi32, #tpu.memory_space<hbm>> -> memref<80xi32, #tpu.memory_space<hbm>>
        %dma_start3A_227 = tpu.memref_slice %arg3[%multiple_of3A_225] : memref<160000xi32, #tpu.memory_space<hbm>> -> memref<80xi32, #tpu.memory_space<hbm>>
        tpu.enqueue_dma source(%dma_start3A_227 : memref<80xi32, #tpu.memory_space<hbm>>) target(%arg16 : memref<80xi32, #tpu.memory_space<vmem>>) target_semaphore(%arg25 : memref<!tpu.dma_semaphore, #tpu.memory_space<semaphore_mem>>)
        %dma_start3A_228 = tpu.memref_slice %arg2[%multiple_of3A_225, %mul3A_0] : memref<160000x256xf32, #tpu.memory_space<hbm>> -> memref<80x128xf32, #tpu.memory_space<hbm>>
        %dma_start3A_229 = tpu.memref_slice %arg2[%multiple_of3A_225, %mul3A_0] : memref<160000x256xf32, #tpu.memory_space<hbm>> -> memref<80x128xf32, #tpu.memory_space<hbm>>
        tpu.enqueue_dma source(%dma_start3A_229 : memref<80x128xf32, #tpu.memory_space<hbm>>) target(%arg12 : memref<80x128xf32, #tpu.memory_space<vmem>>) target_semaphore(%arg20 : memref<!tpu.dma_semaphore, #tpu.memory_space<semaphore_mem>>)
      } else {
      }
    }
    %scan3A_87 = arith.constant 31 : i32
    %dma_wait3A = arith.constant 0 : i32
    %dma_wait3A_88 = tpu.memref_slice %arg3[%dma_wait3A] : memref<160000xi32, #tpu.memory_space<hbm>> -> memref<80xi32, #tpu.memory_space<hbm>>
    %dma_wait3A_89 = arith.constant 0 : i32
    %dma_wait3A_90 = tpu.memref_slice %arg3[%dma_wait3A_89] : memref<160000xi32, #tpu.memory_space<hbm>> -> memref<80xi32, #tpu.memory_space<hbm>>
    tpu.wait_dma2 semaphore(%arg22 : memref<!tpu.dma_semaphore, #tpu.memory_space<semaphore_mem>>) src(%dma_wait3A_90 : memref<80xi32, #tpu.memory_space<hbm>>) dst(%arg13 : memref<80xi32, #tpu.memory_space<vmem>>)
    %dma_wait3A_91 = arith.constant 0 : i32
    %dma_wait3A_92 = tpu.memref_slice %arg2[%dma_wait3A_91, %mul3A_0] : memref<160000x256xf32, #tpu.memory_space<hbm>> -> memref<80x128xf32, #tpu.memory_space<hbm>>
    %dma_wait3A_93 = arith.constant 0 : i32
    %dma_wait3A_94 = tpu.memref_slice %arg2[%dma_wait3A_93, %mul3A_0] : memref<160000x256xf32, #tpu.memory_space<hbm>> -> memref<80x128xf32, #tpu.memory_space<hbm>>
    tpu.wait_dma2 semaphore(%arg17 : memref<!tpu.dma_semaphore, #tpu.memory_space<semaphore_mem>>) src(%dma_wait3A_94 : memref<80x128xf32, #tpu.memory_space<hbm>>) dst(%arg9 : memref<80x128xf32, #tpu.memory_space<vmem>>)
    %dma_start3A_95 = arith.constant 0 : i32
    %dma_start3A_96 = tpu.memref_slice %arg6[%dma_start3A_95] : memref<10240xf32, #tpu.memory_space<vmem_shared>> -> memref<10240xf32, #tpu.memory_space<vmem_shared>>
    tpu.enqueue_indirect_dma source(%arg7 : memref<80xf32, #tpu.memory_space<vmem>>) target(%dma_start3A_96 : memref<10240xf32, #tpu.memory_space<vmem_shared>>) offsets(%arg13 : memref<80xi32, #tpu.memory_space<vmem>>) semaphore(%arg21 : memref<!tpu.dma_semaphore, #tpu.memory_space<semaphore_mem>>) {add = true}
    "tpu.region"() ({
      %run_scoped3A = tpu.sem_alloc : memref<!tpu.dma_semaphore, #tpu.memory_space<semaphore_mem>>
      %dma_start3A_106 = arith.constant 0 : i32
      %dma_start3A_107 = arith.constant 0 : i32
      %dma_start3A_108 = tpu.memref_slice %arg5[%dma_start3A_106, %dma_start3A_107] : memref<10240x128xf32, #tpu.memory_space<vmem_shared>> -> memref<10240x128xf32, #tpu.memory_space<vmem_shared>>
      tpu.enqueue_indirect_dma source(%arg9 : memref<80x128xf32, #tpu.memory_space<vmem>>) target(%dma_start3A_108 : memref<10240x128xf32, #tpu.memory_space<vmem_shared>>) offsets(%arg13 : memref<80xi32, #tpu.memory_space<vmem>>) semaphore(%run_scoped3A : memref<!tpu.dma_semaphore, #tpu.memory_space<semaphore_mem>>) {add = true}
      %dma_wait3A_109 = arith.constant 0 : i32
      %dma_wait3A_110 = arith.constant 0 : i32
      %dma_wait3A_111 = tpu.memref_slice %arg5[%dma_wait3A_109, %dma_wait3A_110] : memref<10240x128xf32, #tpu.memory_space<vmem_shared>> -> memref<10240x128xf32, #tpu.memory_space<vmem_shared>>
      tpu.wait_indirect_dma semaphore(%run_scoped3A : memref<!tpu.dma_semaphore, #tpu.memory_space<semaphore_mem>>) src(%arg9 : memref<80x128xf32, #tpu.memory_space<vmem>>) dst(%dma_wait3A_111 : memref<10240x128xf32, #tpu.memory_space<vmem_shared>>)
      tpu.yield
    }) : () -> ()
    %dma_wait3A_97 = arith.constant 0 : i32
    %dma_wait3A_98 = tpu.memref_slice %arg6[%dma_wait3A_97] : memref<10240xf32, #tpu.memory_space<vmem_shared>> -> memref<10240xf32, #tpu.memory_space<vmem_shared>>
    tpu.wait_indirect_dma semaphore(%arg21 : memref<!tpu.dma_semaphore, #tpu.memory_space<semaphore_mem>>) src(%arg7 : memref<80xf32, #tpu.memory_space<vmem>>) dst(%dma_wait3A_98 : memref<10240xf32, #tpu.memory_space<vmem_shared>>)
    %barrier3A_99 = arith.constant 0 : index
    tpu.barrier barrier_id(%barrier3A_99)
    %scan3A_100 = arith.constant 0 : i32
    %scan3A_101 = arith.constant 0 : i32
    %scan3A_102 = arith.constant 8 : i32
    %scan3A_103 = arith.addi %scan3A_101, %scan3A_102 : i32
    %scan3A_104 = arith.constant 1 : i32
    scf.for %scan3A_106 = %scan3A_101 to %scan3A_103 step %scan3A_104  : i32 {
      %mul3A_107 = arith.constant 80 : i32
      %mul3A_108 = arith.muli %scan3A_106, %mul3A_107 : i32
      %add3A_109 = arith.addi %mul3A_4, %mul3A_108 : i32
      "tpu.region"() ({
        %run_scoped3A = tpu.sem_alloc : memref<!tpu.dma_semaphore, #tpu.memory_space<semaphore_mem>>
        %dma_start3A_116 = arith.constant 0 : i32
        %dma_start3A_117 = tpu.memref_slice %arg5[%add3A_109, %dma_start3A_116] : memref<10240x128xf32, #tpu.memory_space<vmem_shared>> -> memref<80x128xf32, #tpu.memory_space<vmem_shared>>
        %dma_start3A_118 = arith.constant 0 : i32
        %dma_start3A_119 = tpu.memref_slice %arg5[%add3A_109, %dma_start3A_118] : memref<10240x128xf32, #tpu.memory_space<vmem_shared>> -> memref<80x128xf32, #tpu.memory_space<vmem_shared>>
        tpu.enqueue_dma source(%dma_start3A_119 : memref<80x128xf32, #tpu.memory_space<vmem_shared>>) target(%arg9 : memref<80x128xf32, #tpu.memory_space<vmem>>) target_semaphore(%run_scoped3A : memref<!tpu.dma_semaphore, #tpu.memory_space<semaphore_mem>>)
        %dma_wait3A_120 = arith.constant 0 : i32
        %dma_wait3A_121 = tpu.memref_slice %arg5[%add3A_109, %dma_wait3A_120] : memref<10240x128xf32, #tpu.memory_space<vmem_shared>> -> memref<80x128xf32, #tpu.memory_space<vmem_shared>>
        %dma_wait3A_122 = arith.constant 0 : i32
        %dma_wait3A_123 = tpu.memref_slice %arg5[%add3A_109, %dma_wait3A_122] : memref<10240x128xf32, #tpu.memory_space<vmem_shared>> -> memref<80x128xf32, #tpu.memory_space<vmem_shared>>
        tpu.wait_dma2 semaphore(%run_scoped3A : memref<!tpu.dma_semaphore, #tpu.memory_space<semaphore_mem>>) src(%dma_wait3A_123 : memref<80x128xf32, #tpu.memory_space<vmem_shared>>) dst(%arg9 : memref<80x128xf32, #tpu.memory_space<vmem>>)
        tpu.yield
      }) : () -> ()
      "tpu.region"() ({
        %run_scoped3A = tpu.sem_alloc : memref<!tpu.dma_semaphore, #tpu.memory_space<semaphore_mem>>
        %dma_start3A_116 = tpu.memref_slice %arg6[%add3A_109] : memref<10240xf32, #tpu.memory_space<vmem_shared>> -> memref<80xf32, #tpu.memory_space<vmem_shared>>
        %dma_start3A_117 = tpu.memref_slice %arg6[%add3A_109] : memref<10240xf32, #tpu.memory_space<vmem_shared>> -> memref<80xf32, #tpu.memory_space<vmem_shared>>
        tpu.enqueue_dma source(%dma_start3A_117 : memref<80xf32, #tpu.memory_space<vmem_shared>>) target(%arg8 : memref<80xf32, #tpu.memory_space<vmem>>) target_semaphore(%run_scoped3A : memref<!tpu.dma_semaphore, #tpu.memory_space<semaphore_mem>>)
        %dma_wait3A_118 = tpu.memref_slice %arg6[%add3A_109] : memref<10240xf32, #tpu.memory_space<vmem_shared>> -> memref<80xf32, #tpu.memory_space<vmem_shared>>
        %dma_wait3A_119 = tpu.memref_slice %arg6[%add3A_109] : memref<10240xf32, #tpu.memory_space<vmem_shared>> -> memref<80xf32, #tpu.memory_space<vmem_shared>>
        tpu.wait_dma2 semaphore(%run_scoped3A : memref<!tpu.dma_semaphore, #tpu.memory_space<semaphore_mem>>) src(%dma_wait3A_119 : memref<80xf32, #tpu.memory_space<vmem_shared>>) dst(%arg8 : memref<80xf32, #tpu.memory_space<vmem>>)
        tpu.yield
      }) : () -> ()
      %scan3A_110 = arith.constant 0 : i32
      %scan3A_111 = arith.constant 0 : i32
      %scan3A_112 = arith.constant 5 : i32
      %scan3A_113 = arith.addi %scan3A_111, %scan3A_112 : i32
      %scan3A_114 = arith.constant 1 : i32
      scf.for %scan3A_116 = %scan3A_111 to %scan3A_113 step %scan3A_114  : i32 {
        %mul3A_117 = arith.constant 16 : i32
        %mul3A_118 = arith.muli %scan3A_116, %mul3A_117 : i32
        %get3A = arith.index_cast %mul3A_118 : i32 to index
        %get3A_119 = tpu.vector_load %arg8[%get3A] {strides = array<i32>} : memref<80xf32, #tpu.memory_space<vmem>>, vector<16xf32>,
        %get3A_120 = vector.shape_cast %get3A_119 : vector<16xf32> to vector<16xf32>
        %max3A = arith.constant 1.000000e+00 : f32
        %max3A_121 = vector.broadcast %max3A : f32 to vector<16xf32>
        %max3A_122 = arith.maximumf %get3A_120, %max3A_121 : vector<16xf32>
        %broadcast_in_dim3A_123 = arith.constant 1.000000e+00 : f32
        %broadcast_in_dim3A_124 = vector.broadcast %broadcast_in_dim3A_123 : f32 to vector<16xf32>
        %div3A = arith.divf %broadcast_in_dim3A_124, %max3A_122 : vector<16xf32>
        %slice3A = vector.extract_strided_slice %div3A {offsets = [0], sizes = [1], strides = [1]} : vector<16xf32> to vector<1xf32>
        %squeeze3A = vector.extract %slice3A[0] : f32 from vector<1xf32>
        %broadcast_in_dim3A_125 = vector.broadcast %squeeze3A : f32 to vector<16xf32>
        %mul3A_126 = arith.constant 16 : i32
        %mul3A_127 = arith.muli %scan3A_116, %mul3A_126 : i32
        %add3A_128 = arith.constant 0 : i32
        %add3A_129 = arith.addi %mul3A_127, %add3A_128 : i32
        %get3A_130 = arith.index_cast %add3A_129 : i32 to index
        %get3A_131 = arith.constant 0 : index
        %get3A_132 = tpu.vector_load %arg9[%get3A_130, %get3A_131] {strides = array<i32>} : memref<80x128xf32, #tpu.memory_space<vmem>>, vector<1x16xf32>,
        %get3A_133 = vector.shape_cast %get3A_132 : vector<1x16xf32> to vector<16xf32>
        %mul3A_134 = arith.mulf %get3A_133, %broadcast_in_dim3A_125 : vector<16xf32>
        %swap3A = arith.index_cast %add3A_129 : i32 to index
        %swap3A_135 = arith.constant 0 : index
        %swap3A_136 = tpu.vector_load %arg9[%swap3A, %swap3A_135] {strides = array<i32>} : memref<80x128xf32, #tpu.memory_space<vmem>>, vector<1x16xf32>,
        %swap3A_137 = vector.shape_cast %swap3A_136 : vector<1x16xf32> to vector<16xf32>
        %swap3A_138 = vector.shape_cast %mul3A_134 : vector<16xf32> to vector<1x16xf32>
        tpu.vector_store %arg9[%swap3A, %swap3A_135], %swap3A_138 {strides = array<i32>} : memref<80x128xf32, #tpu.memory_space<vmem>>, vector<1x16xf32>,
        %get3A_139 = arith.index_cast %add3A_129 : i32 to index
        %get3A_140 = arith.constant 16 : index
        %get3A_141 = tpu.vector_load %arg9[%get3A_139, %get3A_140] {strides = array<i32>} : memref<80x128xf32, #tpu.memory_space<vmem>>, vector<1x16xf32>,
        %get3A_142 = vector.shape_cast %get3A_141 : vector<1x16xf32> to vector<16xf32>
        %mul3A_143 = arith.mulf %get3A_142, %broadcast_in_dim3A_125 : vector<16xf32>
        %swap3A_144 = arith.index_cast %add3A_129 : i32 to index
        %swap3A_145 = arith.constant 16 : index
        %swap3A_146 = tpu.vector_load %arg9[%swap3A_144, %swap3A_145] {strides = array<i32>} : memref<80x128xf32, #tpu.memory_space<vmem>>, vector<1x16xf32>,
        %swap3A_147 = vector.shape_cast %swap3A_146 : vector<1x16xf32> to vector<16xf32>
        %swap3A_148 = vector.shape_cast %mul3A_143 : vector<16xf32> to vector<1x16xf32>
        tpu.vector_store %arg9[%swap3A_144, %swap3A_145], %swap3A_148 {strides = array<i32>} : memref<80x128xf32, #tpu.memory_space<vmem>>, vector<1x16xf32>,
        %get3A_149 = arith.index_cast %add3A_129 : i32 to index
        %get3A_150 = arith.constant 32 : index
        %get3A_151 = tpu.vector_load %arg9[%get3A_149, %get3A_150] {strides = array<i32>} : memref<80x128xf32, #tpu.memory_space<vmem>>, vector<1x16xf32>,
        %get3A_152 = vector.shape_cast %get3A_151 : vector<1x16xf32> to vector<16xf32>
        %mul3A_153 = arith.mulf %get3A_152, %broadcast_in_dim3A_125 : vector<16xf32>
        %swap3A_154 = arith.index_cast %add3A_129 : i32 to index
        %swap3A_155 = arith.constant 32 : index
        %swap3A_156 = tpu.vector_load %arg9[%swap3A_154, %swap3A_155] {strides = array<i32>} : memref<80x128xf32, #tpu.memory_space<vmem>>, vector<1x16xf32>,
        %swap3A_157 = vector.shape_cast %swap3A_156 : vector<1x16xf32> to vector<16xf32>
        %swap3A_158 = vector.shape_cast %mul3A_153 : vector<16xf32> to vector<1x16xf32>
        tpu.vector_store %arg9[%swap3A_154, %swap3A_155], %swap3A_158 {strides = array<i32>} : memref<80x128xf32, #tpu.memory_space<vmem>>, vector<1x16xf32>,
        %get3A_159 = arith.index_cast %add3A_129 : i32 to index
        %get3A_160 = arith.constant 48 : index
        %get3A_161 = tpu.vector_load %arg9[%get3A_159, %get3A_160] {strides = array<i32>} : memref<80x128xf32, #tpu.memory_space<vmem>>, vector<1x16xf32>,
        %get3A_162 = vector.shape_cast %get3A_161 : vector<1x16xf32> to vector<16xf32>
        %mul3A_163 = arith.mulf %get3A_162, %broadcast_in_dim3A_125 : vector<16xf32>
        %swap3A_164 = arith.index_cast %add3A_129 : i32 to index
        %swap3A_165 = arith.constant 48 : index
        %swap3A_166 = tpu.vector_load %arg9[%swap3A_164, %swap3A_165] {strides = array<i32>} : memref<80x128xf32, #tpu.memory_space<vmem>>, vector<1x16xf32>,
        %swap3A_167 = vector.shape_cast %swap3A_166 : vector<1x16xf32> to vector<16xf32>
        %swap3A_168 = vector.shape_cast %mul3A_163 : vector<16xf32> to vector<1x16xf32>
        tpu.vector_store %arg9[%swap3A_164, %swap3A_165], %swap3A_168 {strides = array<i32>} : memref<80x128xf32, #tpu.memory_space<vmem>>, vector<1x16xf32>,
        %get3A_169 = arith.index_cast %add3A_129 : i32 to index
        %get3A_170 = arith.constant 64 : index
        %get3A_171 = tpu.vector_load %arg9[%get3A_169, %get3A_170] {strides = array<i32>} : memref<80x128xf32, #tpu.memory_space<vmem>>, vector<1x16xf32>,
        %get3A_172 = vector.shape_cast %get3A_171 : vector<1x16xf32> to vector<16xf32>
        %mul3A_173 = arith.mulf %get3A_172, %broadcast_in_dim3A_125 : vector<16xf32>
        %swap3A_174 = arith.index_cast %add3A_129 : i32 to index
        %swap3A_175 = arith.constant 64 : index
        %swap3A_176 = tpu.vector_load %arg9[%swap3A_174, %swap3A_175] {strides = array<i32>} : memref<80x128xf32, #tpu.memory_space<vmem>>, vector<1x16xf32>,
        %swap3A_177 = vector.shape_cast %swap3A_176 : vector<1x16xf32> to vector<16xf32>
        %swap3A_178 = vector.shape_cast %mul3A_173 : vector<16xf32> to vector<1x16xf32>
        tpu.vector_store %arg9[%swap3A_174, %swap3A_175], %swap3A_178 {strides = array<i32>} : memref<80x128xf32, #tpu.memory_space<vmem>>, vector<1x16xf32>,
        %get3A_179 = arith.index_cast %add3A_129 : i32 to index
        %get3A_180 = arith.constant 80 : index
        %get3A_181 = tpu.vector_load %arg9[%get3A_179, %get3A_180] {strides = array<i32>} : memref<80x128xf32, #tpu.memory_space<vmem>>, vector<1x16xf32>,
        %get3A_182 = vector.shape_cast %get3A_181 : vector<1x16xf32> to vector<16xf32>
        %mul3A_183 = arith.mulf %get3A_182, %broadcast_in_dim3A_125 : vector<16xf32>
        %swap3A_184 = arith.index_cast %add3A_129 : i32 to index
        %swap3A_185 = arith.constant 80 : index
        %swap3A_186 = tpu.vector_load %arg9[%swap3A_184, %swap3A_185] {strides = array<i32>} : memref<80x128xf32, #tpu.memory_space<vmem>>, vector<1x16xf32>,
        %swap3A_187 = vector.shape_cast %swap3A_186 : vector<1x16xf32> to vector<16xf32>
        %swap3A_188 = vector.shape_cast %mul3A_183 : vector<16xf32> to vector<1x16xf32>
        tpu.vector_store %arg9[%swap3A_184, %swap3A_185], %swap3A_188 {strides = array<i32>} : memref<80x128xf32, #tpu.memory_space<vmem>>, vector<1x16xf32>,
        %get3A_189 = arith.index_cast %add3A_129 : i32 to index
        %get3A_190 = arith.constant 96 : index
        %get3A_191 = tpu.vector_load %arg9[%get3A_189, %get3A_190] {strides = array<i32>} : memref<80x128xf32, #tpu.memory_space<vmem>>, vector<1x16xf32>,
        %get3A_192 = vector.shape_cast %get3A_191 : vector<1x16xf32> to vector<16xf32>
        %mul3A_193 = arith.mulf %get3A_192, %broadcast_in_dim3A_125 : vector<16xf32>
        %swap3A_194 = arith.index_cast %add3A_129 : i32 to index
        %swap3A_195 = arith.constant 96 : index
        %swap3A_196 = tpu.vector_load %arg9[%swap3A_194, %swap3A_195] {strides = array<i32>} : memref<80x128xf32, #tpu.memory_space<vmem>>, vector<1x16xf32>,
        %swap3A_197 = vector.shape_cast %swap3A_196 : vector<1x16xf32> to vector<16xf32>
        %swap3A_198 = vector.shape_cast %mul3A_193 : vector<16xf32> to vector<1x16xf32>
        tpu.vector_store %arg9[%swap3A_194, %swap3A_195], %swap3A_198 {strides = array<i32>} : memref<80x128xf32, #tpu.memory_space<vmem>>, vector<1x16xf32>,
        %get3A_199 = arith.index_cast %add3A_129 : i32 to index
        %get3A_200 = arith.constant 112 : index
        %get3A_201 = tpu.vector_load %arg9[%get3A_199, %get3A_200] {strides = array<i32>} : memref<80x128xf32, #tpu.memory_space<vmem>>, vector<1x16xf32>,
        %get3A_202 = vector.shape_cast %get3A_201 : vector<1x16xf32> to vector<16xf32>
        %mul3A_203 = arith.mulf %get3A_202, %broadcast_in_dim3A_125 : vector<16xf32>
        %swap3A_204 = arith.index_cast %add3A_129 : i32 to index
        %swap3A_205 = arith.constant 112 : index
        %swap3A_206 = tpu.vector_load %arg9[%swap3A_204, %swap3A_205] {strides = array<i32>} : memref<80x128xf32, #tpu.memory_space<vmem>>, vector<1x16xf32>,
        %swap3A_207 = vector.shape_cast %swap3A_206 : vector<1x16xf32> to vector<16xf32>
        %swap3A_208 = vector.shape_cast %mul3A_203 : vector<16xf32> to vector<1x16xf32>
        tpu.vector_store %arg9[%swap3A_204, %swap3A_205], %swap3A_208 {strides = array<i32>} : memref<80x128xf32, #tpu.memory_space<vmem>>, vector<1x16xf32>,
        %slice3A_209 = vector.extract_strided_slice %div3A {offsets = [1], sizes = [1], strides = [1]} : vector<16xf32> to vector<1xf32>
        %squeeze3A_210 = vector.extract %slice3A_209[0] : f32 from vector<1xf32>
        %broadcast_in_dim3A_211 = vector.broadcast %squeeze3A_210 : f32 to vector<16xf32>
        %mul3A_212 = arith.constant 16 : i32
        %mul3A_213 = arith.muli %scan3A_116, %mul3A_212 : i32
        %add3A_214 = arith.constant 1 : i32
        %add3A_215 = arith.addi %mul3A_213, %add3A_214 : i32
        %get3A_216 = arith.index_cast %add3A_215 : i32 to index
        %get3A_217 = arith.constant 0 : index
        %get3A_218 = tpu.vector_load %arg9[%get3A_216, %get3A_217] {strides = array<i32>} : memref<80x128xf32, #tpu.memory_space<vmem>>, vector<1x16xf32>,
        %get3A_219 = vector.shape_cast %get3A_218 : vector<1x16xf32> to vector<16xf32>
        %mul3A_220 = arith.mulf %get3A_219, %broadcast_in_dim3A_211 : vector<16xf32>
        %swap3A_221 = arith.index_cast %add3A_215 : i32 to index
        %swap3A_222 = arith.constant 0 : index
        %swap3A_223 = tpu.vector_load %arg9[%swap3A_221, %swap3A_222] {strides = array<i32>} : memref<80x128xf32, #tpu.memory_space<vmem>>, vector<1x16xf32>,
        %swap3A_224 = vector.shape_cast %swap3A_223 : vector<1x16xf32> to vector<16xf32>
        %swap3A_225 = vector.shape_cast %mul3A_220 : vector<16xf32> to vector<1x16xf32>
        tpu.vector_store %arg9[%swap3A_221, %swap3A_222], %swap3A_225 {strides = array<i32>} : memref<80x128xf32, #tpu.memory_space<vmem>>, vector<1x16xf32>,
        %get3A_226 = arith.index_cast %add3A_215 : i32 to index
        %get3A_227 = arith.constant 16 : index
        %get3A_228 = tpu.vector_load %arg9[%get3A_226, %get3A_227] {strides = array<i32>} : memref<80x128xf32, #tpu.memory_space<vmem>>, vector<1x16xf32>,
        %get3A_229 = vector.shape_cast %get3A_228 : vector<1x16xf32> to vector<16xf32>
        %mul3A_230 = arith.mulf %get3A_229, %broadcast_in_dim3A_211 : vector<16xf32>
        %swap3A_231 = arith.index_cast %add3A_215 : i32 to index
        %swap3A_232 = arith.constant 16 : index
        %swap3A_233 = tpu.vector_load %arg9[%swap3A_231, %swap3A_232] {strides = array<i32>} : memref<80x128xf32, #tpu.memory_space<vmem>>, vector<1x16xf32>,
        %swap3A_234 = vector.shape_cast %swap3A_233 : vector<1x16xf32> to vector<16xf32>
        %swap3A_235 = vector.shape_cast %mul3A_230 : vector<16xf32> to vector<1x16xf32>
        tpu.vector_store %arg9[%swap3A_231, %swap3A_232], %swap3A_235 {strides = array<i32>} : memref<80x128xf32, #tpu.memory_space<vmem>>, vector<1x16xf32>,
        %get3A_236 = arith.index_cast %add3A_215 : i32 to index
        %get3A_237 = arith.constant 32 : index
        %get3A_238 = tpu.vector_load %arg9[%get3A_236, %get3A_237] {strides = array<i32>} : memref<80x128xf32, #tpu.memory_space<vmem>>, vector<1x16xf32>,
        %get3A_239 = vector.shape_cast %get3A_238 : vector<1x16xf32> to vector<16xf32>
        %mul3A_240 = arith.mulf %get3A_239, %broadcast_in_dim3A_211 : vector<16xf32>
        %swap3A_241 = arith.index_cast %add3A_215 : i32 to index
        %swap3A_242 = arith.constant 32 : index
        %swap3A_243 = tpu.vector_load %arg9[%swap3A_241, %swap3A_242] {strides = array<i32>} : memref<80x128xf32, #tpu.memory_space<vmem>>, vector<1x16xf32>,
        %swap3A_244 = vector.shape_cast %swap3A_243 : vector<1x16xf32> to vector<16xf32>
        %swap3A_245 = vector.shape_cast %mul3A_240 : vector<16xf32> to vector<1x16xf32>
        tpu.vector_store %arg9[%swap3A_241, %swap3A_242], %swap3A_245 {strides = array<i32>} : memref<80x128xf32, #tpu.memory_space<vmem>>, vector<1x16xf32>,
        %get3A_246 = arith.index_cast %add3A_215 : i32 to index
        %get3A_247 = arith.constant 48 : index
        %get3A_248 = tpu.vector_load %arg9[%get3A_246, %get3A_247] {strides = array<i32>} : memref<80x128xf32, #tpu.memory_space<vmem>>, vector<1x16xf32>,
        %get3A_249 = vector.shape_cast %get3A_248 : vector<1x16xf32> to vector<16xf32>
        %mul3A_250 = arith.mulf %get3A_249, %broadcast_in_dim3A_211 : vector<16xf32>
        %swap3A_251 = arith.index_cast %add3A_215 : i32 to index
        %swap3A_252 = arith.constant 48 : index
        %swap3A_253 = tpu.vector_load %arg9[%swap3A_251, %swap3A_252] {strides = array<i32>} : memref<80x128xf32, #tpu.memory_space<vmem>>, vector<1x16xf32>,
        %swap3A_254 = vector.shape_cast %swap3A_253 : vector<1x16xf32> to vector<16xf32>
        %swap3A_255 = vector.shape_cast %mul3A_250 : vector<16xf32> to vector<1x16xf32>
        tpu.vector_store %arg9[%swap3A_251, %swap3A_252], %swap3A_255 {strides = array<i32>} : memref<80x128xf32, #tpu.memory_space<vmem>>, vector<1x16xf32>,
        %get3A_256 = arith.index_cast %add3A_215 : i32 to index
        %get3A_257 = arith.constant 64 : index
        %get3A_258 = tpu.vector_load %arg9[%get3A_256, %get3A_257] {strides = array<i32>} : memref<80x128xf32, #tpu.memory_space<vmem>>, vector<1x16xf32>,
        %get3A_259 = vector.shape_cast %get3A_258 : vector<1x16xf32> to vector<16xf32>
        %mul3A_260 = arith.mulf %get3A_259, %broadcast_in_dim3A_211 : vector<16xf32>
        %swap3A_261 = arith.index_cast %add3A_215 : i32 to index
        %swap3A_262 = arith.constant 64 : index
        %swap3A_263 = tpu.vector_load %arg9[%swap3A_261, %swap3A_262] {strides = array<i32>} : memref<80x128xf32, #tpu.memory_space<vmem>>, vector<1x16xf32>,
        %swap3A_264 = vector.shape_cast %swap3A_263 : vector<1x16xf32> to vector<16xf32>
        %swap3A_265 = vector.shape_cast %mul3A_260 : vector<16xf32> to vector<1x16xf32>
        tpu.vector_store %arg9[%swap3A_261, %swap3A_262], %swap3A_265 {strides = array<i32>} : memref<80x128xf32, #tpu.memory_space<vmem>>, vector<1x16xf32>,
        %get3A_266 = arith.index_cast %add3A_215 : i32 to index
        %get3A_267 = arith.constant 80 : index
        %get3A_268 = tpu.vector_load %arg9[%get3A_266, %get3A_267] {strides = array<i32>} : memref<80x128xf32, #tpu.memory_space<vmem>>, vector<1x16xf32>,
        %get3A_269 = vector.shape_cast %get3A_268 : vector<1x16xf32> to vector<16xf32>
        %mul3A_270 = arith.mulf %get3A_269, %broadcast_in_dim3A_211 : vector<16xf32>
        %swap3A_271 = arith.index_cast %add3A_215 : i32 to index
        %swap3A_272 = arith.constant 80 : index
        %swap3A_273 = tpu.vector_load %arg9[%swap3A_271, %swap3A_272] {strides = array<i32>} : memref<80x128xf32, #tpu.memory_space<vmem>>, vector<1x16xf32>,
        %swap3A_274 = vector.shape_cast %swap3A_273 : vector<1x16xf32> to vector<16xf32>
        %swap3A_275 = vector.shape_cast %mul3A_270 : vector<16xf32> to vector<1x16xf32>
        tpu.vector_store %arg9[%swap3A_271, %swap3A_272], %swap3A_275 {strides = array<i32>} : memref<80x128xf32, #tpu.memory_space<vmem>>, vector<1x16xf32>,
        %get3A_276 = arith.index_cast %add3A_215 : i32 to index
        %get3A_277 = arith.constant 96 : index
        %get3A_278 = tpu.vector_load %arg9[%get3A_276, %get3A_277] {strides = array<i32>} : memref<80x128xf32, #tpu.memory_space<vmem>>, vector<1x16xf32>,
        %get3A_279 = vector.shape_cast %get3A_278 : vector<1x16xf32> to vector<16xf32>
        %mul3A_280 = arith.mulf %get3A_279, %broadcast_in_dim3A_211 : vector<16xf32>
        %swap3A_281 = arith.index_cast %add3A_215 : i32 to index
        %swap3A_282 = arith.constant 96 : index
        %swap3A_283 = tpu.vector_load %arg9[%swap3A_281, %swap3A_282] {strides = array<i32>} : memref<80x128xf32, #tpu.memory_space<vmem>>, vector<1x16xf32>,
        %swap3A_284 = vector.shape_cast %swap3A_283 : vector<1x16xf32> to vector<16xf32>
        %swap3A_285 = vector.shape_cast %mul3A_280 : vector<16xf32> to vector<1x16xf32>
        tpu.vector_store %arg9[%swap3A_281, %swap3A_282], %swap3A_285 {strides = array<i32>} : memref<80x128xf32, #tpu.memory_space<vmem>>, vector<1x16xf32>,
        %get3A_286 = arith.index_cast %add3A_215 : i32 to index
        %get3A_287 = arith.constant 112 : index
        %get3A_288 = tpu.vector_load %arg9[%get3A_286, %get3A_287] {strides = array<i32>} : memref<80x128xf32, #tpu.memory_space<vmem>>, vector<1x16xf32>,
        %get3A_289 = vector.shape_cast %get3A_288 : vector<1x16xf32> to vector<16xf32>
        %mul3A_290 = arith.mulf %get3A_289, %broadcast_in_dim3A_211 : vector<16xf32>
        %swap3A_291 = arith.index_cast %add3A_215 : i32 to index
        %swap3A_292 = arith.constant 112 : index
        %swap3A_293 = tpu.vector_load %arg9[%swap3A_291, %swap3A_292] {strides = array<i32>} : memref<80x128xf32, #tpu.memory_space<vmem>>, vector<1x16xf32>,
        %swap3A_294 = vector.shape_cast %swap3A_293 : vector<1x16xf32> to vector<16xf32>
        %swap3A_295 = vector.shape_cast %mul3A_290 : vector<16xf32> to vector<1x16xf32>
        tpu.vector_store %arg9[%swap3A_291, %swap3A_292], %swap3A_295 {strides = array<i32>} : memref<80x128xf32, #tpu.memory_space<vmem>>, vector<1x16xf32>,
        %slice3A_296 = vector.extract_strided_slice %div3A {offsets = [2], sizes = [1], strides = [1]} : vector<16xf32> to vector<1xf32>
        %squeeze3A_297 = vector.extract %slice3A_296[0] : f32 from vector<1xf32>
        %broadcast_in_dim3A_298 = vector.broadcast %squeeze3A_297 : f32 to vector<16xf32>
        %mul3A_299 = arith.constant 16 : i32
        %mul3A_300 = arith.muli %scan3A_116, %mul3A_299 : i32
        %add3A_301 = arith.constant 2 : i32
        %add3A_302 = arith.addi %mul3A_300, %add3A_301 : i32
        %get3A_303 = arith.index_cast %add3A_302 : i32 to index
        %get3A_304 = arith.constant 0 : index
        %get3A_305 = tpu.vector_load %arg9[%get3A_303, %get3A_304] {strides = array<i32>} : memref<80x128xf32, #tpu.memory_space<vmem>>, vector<1x16xf32>,
        %get3A_306 = vector.shape_cast %get3A_305 : vector<1x16xf32> to vector<16xf32>
        %mul3A_307 = arith.mulf %get3A_306, %broadcast_in_dim3A_298 : vector<16xf32>
        %swap3A_308 = arith.index_cast %add3A_302 : i32 to index
        %swap3A_309 = arith.constant 0 : index
        %swap3A_310 = tpu.vector_load %arg9[%swap3A_308, %swap3A_309] {strides = array<i32>} : memref<80x128xf32, #tpu.memory_space<vmem>>, vector<1x16xf32>,
        %swap3A_311 = vector.shape_cast %swap3A_310 : vector<1x16xf32> to vector<16xf32>
        %swap3A_312 = vector.shape_cast %mul3A_307 : vector<16xf32> to vector<1x16xf32>
        tpu.vector_store %arg9[%swap3A_308, %swap3A_309], %swap3A_312 {strides = array<i32>} : memref<80x128xf32, #tpu.memory_space<vmem>>, vector<1x16xf32>,
        %get3A_313 = arith.index_cast %add3A_302 : i32 to index
        %get3A_314 = arith.constant 16 : index
        %get3A_315 = tpu.vector_load %arg9[%get3A_313, %get3A_314] {strides = array<i32>} : memref<80x128xf32, #tpu.memory_space<vmem>>, vector<1x16xf32>,
        %get3A_316 = vector.shape_cast %get3A_315 : vector<1x16xf32> to vector<16xf32>
        %mul3A_317 = arith.mulf %get3A_316, %broadcast_in_dim3A_298 : vector<16xf32>
        %swap3A_318 = arith.index_cast %add3A_302 : i32 to index
        %swap3A_319 = arith.constant 16 : index
        %swap3A_320 = tpu.vector_load %arg9[%swap3A_318, %swap3A_319] {strides = array<i32>} : memref<80x128xf32, #tpu.memory_space<vmem>>, vector<1x16xf32>,
        %swap3A_321 = vector.shape_cast %swap3A_320 : vector<1x16xf32> to vector<16xf32>
        %swap3A_322 = vector.shape_cast %mul3A_317 : vector<16xf32> to vector<1x16xf32>
        tpu.vector_store %arg9[%swap3A_318, %swap3A_319], %swap3A_322 {strides = array<i32>} : memref<80x128xf32, #tpu.memory_space<vmem>>, vector<1x16xf32>,
        %get3A_323 = arith.index_cast %add3A_302 : i32 to index
        %get3A_324 = arith.constant 32 : index
        %get3A_325 = tpu.vector_load %arg9[%get3A_323, %get3A_324] {strides = array<i32>} : memref<80x128xf32, #tpu.memory_space<vmem>>, vector<1x16xf32>,
        %get3A_326 = vector.shape_cast %get3A_325 : vector<1x16xf32> to vector<16xf32>
        %mul3A_327 = arith.mulf %get3A_326, %broadcast_in_dim3A_298 : vector<16xf32>
        %swap3A_328 = arith.index_cast %add3A_302 : i32 to index
        %swap3A_329 = arith.constant 32 : index
        %swap3A_330 = tpu.vector_load %arg9[%swap3A_328, %swap3A_329] {strides = array<i32>} : memref<80x128xf32, #tpu.memory_space<vmem>>, vector<1x16xf32>,
        %swap3A_331 = vector.shape_cast %swap3A_330 : vector<1x16xf32> to vector<16xf32>
        %swap3A_332 = vector.shape_cast %mul3A_327 : vector<16xf32> to vector<1x16xf32>
        tpu.vector_store %arg9[%swap3A_328, %swap3A_329], %swap3A_332 {strides = array<i32>} : memref<80x128xf32, #tpu.memory_space<vmem>>, vector<1x16xf32>,
        %get3A_333 = arith.index_cast %add3A_302 : i32 to index
        %get3A_334 = arith.constant 48 : index
        %get3A_335 = tpu.vector_load %arg9[%get3A_333, %get3A_334] {strides = array<i32>} : memref<80x128xf32, #tpu.memory_space<vmem>>, vector<1x16xf32>,
        %get3A_336 = vector.shape_cast %get3A_335 : vector<1x16xf32> to vector<16xf32>
        %mul3A_337 = arith.mulf %get3A_336, %broadcast_in_dim3A_298 : vector<16xf32>
        %swap3A_338 = arith.index_cast %add3A_302 : i32 to index
        %swap3A_339 = arith.constant 48 : index
        %swap3A_340 = tpu.vector_load %arg9[%swap3A_338, %swap3A_339] {strides = array<i32>} : memref<80x128xf32, #tpu.memory_space<vmem>>, vector<1x16xf32>,
        %swap3A_341 = vector.shape_cast %swap3A_340 : vector<1x16xf32> to vector<16xf32>
        %swap3A_342 = vector.shape_cast %mul3A_337 : vector<16xf32> to vector<1x16xf32>
        tpu.vector_store %arg9[%swap3A_338, %swap3A_339], %swap3A_342 {strides = array<i32>} : memref<80x128xf32, #tpu.memory_space<vmem>>, vector<1x16xf32>,
        %get3A_343 = arith.index_cast %add3A_302 : i32 to index
        %get3A_344 = arith.constant 64 : index
        %get3A_345 = tpu.vector_load %arg9[%get3A_343, %get3A_344] {strides = array<i32>} : memref<80x128xf32, #tpu.memory_space<vmem>>, vector<1x16xf32>,
        %get3A_346 = vector.shape_cast %get3A_345 : vector<1x16xf32> to vector<16xf32>
        %mul3A_347 = arith.mulf %get3A_346, %broadcast_in_dim3A_298 : vector<16xf32>
        %swap3A_348 = arith.index_cast %add3A_302 : i32 to index
        %swap3A_349 = arith.constant 64 : index
        %swap3A_350 = tpu.vector_load %arg9[%swap3A_348, %swap3A_349] {strides = array<i32>} : memref<80x128xf32, #tpu.memory_space<vmem>>, vector<1x16xf32>,
        %swap3A_351 = vector.shape_cast %swap3A_350 : vector<1x16xf32> to vector<16xf32>
        %swap3A_352 = vector.shape_cast %mul3A_347 : vector<16xf32> to vector<1x16xf32>
        tpu.vector_store %arg9[%swap3A_348, %swap3A_349], %swap3A_352 {strides = array<i32>} : memref<80x128xf32, #tpu.memory_space<vmem>>, vector<1x16xf32>,
        %get3A_353 = arith.index_cast %add3A_302 : i32 to index
        %get3A_354 = arith.constant 80 : index
        %get3A_355 = tpu.vector_load %arg9[%get3A_353, %get3A_354] {strides = array<i32>} : memref<80x128xf32, #tpu.memory_space<vmem>>, vector<1x16xf32>,
        %get3A_356 = vector.shape_cast %get3A_355 : vector<1x16xf32> to vector<16xf32>
        %mul3A_357 = arith.mulf %get3A_356, %broadcast_in_dim3A_298 : vector<16xf32>
        %swap3A_358 = arith.index_cast %add3A_302 : i32 to index
        %swap3A_359 = arith.constant 80 : index
        %swap3A_360 = tpu.vector_load %arg9[%swap3A_358, %swap3A_359] {strides = array<i32>} : memref<80x128xf32, #tpu.memory_space<vmem>>, vector<1x16xf32>,
        %swap3A_361 = vector.shape_cast %swap3A_360 : vector<1x16xf32> to vector<16xf32>
        %swap3A_362 = vector.shape_cast %mul3A_357 : vector<16xf32> to vector<1x16xf32>
        tpu.vector_store %arg9[%swap3A_358, %swap3A_359], %swap3A_362 {strides = array<i32>} : memref<80x128xf32, #tpu.memory_space<vmem>>, vector<1x16xf32>,
        %get3A_363 = arith.index_cast %add3A_302 : i32 to index
        %get3A_364 = arith.constant 96 : index
        %get3A_365 = tpu.vector_load %arg9[%get3A_363, %get3A_364] {strides = array<i32>} : memref<80x128xf32, #tpu.memory_space<vmem>>, vector<1x16xf32>,
        %get3A_366 = vector.shape_cast %get3A_365 : vector<1x16xf32> to vector<16xf32>
        %mul3A_367 = arith.mulf %get3A_366, %broadcast_in_dim3A_298 : vector<16xf32>
        %swap3A_368 = arith.index_cast %add3A_302 : i32 to index
        %swap3A_369 = arith.constant 96 : index
        %swap3A_370 = tpu.vector_load %arg9[%swap3A_368, %swap3A_369] {strides = array<i32>} : memref<80x128xf32, #tpu.memory_space<vmem>>, vector<1x16xf32>,
        %swap3A_371 = vector.shape_cast %swap3A_370 : vector<1x16xf32> to vector<16xf32>
        %swap3A_372 = vector.shape_cast %mul3A_367 : vector<16xf32> to vector<1x16xf32>
        tpu.vector_store %arg9[%swap3A_368, %swap3A_369], %swap3A_372 {strides = array<i32>} : memref<80x128xf32, #tpu.memory_space<vmem>>, vector<1x16xf32>,
        %get3A_373 = arith.index_cast %add3A_302 : i32 to index
        %get3A_374 = arith.constant 112 : index
        %get3A_375 = tpu.vector_load %arg9[%get3A_373, %get3A_374] {strides = array<i32>} : memref<80x128xf32, #tpu.memory_space<vmem>>, vector<1x16xf32>,
        %get3A_376 = vector.shape_cast %get3A_375 : vector<1x16xf32> to vector<16xf32>
        %mul3A_377 = arith.mulf %get3A_376, %broadcast_in_dim3A_298 : vector<16xf32>
        %swap3A_378 = arith.index_cast %add3A_302 : i32 to index
        %swap3A_379 = arith.constant 112 : index
        %swap3A_380 = tpu.vector_load %arg9[%swap3A_378, %swap3A_379] {strides = array<i32>} : memref<80x128xf32, #tpu.memory_space<vmem>>, vector<1x16xf32>,
        %swap3A_381 = vector.shape_cast %swap3A_380 : vector<1x16xf32> to vector<16xf32>
        %swap3A_382 = vector.shape_cast %mul3A_377 : vector<16xf32> to vector<1x16xf32>
        tpu.vector_store %arg9[%swap3A_378, %swap3A_379], %swap3A_382 {strides = array<i32>} : memref<80x128xf32, #tpu.memory_space<vmem>>, vector<1x16xf32>,
        %slice3A_383 = vector.extract_strided_slice %div3A {offsets = [3], sizes = [1], strides = [1]} : vector<16xf32> to vector<1xf32>
        %squeeze3A_384 = vector.extract %slice3A_383[0] : f32 from vector<1xf32>
        %broadcast_in_dim3A_385 = vector.broadcast %squeeze3A_384 : f32 to vector<16xf32>
        %mul3A_386 = arith.constant 16 : i32
        %mul3A_387 = arith.muli %scan3A_116, %mul3A_386 : i32
        %add3A_388 = arith.constant 3 : i32
        %add3A_389 = arith.addi %mul3A_387, %add3A_388 : i32
        %get3A_390 = arith.index_cast %add3A_389 : i32 to index
        %get3A_391 = arith.constant 0 : index
        %get3A_392 = tpu.vector_load %arg9[%get3A_390, %get3A_391] {strides = array<i32>} : memref<80x128xf32, #tpu.memory_space<vmem>>, vector<1x16xf32>,
        %get3A_393 = vector.shape_cast %get3A_392 : vector<1x16xf32> to vector<16xf32>
        %mul3A_394 = arith.mulf %get3A_393, %broadcast_in_dim3A_385 : vector<16xf32>
        %swap3A_395 = arith.index_cast %add3A_389 : i32 to index
        %swap3A_396 = arith.constant 0 : index
        %swap3A_397 = tpu.vector_load %arg9[%swap3A_395, %swap3A_396] {strides = array<i32>} : memref<80x128xf32, #tpu.memory_space<vmem>>, vector<1x16xf32>,
        %swap3A_398 = vector.shape_cast %swap3A_397 : vector<1x16xf32> to vector<16xf32>
        %swap3A_399 = vector.shape_cast %mul3A_394 : vector<16xf32> to vector<1x16xf32>
        tpu.vector_store %arg9[%swap3A_395, %swap3A_396], %swap3A_399 {strides = array<i32>} : memref<80x128xf32, #tpu.memory_space<vmem>>, vector<1x16xf32>,
        %get3A_400 = arith.index_cast %add3A_389 : i32 to index
        %get3A_401 = arith.constant 16 : index
        %get3A_402 = tpu.vector_load %arg9[%get3A_400, %get3A_401] {strides = array<i32>} : memref<80x128xf32, #tpu.memory_space<vmem>>, vector<1x16xf32>,
        %get3A_403 = vector.shape_cast %get3A_402 : vector<1x16xf32> to vector<16xf32>
        %mul3A_404 = arith.mulf %get3A_403, %broadcast_in_dim3A_385 : vector<16xf32>
        %swap3A_405 = arith.index_cast %add3A_389 : i32 to index
        %swap3A_406 = arith.constant 16 : index
        %swap3A_407 = tpu.vector_load %arg9[%swap3A_405, %swap3A_406] {strides = array<i32>} : memref<80x128xf32, #tpu.memory_space<vmem>>, vector<1x16xf32>,
        %swap3A_408 = vector.shape_cast %swap3A_407 : vector<1x16xf32> to vector<16xf32>
        %swap3A_409 = vector.shape_cast %mul3A_404 : vector<16xf32> to vector<1x16xf32>
        tpu.vector_store %arg9[%swap3A_405, %swap3A_406], %swap3A_409 {strides = array<i32>} : memref<80x128xf32, #tpu.memory_space<vmem>>, vector<1x16xf32>,
        %get3A_410 = arith.index_cast %add3A_389 : i32 to index
        %get3A_411 = arith.constant 32 : index
        %get3A_412 = tpu.vector_load %arg9[%get3A_410, %get3A_411] {strides = array<i32>} : memref<80x128xf32, #tpu.memory_space<vmem>>, vector<1x16xf32>,
        %get3A_413 = vector.shape_cast %get3A_412 : vector<1x16xf32> to vector<16xf32>
        %mul3A_414 = arith.mulf %get3A_413, %broadcast_in_dim3A_385 : vector<16xf32>
        %swap3A_415 = arith.index_cast %add3A_389 : i32 to index
        %swap3A_416 = arith.constant 32 : index
        %swap3A_417 = tpu.vector_load %arg9[%swap3A_415, %swap3A_416] {strides = array<i32>} : memref<80x128xf32, #tpu.memory_space<vmem>>, vector<1x16xf32>,
        %swap3A_418 = vector.shape_cast %swap3A_417 : vector<1x16xf32> to vector<16xf32>
        %swap3A_419 = vector.shape_cast %mul3A_414 : vector<16xf32> to vector<1x16xf32>
        tpu.vector_store %arg9[%swap3A_415, %swap3A_416], %swap3A_419 {strides = array<i32>} : memref<80x128xf32, #tpu.memory_space<vmem>>, vector<1x16xf32>,
        %get3A_420 = arith.index_cast %add3A_389 : i32 to index
        %get3A_421 = arith.constant 48 : index
        %get3A_422 = tpu.vector_load %arg9[%get3A_420, %get3A_421] {strides = array<i32>} : memref<80x128xf32, #tpu.memory_space<vmem>>, vector<1x16xf32>,
        %get3A_423 = vector.shape_cast %get3A_422 : vector<1x16xf32> to vector<16xf32>
        %mul3A_424 = arith.mulf %get3A_423, %broadcast_in_dim3A_385 : vector<16xf32>
        %swap3A_425 = arith.index_cast %add3A_389 : i32 to index
        %swap3A_426 = arith.constant 48 : index
        %swap3A_427 = tpu.vector_load %arg9[%swap3A_425, %swap3A_426] {strides = array<i32>} : memref<80x128xf32, #tpu.memory_space<vmem>>, vector<1x16xf32>,
        %swap3A_428 = vector.shape_cast %swap3A_427 : vector<1x16xf32> to vector<16xf32>
        %swap3A_429 = vector.shape_cast %mul3A_424 : vector<16xf32> to vector<1x16xf32>
        tpu.vector_store %arg9[%swap3A_425, %swap3A_426], %swap3A_429 {strides = array<i32>} : memref<80x128xf32, #tpu.memory_space<vmem>>, vector<1x16xf32>,
        %get3A_430 = arith.index_cast %add3A_389 : i32 to index
        %get3A_431 = arith.constant 64 : index
        %get3A_432 = tpu.vector_load %arg9[%get3A_430, %get3A_431] {strides = array<i32>} : memref<80x128xf32, #tpu.memory_space<vmem>>, vector<1x16xf32>,
        %get3A_433 = vector.shape_cast %get3A_432 : vector<1x16xf32> to vector<16xf32>
        %mul3A_434 = arith.mulf %get3A_433, %broadcast_in_dim3A_385 : vector<16xf32>
        %swap3A_435 = arith.index_cast %add3A_389 : i32 to index
        %swap3A_436 = arith.constant 64 : index
        %swap3A_437 = tpu.vector_load %arg9[%swap3A_435, %swap3A_436] {strides = array<i32>} : memref<80x128xf32, #tpu.memory_space<vmem>>, vector<1x16xf32>,
        %swap3A_438 = vector.shape_cast %swap3A_437 : vector<1x16xf32> to vector<16xf32>
        %swap3A_439 = vector.shape_cast %mul3A_434 : vector<16xf32> to vector<1x16xf32>
        tpu.vector_store %arg9[%swap3A_435, %swap3A_436], %swap3A_439 {strides = array<i32>} : memref<80x128xf32, #tpu.memory_space<vmem>>, vector<1x16xf32>,
        %get3A_440 = arith.index_cast %add3A_389 : i32 to index
        %get3A_441 = arith.constant 80 : index
        %get3A_442 = tpu.vector_load %arg9[%get3A_440, %get3A_441] {strides = array<i32>} : memref<80x128xf32, #tpu.memory_space<vmem>>, vector<1x16xf32>,
        %get3A_443 = vector.shape_cast %get3A_442 : vector<1x16xf32> to vector<16xf32>
        %mul3A_444 = arith.mulf %get3A_443, %broadcast_in_dim3A_385 : vector<16xf32>
        %swap3A_445 = arith.index_cast %add3A_389 : i32 to index
        %swap3A_446 = arith.constant 80 : index
        %swap3A_447 = tpu.vector_load %arg9[%swap3A_445, %swap3A_446] {strides = array<i32>} : memref<80x128xf32, #tpu.memory_space<vmem>>, vector<1x16xf32>,
        %swap3A_448 = vector.shape_cast %swap3A_447 : vector<1x16xf32> to vector<16xf32>
        %swap3A_449 = vector.shape_cast %mul3A_444 : vector<16xf32> to vector<1x16xf32>
        tpu.vector_store %arg9[%swap3A_445, %swap3A_446], %swap3A_449 {strides = array<i32>} : memref<80x128xf32, #tpu.memory_space<vmem>>, vector<1x16xf32>,
        %get3A_450 = arith.index_cast %add3A_389 : i32 to index
        %get3A_451 = arith.constant 96 : index
        %get3A_452 = tpu.vector_load %arg9[%get3A_450, %get3A_451] {strides = array<i32>} : memref<80x128xf32, #tpu.memory_space<vmem>>, vector<1x16xf32>,
        %get3A_453 = vector.shape_cast %get3A_452 : vector<1x16xf32> to vector<16xf32>
        %mul3A_454 = arith.mulf %get3A_453, %broadcast_in_dim3A_385 : vector<16xf32>
        %swap3A_455 = arith.index_cast %add3A_389 : i32 to index
        %swap3A_456 = arith.constant 96 : index
        %swap3A_457 = tpu.vector_load %arg9[%swap3A_455, %swap3A_456] {strides = array<i32>} : memref<80x128xf32, #tpu.memory_space<vmem>>, vector<1x16xf32>,
        %swap3A_458 = vector.shape_cast %swap3A_457 : vector<1x16xf32> to vector<16xf32>
        %swap3A_459 = vector.shape_cast %mul3A_454 : vector<16xf32> to vector<1x16xf32>
        tpu.vector_store %arg9[%swap3A_455, %swap3A_456], %swap3A_459 {strides = array<i32>} : memref<80x128xf32, #tpu.memory_space<vmem>>, vector<1x16xf32>,
        %get3A_460 = arith.index_cast %add3A_389 : i32 to index
        %get3A_461 = arith.constant 112 : index
        %get3A_462 = tpu.vector_load %arg9[%get3A_460, %get3A_461] {strides = array<i32>} : memref<80x128xf32, #tpu.memory_space<vmem>>, vector<1x16xf32>,
        %get3A_463 = vector.shape_cast %get3A_462 : vector<1x16xf32> to vector<16xf32>
        %mul3A_464 = arith.mulf %get3A_463, %broadcast_in_dim3A_385 : vector<16xf32>
        %swap3A_465 = arith.index_cast %add3A_389 : i32 to index
        %swap3A_466 = arith.constant 112 : index
        %swap3A_467 = tpu.vector_load %arg9[%swap3A_465, %swap3A_466] {strides = array<i32>} : memref<80x128xf32, #tpu.memory_space<vmem>>, vector<1x16xf32>,
        %swap3A_468 = vector.shape_cast %swap3A_467 : vector<1x16xf32> to vector<16xf32>
        %swap3A_469 = vector.shape_cast %mul3A_464 : vector<16xf32> to vector<1x16xf32>
        tpu.vector_store %arg9[%swap3A_465, %swap3A_466], %swap3A_469 {strides = array<i32>} : memref<80x128xf32, #tpu.memory_space<vmem>>, vector<1x16xf32>,
        %slice3A_470 = vector.extract_strided_slice %div3A {offsets = [4], sizes = [1], strides = [1]} : vector<16xf32> to vector<1xf32>
        %squeeze3A_471 = vector.extract %slice3A_470[0] : f32 from vector<1xf32>
        %broadcast_in_dim3A_472 = vector.broadcast %squeeze3A_471 : f32 to vector<16xf32>
        %mul3A_473 = arith.constant 16 : i32
        %mul3A_474 = arith.muli %scan3A_116, %mul3A_473 : i32
        %add3A_475 = arith.constant 4 : i32
        %add3A_476 = arith.addi %mul3A_474, %add3A_475 : i32
        %get3A_477 = arith.index_cast %add3A_476 : i32 to index
        %get3A_478 = arith.constant 0 : index
        %get3A_479 = tpu.vector_load %arg9[%get3A_477, %get3A_478] {strides = array<i32>} : memref<80x128xf32, #tpu.memory_space<vmem>>, vector<1x16xf32>,
        %get3A_480 = vector.shape_cast %get3A_479 : vector<1x16xf32> to vector<16xf32>
        %mul3A_481 = arith.mulf %get3A_480, %broadcast_in_dim3A_472 : vector<16xf32>
        %swap3A_482 = arith.index_cast %add3A_476 : i32 to index
        %swap3A_483 = arith.constant 0 : index
        %swap3A_484 = tpu.vector_load %arg9[%swap3A_482, %swap3A_483] {strides = array<i32>} : memref<80x128xf32, #tpu.memory_space<vmem>>, vector<1x16xf32>,
        %swap3A_485 = vector.shape_cast %swap3A_484 : vector<1x16xf32> to vector<16xf32>
        %swap3A_486 = vector.shape_cast %mul3A_481 : vector<16xf32> to vector<1x16xf32>
        tpu.vector_store %arg9[%swap3A_482, %swap3A_483], %swap3A_486 {strides = array<i32>} : memref<80x128xf32, #tpu.memory_space<vmem>>, vector<1x16xf32>,
        %get3A_487 = arith.index_cast %add3A_476 : i32 to index
        %get3A_488 = arith.constant 16 : index
        %get3A_489 = tpu.vector_load %arg9[%get3A_487, %get3A_488] {strides = array<i32>} : memref<80x128xf32, #tpu.memory_space<vmem>>, vector<1x16xf32>,
        %get3A_490 = vector.shape_cast %get3A_489 : vector<1x16xf32> to vector<16xf32>
        %mul3A_491 = arith.mulf %get3A_490, %broadcast_in_dim3A_472 : vector<16xf32>
        %swap3A_492 = arith.index_cast %add3A_476 : i32 to index
        %swap3A_493 = arith.constant 16 : index
        %swap3A_494 = tpu.vector_load %arg9[%swap3A_492, %swap3A_493] {strides = array<i32>} : memref<80x128xf32, #tpu.memory_space<vmem>>, vector<1x16xf32>,
        %swap3A_495 = vector.shape_cast %swap3A_494 : vector<1x16xf32> to vector<16xf32>
        %swap3A_496 = vector.shape_cast %mul3A_491 : vector<16xf32> to vector<1x16xf32>
        tpu.vector_store %arg9[%swap3A_492, %swap3A_493], %swap3A_496 {strides = array<i32>} : memref<80x128xf32, #tpu.memory_space<vmem>>, vector<1x16xf32>,
        %get3A_497 = arith.index_cast %add3A_476 : i32 to index
        %get3A_498 = arith.constant 32 : index
        %get3A_499 = tpu.vector_load %arg9[%get3A_497, %get3A_498] {strides = array<i32>} : memref<80x128xf32, #tpu.memory_space<vmem>>, vector<1x16xf32>,
        %get3A_500 = vector.shape_cast %get3A_499 : vector<1x16xf32> to vector<16xf32>
        %mul3A_501 = arith.mulf %get3A_500, %broadcast_in_dim3A_472 : vector<16xf32>
        %swap3A_502 = arith.index_cast %add3A_476 : i32 to index
        %swap3A_503 = arith.constant 32 : index
        %swap3A_504 = tpu.vector_load %arg9[%swap3A_502, %swap3A_503] {strides = array<i32>} : memref<80x128xf32, #tpu.memory_space<vmem>>, vector<1x16xf32>,
        %swap3A_505 = vector.shape_cast %swap3A_504 : vector<1x16xf32> to vector<16xf32>
        %swap3A_506 = vector.shape_cast %mul3A_501 : vector<16xf32> to vector<1x16xf32>
        tpu.vector_store %arg9[%swap3A_502, %swap3A_503], %swap3A_506 {strides = array<i32>} : memref<80x128xf32, #tpu.memory_space<vmem>>, vector<1x16xf32>,
        %get3A_507 = arith.index_cast %add3A_476 : i32 to index
        %get3A_508 = arith.constant 48 : index
        %get3A_509 = tpu.vector_load %arg9[%get3A_507, %get3A_508] {strides = array<i32>} : memref<80x128xf32, #tpu.memory_space<vmem>>, vector<1x16xf32>,
        %get3A_510 = vector.shape_cast %get3A_509 : vector<1x16xf32> to vector<16xf32>
        %mul3A_511 = arith.mulf %get3A_510, %broadcast_in_dim3A_472 : vector<16xf32>
        %swap3A_512 = arith.index_cast %add3A_476 : i32 to index
        %swap3A_513 = arith.constant 48 : index
        %swap3A_514 = tpu.vector_load %arg9[%swap3A_512, %swap3A_513] {strides = array<i32>} : memref<80x128xf32, #tpu.memory_space<vmem>>, vector<1x16xf32>,
        %swap3A_515 = vector.shape_cast %swap3A_514 : vector<1x16xf32> to vector<16xf32>
        %swap3A_516 = vector.shape_cast %mul3A_511 : vector<16xf32> to vector<1x16xf32>
        tpu.vector_store %arg9[%swap3A_512, %swap3A_513], %swap3A_516 {strides = array<i32>} : memref<80x128xf32, #tpu.memory_space<vmem>>, vector<1x16xf32>,
        %get3A_517 = arith.index_cast %add3A_476 : i32 to index
        %get3A_518 = arith.constant 64 : index
        %get3A_519 = tpu.vector_load %arg9[%get3A_517, %get3A_518] {strides = array<i32>} : memref<80x128xf32, #tpu.memory_space<vmem>>, vector<1x16xf32>,
        %get3A_520 = vector.shape_cast %get3A_519 : vector<1x16xf32> to vector<16xf32>
        %mul3A_521 = arith.mulf %get3A_520, %broadcast_in_dim3A_472 : vector<16xf32>
        %swap3A_522 = arith.index_cast %add3A_476 : i32 to index
        %swap3A_523 = arith.constant 64 : index
        %swap3A_524 = tpu.vector_load %arg9[%swap3A_522, %swap3A_523] {strides = array<i32>} : memref<80x128xf32, #tpu.memory_space<vmem>>, vector<1x16xf32>,
        %swap3A_525 = vector.shape_cast %swap3A_524 : vector<1x16xf32> to vector<16xf32>
        %swap3A_526 = vector.shape_cast %mul3A_521 : vector<16xf32> to vector<1x16xf32>
        tpu.vector_store %arg9[%swap3A_522, %swap3A_523], %swap3A_526 {strides = array<i32>} : memref<80x128xf32, #tpu.memory_space<vmem>>, vector<1x16xf32>,
        %get3A_527 = arith.index_cast %add3A_476 : i32 to index
        %get3A_528 = arith.constant 80 : index
        %get3A_529 = tpu.vector_load %arg9[%get3A_527, %get3A_528] {strides = array<i32>} : memref<80x128xf32, #tpu.memory_space<vmem>>, vector<1x16xf32>,
        %get3A_530 = vector.shape_cast %get3A_529 : vector<1x16xf32> to vector<16xf32>
        %mul3A_531 = arith.mulf %get3A_530, %broadcast_in_dim3A_472 : vector<16xf32>
        %swap3A_532 = arith.index_cast %add3A_476 : i32 to index
        %swap3A_533 = arith.constant 80 : index
        %swap3A_534 = tpu.vector_load %arg9[%swap3A_532, %swap3A_533] {strides = array<i32>} : memref<80x128xf32, #tpu.memory_space<vmem>>, vector<1x16xf32>,
        %swap3A_535 = vector.shape_cast %swap3A_534 : vector<1x16xf32> to vector<16xf32>
        %swap3A_536 = vector.shape_cast %mul3A_531 : vector<16xf32> to vector<1x16xf32>
        tpu.vector_store %arg9[%swap3A_532, %swap3A_533], %swap3A_536 {strides = array<i32>} : memref<80x128xf32, #tpu.memory_space<vmem>>, vector<1x16xf32>,
        %get3A_537 = arith.index_cast %add3A_476 : i32 to index
        %get3A_538 = arith.constant 96 : index
        %get3A_539 = tpu.vector_load %arg9[%get3A_537, %get3A_538] {strides = array<i32>} : memref<80x128xf32, #tpu.memory_space<vmem>>, vector<1x16xf32>,
        %get3A_540 = vector.shape_cast %get3A_539 : vector<1x16xf32> to vector<16xf32>
        %mul3A_541 = arith.mulf %get3A_540, %broadcast_in_dim3A_472 : vector<16xf32>
        %swap3A_542 = arith.index_cast %add3A_476 : i32 to index
        %swap3A_543 = arith.constant 96 : index
        %swap3A_544 = tpu.vector_load %arg9[%swap3A_542, %swap3A_543] {strides = array<i32>} : memref<80x128xf32, #tpu.memory_space<vmem>>, vector<1x16xf32>,
        %swap3A_545 = vector.shape_cast %swap3A_544 : vector<1x16xf32> to vector<16xf32>
        %swap3A_546 = vector.shape_cast %mul3A_541 : vector<16xf32> to vector<1x16xf32>
        tpu.vector_store %arg9[%swap3A_542, %swap3A_543], %swap3A_546 {strides = array<i32>} : memref<80x128xf32, #tpu.memory_space<vmem>>, vector<1x16xf32>,
        %get3A_547 = arith.index_cast %add3A_476 : i32 to index
        %get3A_548 = arith.constant 112 : index
        %get3A_549 = tpu.vector_load %arg9[%get3A_547, %get3A_548] {strides = array<i32>} : memref<80x128xf32, #tpu.memory_space<vmem>>, vector<1x16xf32>,
        %get3A_550 = vector.shape_cast %get3A_549 : vector<1x16xf32> to vector<16xf32>
        %mul3A_551 = arith.mulf %get3A_550, %broadcast_in_dim3A_472 : vector<16xf32>
        %swap3A_552 = arith.index_cast %add3A_476 : i32 to index
        %swap3A_553 = arith.constant 112 : index
        %swap3A_554 = tpu.vector_load %arg9[%swap3A_552, %swap3A_553] {strides = array<i32>} : memref<80x128xf32, #tpu.memory_space<vmem>>, vector<1x16xf32>,
        %swap3A_555 = vector.shape_cast %swap3A_554 : vector<1x16xf32> to vector<16xf32>
        %swap3A_556 = vector.shape_cast %mul3A_551 : vector<16xf32> to vector<1x16xf32>
        tpu.vector_store %arg9[%swap3A_552, %swap3A_553], %swap3A_556 {strides = array<i32>} : memref<80x128xf32, #tpu.memory_space<vmem>>, vector<1x16xf32>,
        %slice3A_557 = vector.extract_strided_slice %div3A {offsets = [5], sizes = [1], strides = [1]} : vector<16xf32> to vector<1xf32>
        %squeeze3A_558 = vector.extract %slice3A_557[0] : f32 from vector<1xf32>
        %broadcast_in_dim3A_559 = vector.broadcast %squeeze3A_558 : f32 to vector<16xf32>
        %mul3A_560 = arith.constant 16 : i32
        %mul3A_561 = arith.muli %scan3A_116, %mul3A_560 : i32
        %add3A_562 = arith.constant 5 : i32
        %add3A_563 = arith.addi %mul3A_561, %add3A_562 : i32
        %get3A_564 = arith.index_cast %add3A_563 : i32 to index
        %get3A_565 = arith.constant 0 : index
        %get3A_566 = tpu.vector_load %arg9[%get3A_564, %get3A_565] {strides = array<i32>} : memref<80x128xf32, #tpu.memory_space<vmem>>, vector<1x16xf32>,
        %get3A_567 = vector.shape_cast %get3A_566 : vector<1x16xf32> to vector<16xf32>
        %mul3A_568 = arith.mulf %get3A_567, %broadcast_in_dim3A_559 : vector<16xf32>
        %swap3A_569 = arith.index_cast %add3A_563 : i32 to index
        %swap3A_570 = arith.constant 0 : index
        %swap3A_571 = tpu.vector_load %arg9[%swap3A_569, %swap3A_570] {strides = array<i32>} : memref<80x128xf32, #tpu.memory_space<vmem>>, vector<1x16xf32>,
        %swap3A_572 = vector.shape_cast %swap3A_571 : vector<1x16xf32> to vector<16xf32>
        %swap3A_573 = vector.shape_cast %mul3A_568 : vector<16xf32> to vector<1x16xf32>
        tpu.vector_store %arg9[%swap3A_569, %swap3A_570], %swap3A_573 {strides = array<i32>} : memref<80x128xf32, #tpu.memory_space<vmem>>, vector<1x16xf32>,
        %get3A_574 = arith.index_cast %add3A_563 : i32 to index
        %get3A_575 = arith.constant 16 : index
        %get3A_576 = tpu.vector_load %arg9[%get3A_574, %get3A_575] {strides = array<i32>} : memref<80x128xf32, #tpu.memory_space<vmem>>, vector<1x16xf32>,
        %get3A_577 = vector.shape_cast %get3A_576 : vector<1x16xf32> to vector<16xf32>
        %mul3A_578 = arith.mulf %get3A_577, %broadcast_in_dim3A_559 : vector<16xf32>
        %swap3A_579 = arith.index_cast %add3A_563 : i32 to index
        %swap3A_580 = arith.constant 16 : index
        %swap3A_581 = tpu.vector_load %arg9[%swap3A_579, %swap3A_580] {strides = array<i32>} : memref<80x128xf32, #tpu.memory_space<vmem>>, vector<1x16xf32>,
        %swap3A_582 = vector.shape_cast %swap3A_581 : vector<1x16xf32> to vector<16xf32>
        %swap3A_583 = vector.shape_cast %mul3A_578 : vector<16xf32> to vector<1x16xf32>
        tpu.vector_store %arg9[%swap3A_579, %swap3A_580], %swap3A_583 {strides = array<i32>} : memref<80x128xf32, #tpu.memory_space<vmem>>, vector<1x16xf32>,
        %get3A_584 = arith.index_cast %add3A_563 : i32 to index
        %get3A_585 = arith.constant 32 : index
        %get3A_586 = tpu.vector_load %arg9[%get3A_584, %get3A_585] {strides = array<i32>} : memref<80x128xf32, #tpu.memory_space<vmem>>, vector<1x16xf32>,
        %get3A_587 = vector.shape_cast %get3A_586 : vector<1x16xf32> to vector<16xf32>
        %mul3A_588 = arith.mulf %get3A_587, %broadcast_in_dim3A_559 : vector<16xf32>
        %swap3A_589 = arith.index_cast %add3A_563 : i32 to index
        %swap3A_590 = arith.constant 32 : index
        %swap3A_591 = tpu.vector_load %arg9[%swap3A_589, %swap3A_590] {strides = array<i32>} : memref<80x128xf32, #tpu.memory_space<vmem>>, vector<1x16xf32>,
        %swap3A_592 = vector.shape_cast %swap3A_591 : vector<1x16xf32> to vector<16xf32>
        %swap3A_593 = vector.shape_cast %mul3A_588 : vector<16xf32> to vector<1x16xf32>
        tpu.vector_store %arg9[%swap3A_589, %swap3A_590], %swap3A_593 {strides = array<i32>} : memref<80x128xf32, #tpu.memory_space<vmem>>, vector<1x16xf32>,
        %get3A_594 = arith.index_cast %add3A_563 : i32 to index
        %get3A_595 = arith.constant 48 : index
        %get3A_596 = tpu.vector_load %arg9[%get3A_594, %get3A_595] {strides = array<i32>} : memref<80x128xf32, #tpu.memory_space<vmem>>, vector<1x16xf32>,
        %get3A_597 = vector.shape_cast %get3A_596 : vector<1x16xf32> to vector<16xf32>
        %mul3A_598 = arith.mulf %get3A_597, %broadcast_in_dim3A_559 : vector<16xf32>
        %swap3A_599 = arith.index_cast %add3A_563 : i32 to index
        %swap3A_600 = arith.constant 48 : index
        %swap3A_601 = tpu.vector_load %arg9[%swap3A_599, %swap3A_600] {strides = array<i32>} : memref<80x128xf32, #tpu.memory_space<vmem>>, vector<1x16xf32>,
        %swap3A_602 = vector.shape_cast %swap3A_601 : vector<1x16xf32> to vector<16xf32>
        %swap3A_603 = vector.shape_cast %mul3A_598 : vector<16xf32> to vector<1x16xf32>
        tpu.vector_store %arg9[%swap3A_599, %swap3A_600], %swap3A_603 {strides = array<i32>} : memref<80x128xf32, #tpu.memory_space<vmem>>, vector<1x16xf32>,
        %get3A_604 = arith.index_cast %add3A_563 : i32 to index
        %get3A_605 = arith.constant 64 : index
        %get3A_606 = tpu.vector_load %arg9[%get3A_604, %get3A_605] {strides = array<i32>} : memref<80x128xf32, #tpu.memory_space<vmem>>, vector<1x16xf32>,
        %get3A_607 = vector.shape_cast %get3A_606 : vector<1x16xf32> to vector<16xf32>
        %mul3A_608 = arith.mulf %get3A_607, %broadcast_in_dim3A_559 : vector<16xf32>
        %swap3A_609 = arith.index_cast %add3A_563 : i32 to index
        %swap3A_610 = arith.constant 64 : index
        %swap3A_611 = tpu.vector_load %arg9[%swap3A_609, %swap3A_610] {strides = array<i32>} : memref<80x128xf32, #tpu.memory_space<vmem>>, vector<1x16xf32>,
        %swap3A_612 = vector.shape_cast %swap3A_611 : vector<1x16xf32> to vector<16xf32>
        %swap3A_613 = vector.shape_cast %mul3A_608 : vector<16xf32> to vector<1x16xf32>
        tpu.vector_store %arg9[%swap3A_609, %swap3A_610], %swap3A_613 {strides = array<i32>} : memref<80x128xf32, #tpu.memory_space<vmem>>, vector<1x16xf32>,
        %get3A_614 = arith.index_cast %add3A_563 : i32 to index
        %get3A_615 = arith.constant 80 : index
        %get3A_616 = tpu.vector_load %arg9[%get3A_614, %get3A_615] {strides = array<i32>} : memref<80x128xf32, #tpu.memory_space<vmem>>, vector<1x16xf32>,
        %get3A_617 = vector.shape_cast %get3A_616 : vector<1x16xf32> to vector<16xf32>
        %mul3A_618 = arith.mulf %get3A_617, %broadcast_in_dim3A_559 : vector<16xf32>
        %swap3A_619 = arith.index_cast %add3A_563 : i32 to index
        %swap3A_620 = arith.constant 80 : index
        %swap3A_621 = tpu.vector_load %arg9[%swap3A_619, %swap3A_620] {strides = array<i32>} : memref<80x128xf32, #tpu.memory_space<vmem>>, vector<1x16xf32>,
        %swap3A_622 = vector.shape_cast %swap3A_621 : vector<1x16xf32> to vector<16xf32>
        %swap3A_623 = vector.shape_cast %mul3A_618 : vector<16xf32> to vector<1x16xf32>
        tpu.vector_store %arg9[%swap3A_619, %swap3A_620], %swap3A_623 {strides = array<i32>} : memref<80x128xf32, #tpu.memory_space<vmem>>, vector<1x16xf32>,
        %get3A_624 = arith.index_cast %add3A_563 : i32 to index
        %get3A_625 = arith.constant 96 : index
        %get3A_626 = tpu.vector_load %arg9[%get3A_624, %get3A_625] {strides = array<i32>} : memref<80x128xf32, #tpu.memory_space<vmem>>, vector<1x16xf32>,
        %get3A_627 = vector.shape_cast %get3A_626 : vector<1x16xf32> to vector<16xf32>
        %mul3A_628 = arith.mulf %get3A_627, %broadcast_in_dim3A_559 : vector<16xf32>
        %swap3A_629 = arith.index_cast %add3A_563 : i32 to index
        %swap3A_630 = arith.constant 96 : index
        %swap3A_631 = tpu.vector_load %arg9[%swap3A_629, %swap3A_630] {strides = array<i32>} : memref<80x128xf32, #tpu.memory_space<vmem>>, vector<1x16xf32>,
        %swap3A_632 = vector.shape_cast %swap3A_631 : vector<1x16xf32> to vector<16xf32>
        %swap3A_633 = vector.shape_cast %mul3A_628 : vector<16xf32> to vector<1x16xf32>
        tpu.vector_store %arg9[%swap3A_629, %swap3A_630], %swap3A_633 {strides = array<i32>} : memref<80x128xf32, #tpu.memory_space<vmem>>, vector<1x16xf32>,
        %get3A_634 = arith.index_cast %add3A_563 : i32 to index
        %get3A_635 = arith.constant 112 : index
        %get3A_636 = tpu.vector_load %arg9[%get3A_634, %get3A_635] {strides = array<i32>} : memref<80x128xf32, #tpu.memory_space<vmem>>, vector<1x16xf32>,
        %get3A_637 = vector.shape_cast %get3A_636 : vector<1x16xf32> to vector<16xf32>
        %mul3A_638 = arith.mulf %get3A_637, %broadcast_in_dim3A_559 : vector<16xf32>
        %swap3A_639 = arith.index_cast %add3A_563 : i32 to index
        %swap3A_640 = arith.constant 112 : index
        %swap3A_641 = tpu.vector_load %arg9[%swap3A_639, %swap3A_640] {strides = array<i32>} : memref<80x128xf32, #tpu.memory_space<vmem>>, vector<1x16xf32>,
        %swap3A_642 = vector.shape_cast %swap3A_641 : vector<1x16xf32> to vector<16xf32>
        %swap3A_643 = vector.shape_cast %mul3A_638 : vector<16xf32> to vector<1x16xf32>
        tpu.vector_store %arg9[%swap3A_639, %swap3A_640], %swap3A_643 {strides = array<i32>} : memref<80x128xf32, #tpu.memory_space<vmem>>, vector<1x16xf32>,
        %slice3A_644 = vector.extract_strided_slice %div3A {offsets = [6], sizes = [1], strides = [1]} : vector<16xf32> to vector<1xf32>
        %squeeze3A_645 = vector.extract %slice3A_644[0] : f32 from vector<1xf32>
        %broadcast_in_dim3A_646 = vector.broadcast %squeeze3A_645 : f32 to vector<16xf32>
        %mul3A_647 = arith.constant 16 : i32
        %mul3A_648 = arith.muli %scan3A_116, %mul3A_647 : i32
        %add3A_649 = arith.constant 6 : i32
        %add3A_650 = arith.addi %mul3A_648, %add3A_649 : i32
        %get3A_651 = arith.index_cast %add3A_650 : i32 to index
        %get3A_652 = arith.constant 0 : index
        %get3A_653 = tpu.vector_load %arg9[%get3A_651, %get3A_652] {strides = array<i32>} : memref<80x128xf32, #tpu.memory_space<vmem>>, vector<1x16xf32>,
        %get3A_654 = vector.shape_cast %get3A_653 : vector<1x16xf32> to vector<16xf32>
        %mul3A_655 = arith.mulf %get3A_654, %broadcast_in_dim3A_646 : vector<16xf32>
        %swap3A_656 = arith.index_cast %add3A_650 : i32 to index
        %swap3A_657 = arith.constant 0 : index
        %swap3A_658 = tpu.vector_load %arg9[%swap3A_656, %swap3A_657] {strides = array<i32>} : memref<80x128xf32, #tpu.memory_space<vmem>>, vector<1x16xf32>,
        %swap3A_659 = vector.shape_cast %swap3A_658 : vector<1x16xf32> to vector<16xf32>
        %swap3A_660 = vector.shape_cast %mul3A_655 : vector<16xf32> to vector<1x16xf32>
        tpu.vector_store %arg9[%swap3A_656, %swap3A_657], %swap3A_660 {strides = array<i32>} : memref<80x128xf32, #tpu.memory_space<vmem>>, vector<1x16xf32>,
        %get3A_661 = arith.index_cast %add3A_650 : i32 to index
        %get3A_662 = arith.constant 16 : index
        %get3A_663 = tpu.vector_load %arg9[%get3A_661, %get3A_662] {strides = array<i32>} : memref<80x128xf32, #tpu.memory_space<vmem>>, vector<1x16xf32>,
        %get3A_664 = vector.shape_cast %get3A_663 : vector<1x16xf32> to vector<16xf32>
        %mul3A_665 = arith.mulf %get3A_664, %broadcast_in_dim3A_646 : vector<16xf32>
        %swap3A_666 = arith.index_cast %add3A_650 : i32 to index
        %swap3A_667 = arith.constant 16 : index
        %swap3A_668 = tpu.vector_load %arg9[%swap3A_666, %swap3A_667] {strides = array<i32>} : memref<80x128xf32, #tpu.memory_space<vmem>>, vector<1x16xf32>,
        %swap3A_669 = vector.shape_cast %swap3A_668 : vector<1x16xf32> to vector<16xf32>
        %swap3A_670 = vector.shape_cast %mul3A_665 : vector<16xf32> to vector<1x16xf32>
        tpu.vector_store %arg9[%swap3A_666, %swap3A_667], %swap3A_670 {strides = array<i32>} : memref<80x128xf32, #tpu.memory_space<vmem>>, vector<1x16xf32>,
        %get3A_671 = arith.index_cast %add3A_650 : i32 to index
        %get3A_672 = arith.constant 32 : index
        %get3A_673 = tpu.vector_load %arg9[%get3A_671, %get3A_672] {strides = array<i32>} : memref<80x128xf32, #tpu.memory_space<vmem>>, vector<1x16xf32>,
        %get3A_674 = vector.shape_cast %get3A_673 : vector<1x16xf32> to vector<16xf32>
        %mul3A_675 = arith.mulf %get3A_674, %broadcast_in_dim3A_646 : vector<16xf32>
        %swap3A_676 = arith.index_cast %add3A_650 : i32 to index
        %swap3A_677 = arith.constant 32 : index
        %swap3A_678 = tpu.vector_load %arg9[%swap3A_676, %swap3A_677] {strides = array<i32>} : memref<80x128xf32, #tpu.memory_space<vmem>>, vector<1x16xf32>,
        %swap3A_679 = vector.shape_cast %swap3A_678 : vector<1x16xf32> to vector<16xf32>
        %swap3A_680 = vector.shape_cast %mul3A_675 : vector<16xf32> to vector<1x16xf32>
        tpu.vector_store %arg9[%swap3A_676, %swap3A_677], %swap3A_680 {strides = array<i32>} : memref<80x128xf32, #tpu.memory_space<vmem>>, vector<1x16xf32>,
        %get3A_681 = arith.index_cast %add3A_650 : i32 to index
        %get3A_682 = arith.constant 48 : index
        %get3A_683 = tpu.vector_load %arg9[%get3A_681, %get3A_682] {strides = array<i32>} : memref<80x128xf32, #tpu.memory_space<vmem>>, vector<1x16xf32>,
        %get3A_684 = vector.shape_cast %get3A_683 : vector<1x16xf32> to vector<16xf32>
        %mul3A_685 = arith.mulf %get3A_684, %broadcast_in_dim3A_646 : vector<16xf32>
        %swap3A_686 = arith.index_cast %add3A_650 : i32 to index
        %swap3A_687 = arith.constant 48 : index
        %swap3A_688 = tpu.vector_load %arg9[%swap3A_686, %swap3A_687] {strides = array<i32>} : memref<80x128xf32, #tpu.memory_space<vmem>>, vector<1x16xf32>,
        %swap3A_689 = vector.shape_cast %swap3A_688 : vector<1x16xf32> to vector<16xf32>
        %swap3A_690 = vector.shape_cast %mul3A_685 : vector<16xf32> to vector<1x16xf32>
        tpu.vector_store %arg9[%swap3A_686, %swap3A_687], %swap3A_690 {strides = array<i32>} : memref<80x128xf32, #tpu.memory_space<vmem>>, vector<1x16xf32>,
        %get3A_691 = arith.index_cast %add3A_650 : i32 to index
        %get3A_692 = arith.constant 64 : index
        %get3A_693 = tpu.vector_load %arg9[%get3A_691, %get3A_692] {strides = array<i32>} : memref<80x128xf32, #tpu.memory_space<vmem>>, vector<1x16xf32>,
        %get3A_694 = vector.shape_cast %get3A_693 : vector<1x16xf32> to vector<16xf32>
        %mul3A_695 = arith.mulf %get3A_694, %broadcast_in_dim3A_646 : vector<16xf32>
        %swap3A_696 = arith.index_cast %add3A_650 : i32 to index
        %swap3A_697 = arith.constant 64 : index
        %swap3A_698 = tpu.vector_load %arg9[%swap3A_696, %swap3A_697] {strides = array<i32>} : memref<80x128xf32, #tpu.memory_space<vmem>>, vector<1x16xf32>,
        %swap3A_699 = vector.shape_cast %swap3A_698 : vector<1x16xf32> to vector<16xf32>
        %swap3A_700 = vector.shape_cast %mul3A_695 : vector<16xf32> to vector<1x16xf32>
        tpu.vector_store %arg9[%swap3A_696, %swap3A_697], %swap3A_700 {strides = array<i32>} : memref<80x128xf32, #tpu.memory_space<vmem>>, vector<1x16xf32>,
        %get3A_701 = arith.index_cast %add3A_650 : i32 to index
        %get3A_702 = arith.constant 80 : index
        %get3A_703 = tpu.vector_load %arg9[%get3A_701, %get3A_702] {strides = array<i32>} : memref<80x128xf32, #tpu.memory_space<vmem>>, vector<1x16xf32>,
        %get3A_704 = vector.shape_cast %get3A_703 : vector<1x16xf32> to vector<16xf32>
        %mul3A_705 = arith.mulf %get3A_704, %broadcast_in_dim3A_646 : vector<16xf32>
        %swap3A_706 = arith.index_cast %add3A_650 : i32 to index
        %swap3A_707 = arith.constant 80 : index
        %swap3A_708 = tpu.vector_load %arg9[%swap3A_706, %swap3A_707] {strides = array<i32>} : memref<80x128xf32, #tpu.memory_space<vmem>>, vector<1x16xf32>,
        %swap3A_709 = vector.shape_cast %swap3A_708 : vector<1x16xf32> to vector<16xf32>
        %swap3A_710 = vector.shape_cast %mul3A_705 : vector<16xf32> to vector<1x16xf32>
        tpu.vector_store %arg9[%swap3A_706, %swap3A_707], %swap3A_710 {strides = array<i32>} : memref<80x128xf32, #tpu.memory_space<vmem>>, vector<1x16xf32>,
        %get3A_711 = arith.index_cast %add3A_650 : i32 to index
        %get3A_712 = arith.constant 96 : index
        %get3A_713 = tpu.vector_load %arg9[%get3A_711, %get3A_712] {strides = array<i32>} : memref<80x128xf32, #tpu.memory_space<vmem>>, vector<1x16xf32>,
        %get3A_714 = vector.shape_cast %get3A_713 : vector<1x16xf32> to vector<16xf32>
        %mul3A_715 = arith.mulf %get3A_714, %broadcast_in_dim3A_646 : vector<16xf32>
        %swap3A_716 = arith.index_cast %add3A_650 : i32 to index
        %swap3A_717 = arith.constant 96 : index
        %swap3A_718 = tpu.vector_load %arg9[%swap3A_716, %swap3A_717] {strides = array<i32>} : memref<80x128xf32, #tpu.memory_space<vmem>>, vector<1x16xf32>,
        %swap3A_719 = vector.shape_cast %swap3A_718 : vector<1x16xf32> to vector<16xf32>
        %swap3A_720 = vector.shape_cast %mul3A_715 : vector<16xf32> to vector<1x16xf32>
        tpu.vector_store %arg9[%swap3A_716, %swap3A_717], %swap3A_720 {strides = array<i32>} : memref<80x128xf32, #tpu.memory_space<vmem>>, vector<1x16xf32>,
        %get3A_721 = arith.index_cast %add3A_650 : i32 to index
        %get3A_722 = arith.constant 112 : index
        %get3A_723 = tpu.vector_load %arg9[%get3A_721, %get3A_722] {strides = array<i32>} : memref<80x128xf32, #tpu.memory_space<vmem>>, vector<1x16xf32>,
        %get3A_724 = vector.shape_cast %get3A_723 : vector<1x16xf32> to vector<16xf32>
        %mul3A_725 = arith.mulf %get3A_724, %broadcast_in_dim3A_646 : vector<16xf32>
        %swap3A_726 = arith.index_cast %add3A_650 : i32 to index
        %swap3A_727 = arith.constant 112 : index
        %swap3A_728 = tpu.vector_load %arg9[%swap3A_726, %swap3A_727] {strides = array<i32>} : memref<80x128xf32, #tpu.memory_space<vmem>>, vector<1x16xf32>,
        %swap3A_729 = vector.shape_cast %swap3A_728 : vector<1x16xf32> to vector<16xf32>
        %swap3A_730 = vector.shape_cast %mul3A_725 : vector<16xf32> to vector<1x16xf32>
        tpu.vector_store %arg9[%swap3A_726, %swap3A_727], %swap3A_730 {strides = array<i32>} : memref<80x128xf32, #tpu.memory_space<vmem>>, vector<1x16xf32>,
        %slice3A_731 = vector.extract_strided_slice %div3A {offsets = [7], sizes = [1], strides = [1]} : vector<16xf32> to vector<1xf32>
        %squeeze3A_732 = vector.extract %slice3A_731[0] : f32 from vector<1xf32>
        %broadcast_in_dim3A_733 = vector.broadcast %squeeze3A_732 : f32 to vector<16xf32>
        %mul3A_734 = arith.constant 16 : i32
        %mul3A_735 = arith.muli %scan3A_116, %mul3A_734 : i32
        %add3A_736 = arith.constant 7 : i32
        %add3A_737 = arith.addi %mul3A_735, %add3A_736 : i32
        %get3A_738 = arith.index_cast %add3A_737 : i32 to index
        %get3A_739 = arith.constant 0 : index
        %get3A_740 = tpu.vector_load %arg9[%get3A_738, %get3A_739] {strides = array<i32>} : memref<80x128xf32, #tpu.memory_space<vmem>>, vector<1x16xf32>,
        %get3A_741 = vector.shape_cast %get3A_740 : vector<1x16xf32> to vector<16xf32>
        %mul3A_742 = arith.mulf %get3A_741, %broadcast_in_dim3A_733 : vector<16xf32>
        %swap3A_743 = arith.index_cast %add3A_737 : i32 to index
        %swap3A_744 = arith.constant 0 : index
        %swap3A_745 = tpu.vector_load %arg9[%swap3A_743, %swap3A_744] {strides = array<i32>} : memref<80x128xf32, #tpu.memory_space<vmem>>, vector<1x16xf32>,
        %swap3A_746 = vector.shape_cast %swap3A_745 : vector<1x16xf32> to vector<16xf32>
        %swap3A_747 = vector.shape_cast %mul3A_742 : vector<16xf32> to vector<1x16xf32>
        tpu.vector_store %arg9[%swap3A_743, %swap3A_744], %swap3A_747 {strides = array<i32>} : memref<80x128xf32, #tpu.memory_space<vmem>>, vector<1x16xf32>,
        %get3A_748 = arith.index_cast %add3A_737 : i32 to index
        %get3A_749 = arith.constant 16 : index
        %get3A_750 = tpu.vector_load %arg9[%get3A_748, %get3A_749] {strides = array<i32>} : memref<80x128xf32, #tpu.memory_space<vmem>>, vector<1x16xf32>,
        %get3A_751 = vector.shape_cast %get3A_750 : vector<1x16xf32> to vector<16xf32>
        %mul3A_752 = arith.mulf %get3A_751, %broadcast_in_dim3A_733 : vector<16xf32>
        %swap3A_753 = arith.index_cast %add3A_737 : i32 to index
        %swap3A_754 = arith.constant 16 : index
        %swap3A_755 = tpu.vector_load %arg9[%swap3A_753, %swap3A_754] {strides = array<i32>} : memref<80x128xf32, #tpu.memory_space<vmem>>, vector<1x16xf32>,
        %swap3A_756 = vector.shape_cast %swap3A_755 : vector<1x16xf32> to vector<16xf32>
        %swap3A_757 = vector.shape_cast %mul3A_752 : vector<16xf32> to vector<1x16xf32>
        tpu.vector_store %arg9[%swap3A_753, %swap3A_754], %swap3A_757 {strides = array<i32>} : memref<80x128xf32, #tpu.memory_space<vmem>>, vector<1x16xf32>,
        %get3A_758 = arith.index_cast %add3A_737 : i32 to index
        %get3A_759 = arith.constant 32 : index
        %get3A_760 = tpu.vector_load %arg9[%get3A_758, %get3A_759] {strides = array<i32>} : memref<80x128xf32, #tpu.memory_space<vmem>>, vector<1x16xf32>,
        %get3A_761 = vector.shape_cast %get3A_760 : vector<1x16xf32> to vector<16xf32>
        %mul3A_762 = arith.mulf %get3A_761, %broadcast_in_dim3A_733 : vector<16xf32>
        %swap3A_763 = arith.index_cast %add3A_737 : i32 to index
        %swap3A_764 = arith.constant 32 : index
        %swap3A_765 = tpu.vector_load %arg9[%swap3A_763, %swap3A_764] {strides = array<i32>} : memref<80x128xf32, #tpu.memory_space<vmem>>, vector<1x16xf32>,
        %swap3A_766 = vector.shape_cast %swap3A_765 : vector<1x16xf32> to vector<16xf32>
        %swap3A_767 = vector.shape_cast %mul3A_762 : vector<16xf32> to vector<1x16xf32>
        tpu.vector_store %arg9[%swap3A_763, %swap3A_764], %swap3A_767 {strides = array<i32>} : memref<80x128xf32, #tpu.memory_space<vmem>>, vector<1x16xf32>,
        %get3A_768 = arith.index_cast %add3A_737 : i32 to index
        %get3A_769 = arith.constant 48 : index
        %get3A_770 = tpu.vector_load %arg9[%get3A_768, %get3A_769] {strides = array<i32>} : memref<80x128xf32, #tpu.memory_space<vmem>>, vector<1x16xf32>,
        %get3A_771 = vector.shape_cast %get3A_770 : vector<1x16xf32> to vector<16xf32>
        %mul3A_772 = arith.mulf %get3A_771, %broadcast_in_dim3A_733 : vector<16xf32>
        %swap3A_773 = arith.index_cast %add3A_737 : i32 to index
        %swap3A_774 = arith.constant 48 : index
        %swap3A_775 = tpu.vector_load %arg9[%swap3A_773, %swap3A_774] {strides = array<i32>} : memref<80x128xf32, #tpu.memory_space<vmem>>, vector<1x16xf32>,
        %swap3A_776 = vector.shape_cast %swap3A_775 : vector<1x16xf32> to vector<16xf32>
        %swap3A_777 = vector.shape_cast %mul3A_772 : vector<16xf32> to vector<1x16xf32>
        tpu.vector_store %arg9[%swap3A_773, %swap3A_774], %swap3A_777 {strides = array<i32>} : memref<80x128xf32, #tpu.memory_space<vmem>>, vector<1x16xf32>,
        %get3A_778 = arith.index_cast %add3A_737 : i32 to index
        %get3A_779 = arith.constant 64 : index
        %get3A_780 = tpu.vector_load %arg9[%get3A_778, %get3A_779] {strides = array<i32>} : memref<80x128xf32, #tpu.memory_space<vmem>>, vector<1x16xf32>,
        %get3A_781 = vector.shape_cast %get3A_780 : vector<1x16xf32> to vector<16xf32>
        %mul3A_782 = arith.mulf %get3A_781, %broadcast_in_dim3A_733 : vector<16xf32>
        %swap3A_783 = arith.index_cast %add3A_737 : i32 to index
        %swap3A_784 = arith.constant 64 : index
        %swap3A_785 = tpu.vector_load %arg9[%swap3A_783, %swap3A_784] {strides = array<i32>} : memref<80x128xf32, #tpu.memory_space<vmem>>, vector<1x16xf32>,
        %swap3A_786 = vector.shape_cast %swap3A_785 : vector<1x16xf32> to vector<16xf32>
        %swap3A_787 = vector.shape_cast %mul3A_782 : vector<16xf32> to vector<1x16xf32>
        tpu.vector_store %arg9[%swap3A_783, %swap3A_784], %swap3A_787 {strides = array<i32>} : memref<80x128xf32, #tpu.memory_space<vmem>>, vector<1x16xf32>,
        %get3A_788 = arith.index_cast %add3A_737 : i32 to index
        %get3A_789 = arith.constant 80 : index
        %get3A_790 = tpu.vector_load %arg9[%get3A_788, %get3A_789] {strides = array<i32>} : memref<80x128xf32, #tpu.memory_space<vmem>>, vector<1x16xf32>,
        %get3A_791 = vector.shape_cast %get3A_790 : vector<1x16xf32> to vector<16xf32>
        %mul3A_792 = arith.mulf %get3A_791, %broadcast_in_dim3A_733 : vector<16xf32>
        %swap3A_793 = arith.index_cast %add3A_737 : i32 to index
        %swap3A_794 = arith.constant 80 : index
        %swap3A_795 = tpu.vector_load %arg9[%swap3A_793, %swap3A_794] {strides = array<i32>} : memref<80x128xf32, #tpu.memory_space<vmem>>, vector<1x16xf32>,
        %swap3A_796 = vector.shape_cast %swap3A_795 : vector<1x16xf32> to vector<16xf32>
        %swap3A_797 = vector.shape_cast %mul3A_792 : vector<16xf32> to vector<1x16xf32>
        tpu.vector_store %arg9[%swap3A_793, %swap3A_794], %swap3A_797 {strides = array<i32>} : memref<80x128xf32, #tpu.memory_space<vmem>>, vector<1x16xf32>,
        %get3A_798 = arith.index_cast %add3A_737 : i32 to index
        %get3A_799 = arith.constant 96 : index
        %get3A_800 = tpu.vector_load %arg9[%get3A_798, %get3A_799] {strides = array<i32>} : memref<80x128xf32, #tpu.memory_space<vmem>>, vector<1x16xf32>,
        %get3A_801 = vector.shape_cast %get3A_800 : vector<1x16xf32> to vector<16xf32>
        %mul3A_802 = arith.mulf %get3A_801, %broadcast_in_dim3A_733 : vector<16xf32>
        %swap3A_803 = arith.index_cast %add3A_737 : i32 to index
        %swap3A_804 = arith.constant 96 : index
        %swap3A_805 = tpu.vector_load %arg9[%swap3A_803, %swap3A_804] {strides = array<i32>} : memref<80x128xf32, #tpu.memory_space<vmem>>, vector<1x16xf32>,
        %swap3A_806 = vector.shape_cast %swap3A_805 : vector<1x16xf32> to vector<16xf32>
        %swap3A_807 = vector.shape_cast %mul3A_802 : vector<16xf32> to vector<1x16xf32>
        tpu.vector_store %arg9[%swap3A_803, %swap3A_804], %swap3A_807 {strides = array<i32>} : memref<80x128xf32, #tpu.memory_space<vmem>>, vector<1x16xf32>,
        %get3A_808 = arith.index_cast %add3A_737 : i32 to index
        %get3A_809 = arith.constant 112 : index
        %get3A_810 = tpu.vector_load %arg9[%get3A_808, %get3A_809] {strides = array<i32>} : memref<80x128xf32, #tpu.memory_space<vmem>>, vector<1x16xf32>,
        %get3A_811 = vector.shape_cast %get3A_810 : vector<1x16xf32> to vector<16xf32>
        %mul3A_812 = arith.mulf %get3A_811, %broadcast_in_dim3A_733 : vector<16xf32>
        %swap3A_813 = arith.index_cast %add3A_737 : i32 to index
        %swap3A_814 = arith.constant 112 : index
        %swap3A_815 = tpu.vector_load %arg9[%swap3A_813, %swap3A_814] {strides = array<i32>} : memref<80x128xf32, #tpu.memory_space<vmem>>, vector<1x16xf32>,
        %swap3A_816 = vector.shape_cast %swap3A_815 : vector<1x16xf32> to vector<16xf32>
        %swap3A_817 = vector.shape_cast %mul3A_812 : vector<16xf32> to vector<1x16xf32>
        tpu.vector_store %arg9[%swap3A_813, %swap3A_814], %swap3A_817 {strides = array<i32>} : memref<80x128xf32, #tpu.memory_space<vmem>>, vector<1x16xf32>,
        %slice3A_818 = vector.extract_strided_slice %div3A {offsets = [8], sizes = [1], strides = [1]} : vector<16xf32> to vector<1xf32>
        %squeeze3A_819 = vector.extract %slice3A_818[0] : f32 from vector<1xf32>
        %broadcast_in_dim3A_820 = vector.broadcast %squeeze3A_819 : f32 to vector<16xf32>
        %mul3A_821 = arith.constant 16 : i32
        %mul3A_822 = arith.muli %scan3A_116, %mul3A_821 : i32
        %add3A_823 = arith.constant 8 : i32
        %add3A_824 = arith.addi %mul3A_822, %add3A_823 : i32
        %get3A_825 = arith.index_cast %add3A_824 : i32 to index
        %get3A_826 = arith.constant 0 : index
        %get3A_827 = tpu.vector_load %arg9[%get3A_825, %get3A_826] {strides = array<i32>} : memref<80x128xf32, #tpu.memory_space<vmem>>, vector<1x16xf32>,
        %get3A_828 = vector.shape_cast %get3A_827 : vector<1x16xf32> to vector<16xf32>
        %mul3A_829 = arith.mulf %get3A_828, %broadcast_in_dim3A_820 : vector<16xf32>
        %swap3A_830 = arith.index_cast %add3A_824 : i32 to index
        %swap3A_831 = arith.constant 0 : index
        %swap3A_832 = tpu.vector_load %arg9[%swap3A_830, %swap3A_831] {strides = array<i32>} : memref<80x128xf32, #tpu.memory_space<vmem>>, vector<1x16xf32>,
        %swap3A_833 = vector.shape_cast %swap3A_832 : vector<1x16xf32> to vector<16xf32>
        %swap3A_834 = vector.shape_cast %mul3A_829 : vector<16xf32> to vector<1x16xf32>
        tpu.vector_store %arg9[%swap3A_830, %swap3A_831], %swap3A_834 {strides = array<i32>} : memref<80x128xf32, #tpu.memory_space<vmem>>, vector<1x16xf32>,
        %get3A_835 = arith.index_cast %add3A_824 : i32 to index
        %get3A_836 = arith.constant 16 : index
        %get3A_837 = tpu.vector_load %arg9[%get3A_835, %get3A_836] {strides = array<i32>} : memref<80x128xf32, #tpu.memory_space<vmem>>, vector<1x16xf32>,
        %get3A_838 = vector.shape_cast %get3A_837 : vector<1x16xf32> to vector<16xf32>
        %mul3A_839 = arith.mulf %get3A_838, %broadcast_in_dim3A_820 : vector<16xf32>
        %swap3A_840 = arith.index_cast %add3A_824 : i32 to index
        %swap3A_841 = arith.constant 16 : index
        %swap3A_842 = tpu.vector_load %arg9[%swap3A_840, %swap3A_841] {strides = array<i32>} : memref<80x128xf32, #tpu.memory_space<vmem>>, vector<1x16xf32>,
        %swap3A_843 = vector.shape_cast %swap3A_842 : vector<1x16xf32> to vector<16xf32>
        %swap3A_844 = vector.shape_cast %mul3A_839 : vector<16xf32> to vector<1x16xf32>
        tpu.vector_store %arg9[%swap3A_840, %swap3A_841], %swap3A_844 {strides = array<i32>} : memref<80x128xf32, #tpu.memory_space<vmem>>, vector<1x16xf32>,
        %get3A_845 = arith.index_cast %add3A_824 : i32 to index
        %get3A_846 = arith.constant 32 : index
        %get3A_847 = tpu.vector_load %arg9[%get3A_845, %get3A_846] {strides = array<i32>} : memref<80x128xf32, #tpu.memory_space<vmem>>, vector<1x16xf32>,
        %get3A_848 = vector.shape_cast %get3A_847 : vector<1x16xf32> to vector<16xf32>
        %mul3A_849 = arith.mulf %get3A_848, %broadcast_in_dim3A_820 : vector<16xf32>
        %swap3A_850 = arith.index_cast %add3A_824 : i32 to index
        %swap3A_851 = arith.constant 32 : index
        %swap3A_852 = tpu.vector_load %arg9[%swap3A_850, %swap3A_851] {strides = array<i32>} : memref<80x128xf32, #tpu.memory_space<vmem>>, vector<1x16xf32>,
        %swap3A_853 = vector.shape_cast %swap3A_852 : vector<1x16xf32> to vector<16xf32>
        %swap3A_854 = vector.shape_cast %mul3A_849 : vector<16xf32> to vector<1x16xf32>
        tpu.vector_store %arg9[%swap3A_850, %swap3A_851], %swap3A_854 {strides = array<i32>} : memref<80x128xf32, #tpu.memory_space<vmem>>, vector<1x16xf32>,
        %get3A_855 = arith.index_cast %add3A_824 : i32 to index
        %get3A_856 = arith.constant 48 : index
        %get3A_857 = tpu.vector_load %arg9[%get3A_855, %get3A_856] {strides = array<i32>} : memref<80x128xf32, #tpu.memory_space<vmem>>, vector<1x16xf32>,
        %get3A_858 = vector.shape_cast %get3A_857 : vector<1x16xf32> to vector<16xf32>
        %mul3A_859 = arith.mulf %get3A_858, %broadcast_in_dim3A_820 : vector<16xf32>
        %swap3A_860 = arith.index_cast %add3A_824 : i32 to index
        %swap3A_861 = arith.constant 48 : index
        %swap3A_862 = tpu.vector_load %arg9[%swap3A_860, %swap3A_861] {strides = array<i32>} : memref<80x128xf32, #tpu.memory_space<vmem>>, vector<1x16xf32>,
        %swap3A_863 = vector.shape_cast %swap3A_862 : vector<1x16xf32> to vector<16xf32>
        %swap3A_864 = vector.shape_cast %mul3A_859 : vector<16xf32> to vector<1x16xf32>
        tpu.vector_store %arg9[%swap3A_860, %swap3A_861], %swap3A_864 {strides = array<i32>} : memref<80x128xf32, #tpu.memory_space<vmem>>, vector<1x16xf32>,
        %get3A_865 = arith.index_cast %add3A_824 : i32 to index
        %get3A_866 = arith.constant 64 : index
        %get3A_867 = tpu.vector_load %arg9[%get3A_865, %get3A_866] {strides = array<i32>} : memref<80x128xf32, #tpu.memory_space<vmem>>, vector<1x16xf32>,
        %get3A_868 = vector.shape_cast %get3A_867 : vector<1x16xf32> to vector<16xf32>
        %mul3A_869 = arith.mulf %get3A_868, %broadcast_in_dim3A_820 : vector<16xf32>
        %swap3A_870 = arith.index_cast %add3A_824 : i32 to index
        %swap3A_871 = arith.constant 64 : index
        %swap3A_872 = tpu.vector_load %arg9[%swap3A_870, %swap3A_871] {strides = array<i32>} : memref<80x128xf32, #tpu.memory_space<vmem>>, vector<1x16xf32>,
        %swap3A_873 = vector.shape_cast %swap3A_872 : vector<1x16xf32> to vector<16xf32>
        %swap3A_874 = vector.shape_cast %mul3A_869 : vector<16xf32> to vector<1x16xf32>
        tpu.vector_store %arg9[%swap3A_870, %swap3A_871], %swap3A_874 {strides = array<i32>} : memref<80x128xf32, #tpu.memory_space<vmem>>, vector<1x16xf32>,
        %get3A_875 = arith.index_cast %add3A_824 : i32 to index
        %get3A_876 = arith.constant 80 : index
        %get3A_877 = tpu.vector_load %arg9[%get3A_875, %get3A_876] {strides = array<i32>} : memref<80x128xf32, #tpu.memory_space<vmem>>, vector<1x16xf32>,
        %get3A_878 = vector.shape_cast %get3A_877 : vector<1x16xf32> to vector<16xf32>
        %mul3A_879 = arith.mulf %get3A_878, %broadcast_in_dim3A_820 : vector<16xf32>
        %swap3A_880 = arith.index_cast %add3A_824 : i32 to index
        %swap3A_881 = arith.constant 80 : index
        %swap3A_882 = tpu.vector_load %arg9[%swap3A_880, %swap3A_881] {strides = array<i32>} : memref<80x128xf32, #tpu.memory_space<vmem>>, vector<1x16xf32>,
        %swap3A_883 = vector.shape_cast %swap3A_882 : vector<1x16xf32> to vector<16xf32>
        %swap3A_884 = vector.shape_cast %mul3A_879 : vector<16xf32> to vector<1x16xf32>
        tpu.vector_store %arg9[%swap3A_880, %swap3A_881], %swap3A_884 {strides = array<i32>} : memref<80x128xf32, #tpu.memory_space<vmem>>, vector<1x16xf32>,
        %get3A_885 = arith.index_cast %add3A_824 : i32 to index
        %get3A_886 = arith.constant 96 : index
        %get3A_887 = tpu.vector_load %arg9[%get3A_885, %get3A_886] {strides = array<i32>} : memref<80x128xf32, #tpu.memory_space<vmem>>, vector<1x16xf32>,
        %get3A_888 = vector.shape_cast %get3A_887 : vector<1x16xf32> to vector<16xf32>
        %mul3A_889 = arith.mulf %get3A_888, %broadcast_in_dim3A_820 : vector<16xf32>
        %swap3A_890 = arith.index_cast %add3A_824 : i32 to index
        %swap3A_891 = arith.constant 96 : index
        %swap3A_892 = tpu.vector_load %arg9[%swap3A_890, %swap3A_891] {strides = array<i32>} : memref<80x128xf32, #tpu.memory_space<vmem>>, vector<1x16xf32>,
        %swap3A_893 = vector.shape_cast %swap3A_892 : vector<1x16xf32> to vector<16xf32>
        %swap3A_894 = vector.shape_cast %mul3A_889 : vector<16xf32> to vector<1x16xf32>
        tpu.vector_store %arg9[%swap3A_890, %swap3A_891], %swap3A_894 {strides = array<i32>} : memref<80x128xf32, #tpu.memory_space<vmem>>, vector<1x16xf32>,
        %get3A_895 = arith.index_cast %add3A_824 : i32 to index
        %get3A_896 = arith.constant 112 : index
        %get3A_897 = tpu.vector_load %arg9[%get3A_895, %get3A_896] {strides = array<i32>} : memref<80x128xf32, #tpu.memory_space<vmem>>, vector<1x16xf32>,
        %get3A_898 = vector.shape_cast %get3A_897 : vector<1x16xf32> to vector<16xf32>
        %mul3A_899 = arith.mulf %get3A_898, %broadcast_in_dim3A_820 : vector<16xf32>
        %swap3A_900 = arith.index_cast %add3A_824 : i32 to index
        %swap3A_901 = arith.constant 112 : index
        %swap3A_902 = tpu.vector_load %arg9[%swap3A_900, %swap3A_901] {strides = array<i32>} : memref<80x128xf32, #tpu.memory_space<vmem>>, vector<1x16xf32>,
        %swap3A_903 = vector.shape_cast %swap3A_902 : vector<1x16xf32> to vector<16xf32>
        %swap3A_904 = vector.shape_cast %mul3A_899 : vector<16xf32> to vector<1x16xf32>
        tpu.vector_store %arg9[%swap3A_900, %swap3A_901], %swap3A_904 {strides = array<i32>} : memref<80x128xf32, #tpu.memory_space<vmem>>, vector<1x16xf32>,
        %slice3A_905 = vector.extract_strided_slice %div3A {offsets = [9], sizes = [1], strides = [1]} : vector<16xf32> to vector<1xf32>
        %squeeze3A_906 = vector.extract %slice3A_905[0] : f32 from vector<1xf32>
        %broadcast_in_dim3A_907 = vector.broadcast %squeeze3A_906 : f32 to vector<16xf32>
        %mul3A_908 = arith.constant 16 : i32
        %mul3A_909 = arith.muli %scan3A_116, %mul3A_908 : i32
        %add3A_910 = arith.constant 9 : i32
        %add3A_911 = arith.addi %mul3A_909, %add3A_910 : i32
        %get3A_912 = arith.index_cast %add3A_911 : i32 to index
        %get3A_913 = arith.constant 0 : index
        %get3A_914 = tpu.vector_load %arg9[%get3A_912, %get3A_913] {strides = array<i32>} : memref<80x128xf32, #tpu.memory_space<vmem>>, vector<1x16xf32>,
        %get3A_915 = vector.shape_cast %get3A_914 : vector<1x16xf32> to vector<16xf32>
        %mul3A_916 = arith.mulf %get3A_915, %broadcast_in_dim3A_907 : vector<16xf32>
        %swap3A_917 = arith.index_cast %add3A_911 : i32 to index
        %swap3A_918 = arith.constant 0 : index
        %swap3A_919 = tpu.vector_load %arg9[%swap3A_917, %swap3A_918] {strides = array<i32>} : memref<80x128xf32, #tpu.memory_space<vmem>>, vector<1x16xf32>,
        %swap3A_920 = vector.shape_cast %swap3A_919 : vector<1x16xf32> to vector<16xf32>
        %swap3A_921 = vector.shape_cast %mul3A_916 : vector<16xf32> to vector<1x16xf32>
        tpu.vector_store %arg9[%swap3A_917, %swap3A_918], %swap3A_921 {strides = array<i32>} : memref<80x128xf32, #tpu.memory_space<vmem>>, vector<1x16xf32>,
        %get3A_922 = arith.index_cast %add3A_911 : i32 to index
        %get3A_923 = arith.constant 16 : index
        %get3A_924 = tpu.vector_load %arg9[%get3A_922, %get3A_923] {strides = array<i32>} : memref<80x128xf32, #tpu.memory_space<vmem>>, vector<1x16xf32>,
        %get3A_925 = vector.shape_cast %get3A_924 : vector<1x16xf32> to vector<16xf32>
        %mul3A_926 = arith.mulf %get3A_925, %broadcast_in_dim3A_907 : vector<16xf32>
        %swap3A_927 = arith.index_cast %add3A_911 : i32 to index
        %swap3A_928 = arith.constant 16 : index
        %swap3A_929 = tpu.vector_load %arg9[%swap3A_927, %swap3A_928] {strides = array<i32>} : memref<80x128xf32, #tpu.memory_space<vmem>>, vector<1x16xf32>,
        %swap3A_930 = vector.shape_cast %swap3A_929 : vector<1x16xf32> to vector<16xf32>
        %swap3A_931 = vector.shape_cast %mul3A_926 : vector<16xf32> to vector<1x16xf32>
        tpu.vector_store %arg9[%swap3A_927, %swap3A_928], %swap3A_931 {strides = array<i32>} : memref<80x128xf32, #tpu.memory_space<vmem>>, vector<1x16xf32>,
        %get3A_932 = arith.index_cast %add3A_911 : i32 to index
        %get3A_933 = arith.constant 32 : index
        %get3A_934 = tpu.vector_load %arg9[%get3A_932, %get3A_933] {strides = array<i32>} : memref<80x128xf32, #tpu.memory_space<vmem>>, vector<1x16xf32>,
        %get3A_935 = vector.shape_cast %get3A_934 : vector<1x16xf32> to vector<16xf32>
        %mul3A_936 = arith.mulf %get3A_935, %broadcast_in_dim3A_907 : vector<16xf32>
        %swap3A_937 = arith.index_cast %add3A_911 : i32 to index
        %swap3A_938 = arith.constant 32 : index
        %swap3A_939 = tpu.vector_load %arg9[%swap3A_937, %swap3A_938] {strides = array<i32>} : memref<80x128xf32, #tpu.memory_space<vmem>>, vector<1x16xf32>,
        %swap3A_940 = vector.shape_cast %swap3A_939 : vector<1x16xf32> to vector<16xf32>
        %swap3A_941 = vector.shape_cast %mul3A_936 : vector<16xf32> to vector<1x16xf32>
        tpu.vector_store %arg9[%swap3A_937, %swap3A_938], %swap3A_941 {strides = array<i32>} : memref<80x128xf32, #tpu.memory_space<vmem>>, vector<1x16xf32>,
        %get3A_942 = arith.index_cast %add3A_911 : i32 to index
        %get3A_943 = arith.constant 48 : index
        %get3A_944 = tpu.vector_load %arg9[%get3A_942, %get3A_943] {strides = array<i32>} : memref<80x128xf32, #tpu.memory_space<vmem>>, vector<1x16xf32>,
        %get3A_945 = vector.shape_cast %get3A_944 : vector<1x16xf32> to vector<16xf32>
        %mul3A_946 = arith.mulf %get3A_945, %broadcast_in_dim3A_907 : vector<16xf32>
        %swap3A_947 = arith.index_cast %add3A_911 : i32 to index
        %swap3A_948 = arith.constant 48 : index
        %swap3A_949 = tpu.vector_load %arg9[%swap3A_947, %swap3A_948] {strides = array<i32>} : memref<80x128xf32, #tpu.memory_space<vmem>>, vector<1x16xf32>,
        %swap3A_950 = vector.shape_cast %swap3A_949 : vector<1x16xf32> to vector<16xf32>
        %swap3A_951 = vector.shape_cast %mul3A_946 : vector<16xf32> to vector<1x16xf32>
        tpu.vector_store %arg9[%swap3A_947, %swap3A_948], %swap3A_951 {strides = array<i32>} : memref<80x128xf32, #tpu.memory_space<vmem>>, vector<1x16xf32>,
        %get3A_952 = arith.index_cast %add3A_911 : i32 to index
        %get3A_953 = arith.constant 64 : index
        %get3A_954 = tpu.vector_load %arg9[%get3A_952, %get3A_953] {strides = array<i32>} : memref<80x128xf32, #tpu.memory_space<vmem>>, vector<1x16xf32>,
        %get3A_955 = vector.shape_cast %get3A_954 : vector<1x16xf32> to vector<16xf32>
        %mul3A_956 = arith.mulf %get3A_955, %broadcast_in_dim3A_907 : vector<16xf32>
        %swap3A_957 = arith.index_cast %add3A_911 : i32 to index
        %swap3A_958 = arith.constant 64 : index
        %swap3A_959 = tpu.vector_load %arg9[%swap3A_957, %swap3A_958] {strides = array<i32>} : memref<80x128xf32, #tpu.memory_space<vmem>>, vector<1x16xf32>,
        %swap3A_960 = vector.shape_cast %swap3A_959 : vector<1x16xf32> to vector<16xf32>
        %swap3A_961 = vector.shape_cast %mul3A_956 : vector<16xf32> to vector<1x16xf32>
        tpu.vector_store %arg9[%swap3A_957, %swap3A_958], %swap3A_961 {strides = array<i32>} : memref<80x128xf32, #tpu.memory_space<vmem>>, vector<1x16xf32>,
        %get3A_962 = arith.index_cast %add3A_911 : i32 to index
        %get3A_963 = arith.constant 80 : index
        %get3A_964 = tpu.vector_load %arg9[%get3A_962, %get3A_963] {strides = array<i32>} : memref<80x128xf32, #tpu.memory_space<vmem>>, vector<1x16xf32>,
        %get3A_965 = vector.shape_cast %get3A_964 : vector<1x16xf32> to vector<16xf32>
        %mul3A_966 = arith.mulf %get3A_965, %broadcast_in_dim3A_907 : vector<16xf32>
        %swap3A_967 = arith.index_cast %add3A_911 : i32 to index
        %swap3A_968 = arith.constant 80 : index
        %swap3A_969 = tpu.vector_load %arg9[%swap3A_967, %swap3A_968] {strides = array<i32>} : memref<80x128xf32, #tpu.memory_space<vmem>>, vector<1x16xf32>,
        %swap3A_970 = vector.shape_cast %swap3A_969 : vector<1x16xf32> to vector<16xf32>
        %swap3A_971 = vector.shape_cast %mul3A_966 : vector<16xf32> to vector<1x16xf32>
        tpu.vector_store %arg9[%swap3A_967, %swap3A_968], %swap3A_971 {strides = array<i32>} : memref<80x128xf32, #tpu.memory_space<vmem>>, vector<1x16xf32>,
        %get3A_972 = arith.index_cast %add3A_911 : i32 to index
        %get3A_973 = arith.constant 96 : index
        %get3A_974 = tpu.vector_load %arg9[%get3A_972, %get3A_973] {strides = array<i32>} : memref<80x128xf32, #tpu.memory_space<vmem>>, vector<1x16xf32>,
        %get3A_975 = vector.shape_cast %get3A_974 : vector<1x16xf32> to vector<16xf32>
        %mul3A_976 = arith.mulf %get3A_975, %broadcast_in_dim3A_907 : vector<16xf32>
        %swap3A_977 = arith.index_cast %add3A_911 : i32 to index
        %swap3A_978 = arith.constant 96 : index
        %swap3A_979 = tpu.vector_load %arg9[%swap3A_977, %swap3A_978] {strides = array<i32>} : memref<80x128xf32, #tpu.memory_space<vmem>>, vector<1x16xf32>,
        %swap3A_980 = vector.shape_cast %swap3A_979 : vector<1x16xf32> to vector<16xf32>
        %swap3A_981 = vector.shape_cast %mul3A_976 : vector<16xf32> to vector<1x16xf32>
        tpu.vector_store %arg9[%swap3A_977, %swap3A_978], %swap3A_981 {strides = array<i32>} : memref<80x128xf32, #tpu.memory_space<vmem>>, vector<1x16xf32>,
        %get3A_982 = arith.index_cast %add3A_911 : i32 to index
        %get3A_983 = arith.constant 112 : index
        %get3A_984 = tpu.vector_load %arg9[%get3A_982, %get3A_983] {strides = array<i32>} : memref<80x128xf32, #tpu.memory_space<vmem>>, vector<1x16xf32>,
        %get3A_985 = vector.shape_cast %get3A_984 : vector<1x16xf32> to vector<16xf32>
        %mul3A_986 = arith.mulf %get3A_985, %broadcast_in_dim3A_907 : vector<16xf32>
        %swap3A_987 = arith.index_cast %add3A_911 : i32 to index
        %swap3A_988 = arith.constant 112 : index
        %swap3A_989 = tpu.vector_load %arg9[%swap3A_987, %swap3A_988] {strides = array<i32>} : memref<80x128xf32, #tpu.memory_space<vmem>>, vector<1x16xf32>,
        %swap3A_990 = vector.shape_cast %swap3A_989 : vector<1x16xf32> to vector<16xf32>
        %swap3A_991 = vector.shape_cast %mul3A_986 : vector<16xf32> to vector<1x16xf32>
        tpu.vector_store %arg9[%swap3A_987, %swap3A_988], %swap3A_991 {strides = array<i32>} : memref<80x128xf32, #tpu.memory_space<vmem>>, vector<1x16xf32>,
        %slice3A_992 = vector.extract_strided_slice %div3A {offsets = [10], sizes = [1], strides = [1]} : vector<16xf32> to vector<1xf32>
        %squeeze3A_993 = vector.extract %slice3A_992[0] : f32 from vector<1xf32>
        %broadcast_in_dim3A_994 = vector.broadcast %squeeze3A_993 : f32 to vector<16xf32>
        %mul3A_995 = arith.constant 16 : i32
        %mul3A_996 = arith.muli %scan3A_116, %mul3A_995 : i32
        %add3A_997 = arith.constant 10 : i32
        %add3A_998 = arith.addi %mul3A_996, %add3A_997 : i32
        %get3A_999 = arith.index_cast %add3A_998 : i32 to index
        %get3A_1000 = arith.constant 0 : index
        %get3A_1001 = tpu.vector_load %arg9[%get3A_999, %get3A_1000] {strides = array<i32>} : memref<80x128xf32, #tpu.memory_space<vmem>>, vector<1x16xf32>,
        %get3A_1002 = vector.shape_cast %get3A_1001 : vector<1x16xf32> to vector<16xf32>
        %mul3A_1003 = arith.mulf %get3A_1002, %broadcast_in_dim3A_994 : vector<16xf32>
        %swap3A_1004 = arith.index_cast %add3A_998 : i32 to index
        %swap3A_1005 = arith.constant 0 : index
        %swap3A_1006 = tpu.vector_load %arg9[%swap3A_1004, %swap3A_1005] {strides = array<i32>} : memref<80x128xf32, #tpu.memory_space<vmem>>, vector<1x16xf32>,
        %swap3A_1007 = vector.shape_cast %swap3A_1006 : vector<1x16xf32> to vector<16xf32>
        %swap3A_1008 = vector.shape_cast %mul3A_1003 : vector<16xf32> to vector<1x16xf32>
        tpu.vector_store %arg9[%swap3A_1004, %swap3A_1005], %swap3A_1008 {strides = array<i32>} : memref<80x128xf32, #tpu.memory_space<vmem>>, vector<1x16xf32>,
        %get3A_1009 = arith.index_cast %add3A_998 : i32 to index
        %get3A_1010 = arith.constant 16 : index
        %get3A_1011 = tpu.vector_load %arg9[%get3A_1009, %get3A_1010] {strides = array<i32>} : memref<80x128xf32, #tpu.memory_space<vmem>>, vector<1x16xf32>,
        %get3A_1012 = vector.shape_cast %get3A_1011 : vector<1x16xf32> to vector<16xf32>
        %mul3A_1013 = arith.mulf %get3A_1012, %broadcast_in_dim3A_994 : vector<16xf32>
        %swap3A_1014 = arith.index_cast %add3A_998 : i32 to index
        %swap3A_1015 = arith.constant 16 : index
        %swap3A_1016 = tpu.vector_load %arg9[%swap3A_1014, %swap3A_1015] {strides = array<i32>} : memref<80x128xf32, #tpu.memory_space<vmem>>, vector<1x16xf32>,
        %swap3A_1017 = vector.shape_cast %swap3A_1016 : vector<1x16xf32> to vector<16xf32>
        %swap3A_1018 = vector.shape_cast %mul3A_1013 : vector<16xf32> to vector<1x16xf32>
        tpu.vector_store %arg9[%swap3A_1014, %swap3A_1015], %swap3A_1018 {strides = array<i32>} : memref<80x128xf32, #tpu.memory_space<vmem>>, vector<1x16xf32>,
        %get3A_1019 = arith.index_cast %add3A_998 : i32 to index
        %get3A_1020 = arith.constant 32 : index
        %get3A_1021 = tpu.vector_load %arg9[%get3A_1019, %get3A_1020] {strides = array<i32>} : memref<80x128xf32, #tpu.memory_space<vmem>>, vector<1x16xf32>,
        %get3A_1022 = vector.shape_cast %get3A_1021 : vector<1x16xf32> to vector<16xf32>
        %mul3A_1023 = arith.mulf %get3A_1022, %broadcast_in_dim3A_994 : vector<16xf32>
        %swap3A_1024 = arith.index_cast %add3A_998 : i32 to index
        %swap3A_1025 = arith.constant 32 : index
        %swap3A_1026 = tpu.vector_load %arg9[%swap3A_1024, %swap3A_1025] {strides = array<i32>} : memref<80x128xf32, #tpu.memory_space<vmem>>, vector<1x16xf32>,
        %swap3A_1027 = vector.shape_cast %swap3A_1026 : vector<1x16xf32> to vector<16xf32>
        %swap3A_1028 = vector.shape_cast %mul3A_1023 : vector<16xf32> to vector<1x16xf32>
        tpu.vector_store %arg9[%swap3A_1024, %swap3A_1025], %swap3A_1028 {strides = array<i32>} : memref<80x128xf32, #tpu.memory_space<vmem>>, vector<1x16xf32>,
        %get3A_1029 = arith.index_cast %add3A_998 : i32 to index
        %get3A_1030 = arith.constant 48 : index
        %get3A_1031 = tpu.vector_load %arg9[%get3A_1029, %get3A_1030] {strides = array<i32>} : memref<80x128xf32, #tpu.memory_space<vmem>>, vector<1x16xf32>,
        %get3A_1032 = vector.shape_cast %get3A_1031 : vector<1x16xf32> to vector<16xf32>
        %mul3A_1033 = arith.mulf %get3A_1032, %broadcast_in_dim3A_994 : vector<16xf32>
        %swap3A_1034 = arith.index_cast %add3A_998 : i32 to index
        %swap3A_1035 = arith.constant 48 : index
        %swap3A_1036 = tpu.vector_load %arg9[%swap3A_1034, %swap3A_1035] {strides = array<i32>} : memref<80x128xf32, #tpu.memory_space<vmem>>, vector<1x16xf32>,
        %swap3A_1037 = vector.shape_cast %swap3A_1036 : vector<1x16xf32> to vector<16xf32>
        %swap3A_1038 = vector.shape_cast %mul3A_1033 : vector<16xf32> to vector<1x16xf32>
        tpu.vector_store %arg9[%swap3A_1034, %swap3A_1035], %swap3A_1038 {strides = array<i32>} : memref<80x128xf32, #tpu.memory_space<vmem>>, vector<1x16xf32>,
        %get3A_1039 = arith.index_cast %add3A_998 : i32 to index
        %get3A_1040 = arith.constant 64 : index
        %get3A_1041 = tpu.vector_load %arg9[%get3A_1039, %get3A_1040] {strides = array<i32>} : memref<80x128xf32, #tpu.memory_space<vmem>>, vector<1x16xf32>,
        %get3A_1042 = vector.shape_cast %get3A_1041 : vector<1x16xf32> to vector<16xf32>
        %mul3A_1043 = arith.mulf %get3A_1042, %broadcast_in_dim3A_994 : vector<16xf32>
        %swap3A_1044 = arith.index_cast %add3A_998 : i32 to index
        %swap3A_1045 = arith.constant 64 : index
        %swap3A_1046 = tpu.vector_load %arg9[%swap3A_1044, %swap3A_1045] {strides = array<i32>} : memref<80x128xf32, #tpu.memory_space<vmem>>, vector<1x16xf32>,
        %swap3A_1047 = vector.shape_cast %swap3A_1046 : vector<1x16xf32> to vector<16xf32>
        %swap3A_1048 = vector.shape_cast %mul3A_1043 : vector<16xf32> to vector<1x16xf32>
        tpu.vector_store %arg9[%swap3A_1044, %swap3A_1045], %swap3A_1048 {strides = array<i32>} : memref<80x128xf32, #tpu.memory_space<vmem>>, vector<1x16xf32>,
        %get3A_1049 = arith.index_cast %add3A_998 : i32 to index
        %get3A_1050 = arith.constant 80 : index
        %get3A_1051 = tpu.vector_load %arg9[%get3A_1049, %get3A_1050] {strides = array<i32>} : memref<80x128xf32, #tpu.memory_space<vmem>>, vector<1x16xf32>,
        %get3A_1052 = vector.shape_cast %get3A_1051 : vector<1x16xf32> to vector<16xf32>
        %mul3A_1053 = arith.mulf %get3A_1052, %broadcast_in_dim3A_994 : vector<16xf32>
        %swap3A_1054 = arith.index_cast %add3A_998 : i32 to index
        %swap3A_1055 = arith.constant 80 : index
        %swap3A_1056 = tpu.vector_load %arg9[%swap3A_1054, %swap3A_1055] {strides = array<i32>} : memref<80x128xf32, #tpu.memory_space<vmem>>, vector<1x16xf32>,
        %swap3A_1057 = vector.shape_cast %swap3A_1056 : vector<1x16xf32> to vector<16xf32>
        %swap3A_1058 = vector.shape_cast %mul3A_1053 : vector<16xf32> to vector<1x16xf32>
        tpu.vector_store %arg9[%swap3A_1054, %swap3A_1055], %swap3A_1058 {strides = array<i32>} : memref<80x128xf32, #tpu.memory_space<vmem>>, vector<1x16xf32>,
        %get3A_1059 = arith.index_cast %add3A_998 : i32 to index
        %get3A_1060 = arith.constant 96 : index
        %get3A_1061 = tpu.vector_load %arg9[%get3A_1059, %get3A_1060] {strides = array<i32>} : memref<80x128xf32, #tpu.memory_space<vmem>>, vector<1x16xf32>,
        %get3A_1062 = vector.shape_cast %get3A_1061 : vector<1x16xf32> to vector<16xf32>
        %mul3A_1063 = arith.mulf %get3A_1062, %broadcast_in_dim3A_994 : vector<16xf32>
        %swap3A_1064 = arith.index_cast %add3A_998 : i32 to index
        %swap3A_1065 = arith.constant 96 : index
        %swap3A_1066 = tpu.vector_load %arg9[%swap3A_1064, %swap3A_1065] {strides = array<i32>} : memref<80x128xf32, #tpu.memory_space<vmem>>, vector<1x16xf32>,
        %swap3A_1067 = vector.shape_cast %swap3A_1066 : vector<1x16xf32> to vector<16xf32>
        %swap3A_1068 = vector.shape_cast %mul3A_1063 : vector<16xf32> to vector<1x16xf32>
        tpu.vector_store %arg9[%swap3A_1064, %swap3A_1065], %swap3A_1068 {strides = array<i32>} : memref<80x128xf32, #tpu.memory_space<vmem>>, vector<1x16xf32>,
        %get3A_1069 = arith.index_cast %add3A_998 : i32 to index
        %get3A_1070 = arith.constant 112 : index
        %get3A_1071 = tpu.vector_load %arg9[%get3A_1069, %get3A_1070] {strides = array<i32>} : memref<80x128xf32, #tpu.memory_space<vmem>>, vector<1x16xf32>,
        %get3A_1072 = vector.shape_cast %get3A_1071 : vector<1x16xf32> to vector<16xf32>
        %mul3A_1073 = arith.mulf %get3A_1072, %broadcast_in_dim3A_994 : vector<16xf32>
        %swap3A_1074 = arith.index_cast %add3A_998 : i32 to index
        %swap3A_1075 = arith.constant 112 : index
        %swap3A_1076 = tpu.vector_load %arg9[%swap3A_1074, %swap3A_1075] {strides = array<i32>} : memref<80x128xf32, #tpu.memory_space<vmem>>, vector<1x16xf32>,
        %swap3A_1077 = vector.shape_cast %swap3A_1076 : vector<1x16xf32> to vector<16xf32>
        %swap3A_1078 = vector.shape_cast %mul3A_1073 : vector<16xf32> to vector<1x16xf32>
        tpu.vector_store %arg9[%swap3A_1074, %swap3A_1075], %swap3A_1078 {strides = array<i32>} : memref<80x128xf32, #tpu.memory_space<vmem>>, vector<1x16xf32>,
        %slice3A_1079 = vector.extract_strided_slice %div3A {offsets = [11], sizes = [1], strides = [1]} : vector<16xf32> to vector<1xf32>
        %squeeze3A_1080 = vector.extract %slice3A_1079[0] : f32 from vector<1xf32>
        %broadcast_in_dim3A_1081 = vector.broadcast %squeeze3A_1080 : f32 to vector<16xf32>
        %mul3A_1082 = arith.constant 16 : i32
        %mul3A_1083 = arith.muli %scan3A_116, %mul3A_1082 : i32
        %add3A_1084 = arith.constant 11 : i32
        %add3A_1085 = arith.addi %mul3A_1083, %add3A_1084 : i32
        %get3A_1086 = arith.index_cast %add3A_1085 : i32 to index
        %get3A_1087 = arith.constant 0 : index
        %get3A_1088 = tpu.vector_load %arg9[%get3A_1086, %get3A_1087] {strides = array<i32>} : memref<80x128xf32, #tpu.memory_space<vmem>>, vector<1x16xf32>,
        %get3A_1089 = vector.shape_cast %get3A_1088 : vector<1x16xf32> to vector<16xf32>
        %mul3A_1090 = arith.mulf %get3A_1089, %broadcast_in_dim3A_1081 : vector<16xf32>
        %swap3A_1091 = arith.index_cast %add3A_1085 : i32 to index
        %swap3A_1092 = arith.constant 0 : index
        %swap3A_1093 = tpu.vector_load %arg9[%swap3A_1091, %swap3A_1092] {strides = array<i32>} : memref<80x128xf32, #tpu.memory_space<vmem>>, vector<1x16xf32>,
        %swap3A_1094 = vector.shape_cast %swap3A_1093 : vector<1x16xf32> to vector<16xf32>
        %swap3A_1095 = vector.shape_cast %mul3A_1090 : vector<16xf32> to vector<1x16xf32>
        tpu.vector_store %arg9[%swap3A_1091, %swap3A_1092], %swap3A_1095 {strides = array<i32>} : memref<80x128xf32, #tpu.memory_space<vmem>>, vector<1x16xf32>,
        %get3A_1096 = arith.index_cast %add3A_1085 : i32 to index
        %get3A_1097 = arith.constant 16 : index
        %get3A_1098 = tpu.vector_load %arg9[%get3A_1096, %get3A_1097] {strides = array<i32>} : memref<80x128xf32, #tpu.memory_space<vmem>>, vector<1x16xf32>,
        %get3A_1099 = vector.shape_cast %get3A_1098 : vector<1x16xf32> to vector<16xf32>
        %mul3A_1100 = arith.mulf %get3A_1099, %broadcast_in_dim3A_1081 : vector<16xf32>
        %swap3A_1101 = arith.index_cast %add3A_1085 : i32 to index
        %swap3A_1102 = arith.constant 16 : index
        %swap3A_1103 = tpu.vector_load %arg9[%swap3A_1101, %swap3A_1102] {strides = array<i32>} : memref<80x128xf32, #tpu.memory_space<vmem>>, vector<1x16xf32>,
        %swap3A_1104 = vector.shape_cast %swap3A_1103 : vector<1x16xf32> to vector<16xf32>
        %swap3A_1105 = vector.shape_cast %mul3A_1100 : vector<16xf32> to vector<1x16xf32>
        tpu.vector_store %arg9[%swap3A_1101, %swap3A_1102], %swap3A_1105 {strides = array<i32>} : memref<80x128xf32, #tpu.memory_space<vmem>>, vector<1x16xf32>,
        %get3A_1106 = arith.index_cast %add3A_1085 : i32 to index
        %get3A_1107 = arith.constant 32 : index
        %get3A_1108 = tpu.vector_load %arg9[%get3A_1106, %get3A_1107] {strides = array<i32>} : memref<80x128xf32, #tpu.memory_space<vmem>>, vector<1x16xf32>,
        %get3A_1109 = vector.shape_cast %get3A_1108 : vector<1x16xf32> to vector<16xf32>
        %mul3A_1110 = arith.mulf %get3A_1109, %broadcast_in_dim3A_1081 : vector<16xf32>
        %swap3A_1111 = arith.index_cast %add3A_1085 : i32 to index
        %swap3A_1112 = arith.constant 32 : index
        %swap3A_1113 = tpu.vector_load %arg9[%swap3A_1111, %swap3A_1112] {strides = array<i32>} : memref<80x128xf32, #tpu.memory_space<vmem>>, vector<1x16xf32>,
        %swap3A_1114 = vector.shape_cast %swap3A_1113 : vector<1x16xf32> to vector<16xf32>
        %swap3A_1115 = vector.shape_cast %mul3A_1110 : vector<16xf32> to vector<1x16xf32>
        tpu.vector_store %arg9[%swap3A_1111, %swap3A_1112], %swap3A_1115 {strides = array<i32>} : memref<80x128xf32, #tpu.memory_space<vmem>>, vector<1x16xf32>,
        %get3A_1116 = arith.index_cast %add3A_1085 : i32 to index
        %get3A_1117 = arith.constant 48 : index
        %get3A_1118 = tpu.vector_load %arg9[%get3A_1116, %get3A_1117] {strides = array<i32>} : memref<80x128xf32, #tpu.memory_space<vmem>>, vector<1x16xf32>,
        %get3A_1119 = vector.shape_cast %get3A_1118 : vector<1x16xf32> to vector<16xf32>
        %mul3A_1120 = arith.mulf %get3A_1119, %broadcast_in_dim3A_1081 : vector<16xf32>
        %swap3A_1121 = arith.index_cast %add3A_1085 : i32 to index
        %swap3A_1122 = arith.constant 48 : index
        %swap3A_1123 = tpu.vector_load %arg9[%swap3A_1121, %swap3A_1122] {strides = array<i32>} : memref<80x128xf32, #tpu.memory_space<vmem>>, vector<1x16xf32>,
        %swap3A_1124 = vector.shape_cast %swap3A_1123 : vector<1x16xf32> to vector<16xf32>
        %swap3A_1125 = vector.shape_cast %mul3A_1120 : vector<16xf32> to vector<1x16xf32>
        tpu.vector_store %arg9[%swap3A_1121, %swap3A_1122], %swap3A_1125 {strides = array<i32>} : memref<80x128xf32, #tpu.memory_space<vmem>>, vector<1x16xf32>,
        %get3A_1126 = arith.index_cast %add3A_1085 : i32 to index
        %get3A_1127 = arith.constant 64 : index
        %get3A_1128 = tpu.vector_load %arg9[%get3A_1126, %get3A_1127] {strides = array<i32>} : memref<80x128xf32, #tpu.memory_space<vmem>>, vector<1x16xf32>,
        %get3A_1129 = vector.shape_cast %get3A_1128 : vector<1x16xf32> to vector<16xf32>
        %mul3A_1130 = arith.mulf %get3A_1129, %broadcast_in_dim3A_1081 : vector<16xf32>
        %swap3A_1131 = arith.index_cast %add3A_1085 : i32 to index
        %swap3A_1132 = arith.constant 64 : index
        %swap3A_1133 = tpu.vector_load %arg9[%swap3A_1131, %swap3A_1132] {strides = array<i32>} : memref<80x128xf32, #tpu.memory_space<vmem>>, vector<1x16xf32>,
        %swap3A_1134 = vector.shape_cast %swap3A_1133 : vector<1x16xf32> to vector<16xf32>
        %swap3A_1135 = vector.shape_cast %mul3A_1130 : vector<16xf32> to vector<1x16xf32>
        tpu.vector_store %arg9[%swap3A_1131, %swap3A_1132], %swap3A_1135 {strides = array<i32>} : memref<80x128xf32, #tpu.memory_space<vmem>>, vector<1x16xf32>,
        %get3A_1136 = arith.index_cast %add3A_1085 : i32 to index
        %get3A_1137 = arith.constant 80 : index
        %get3A_1138 = tpu.vector_load %arg9[%get3A_1136, %get3A_1137] {strides = array<i32>} : memref<80x128xf32, #tpu.memory_space<vmem>>, vector<1x16xf32>,
        %get3A_1139 = vector.shape_cast %get3A_1138 : vector<1x16xf32> to vector<16xf32>
        %mul3A_1140 = arith.mulf %get3A_1139, %broadcast_in_dim3A_1081 : vector<16xf32>
        %swap3A_1141 = arith.index_cast %add3A_1085 : i32 to index
        %swap3A_1142 = arith.constant 80 : index
        %swap3A_1143 = tpu.vector_load %arg9[%swap3A_1141, %swap3A_1142] {strides = array<i32>} : memref<80x128xf32, #tpu.memory_space<vmem>>, vector<1x16xf32>,
        %swap3A_1144 = vector.shape_cast %swap3A_1143 : vector<1x16xf32> to vector<16xf32>
        %swap3A_1145 = vector.shape_cast %mul3A_1140 : vector<16xf32> to vector<1x16xf32>
        tpu.vector_store %arg9[%swap3A_1141, %swap3A_1142], %swap3A_1145 {strides = array<i32>} : memref<80x128xf32, #tpu.memory_space<vmem>>, vector<1x16xf32>,
        %get3A_1146 = arith.index_cast %add3A_1085 : i32 to index
        %get3A_1147 = arith.constant 96 : index
        %get3A_1148 = tpu.vector_load %arg9[%get3A_1146, %get3A_1147] {strides = array<i32>} : memref<80x128xf32, #tpu.memory_space<vmem>>, vector<1x16xf32>,
        %get3A_1149 = vector.shape_cast %get3A_1148 : vector<1x16xf32> to vector<16xf32>
        %mul3A_1150 = arith.mulf %get3A_1149, %broadcast_in_dim3A_1081 : vector<16xf32>
        %swap3A_1151 = arith.index_cast %add3A_1085 : i32 to index
        %swap3A_1152 = arith.constant 96 : index
        %swap3A_1153 = tpu.vector_load %arg9[%swap3A_1151, %swap3A_1152] {strides = array<i32>} : memref<80x128xf32, #tpu.memory_space<vmem>>, vector<1x16xf32>,
        %swap3A_1154 = vector.shape_cast %swap3A_1153 : vector<1x16xf32> to vector<16xf32>
        %swap3A_1155 = vector.shape_cast %mul3A_1150 : vector<16xf32> to vector<1x16xf32>
        tpu.vector_store %arg9[%swap3A_1151, %swap3A_1152], %swap3A_1155 {strides = array<i32>} : memref<80x128xf32, #tpu.memory_space<vmem>>, vector<1x16xf32>,
        %get3A_1156 = arith.index_cast %add3A_1085 : i32 to index
        %get3A_1157 = arith.constant 112 : index
        %get3A_1158 = tpu.vector_load %arg9[%get3A_1156, %get3A_1157] {strides = array<i32>} : memref<80x128xf32, #tpu.memory_space<vmem>>, vector<1x16xf32>,
        %get3A_1159 = vector.shape_cast %get3A_1158 : vector<1x16xf32> to vector<16xf32>
        %mul3A_1160 = arith.mulf %get3A_1159, %broadcast_in_dim3A_1081 : vector<16xf32>
        %swap3A_1161 = arith.index_cast %add3A_1085 : i32 to index
        %swap3A_1162 = arith.constant 112 : index
        %swap3A_1163 = tpu.vector_load %arg9[%swap3A_1161, %swap3A_1162] {strides = array<i32>} : memref<80x128xf32, #tpu.memory_space<vmem>>, vector<1x16xf32>,
        %swap3A_1164 = vector.shape_cast %swap3A_1163 : vector<1x16xf32> to vector<16xf32>
        %swap3A_1165 = vector.shape_cast %mul3A_1160 : vector<16xf32> to vector<1x16xf32>
        tpu.vector_store %arg9[%swap3A_1161, %swap3A_1162], %swap3A_1165 {strides = array<i32>} : memref<80x128xf32, #tpu.memory_space<vmem>>, vector<1x16xf32>,
        %slice3A_1166 = vector.extract_strided_slice %div3A {offsets = [12], sizes = [1], strides = [1]} : vector<16xf32> to vector<1xf32>
        %squeeze3A_1167 = vector.extract %slice3A_1166[0] : f32 from vector<1xf32>
        %broadcast_in_dim3A_1168 = vector.broadcast %squeeze3A_1167 : f32 to vector<16xf32>
        %mul3A_1169 = arith.constant 16 : i32
        %mul3A_1170 = arith.muli %scan3A_116, %mul3A_1169 : i32
        %add3A_1171 = arith.constant 12 : i32
        %add3A_1172 = arith.addi %mul3A_1170, %add3A_1171 : i32
        %get3A_1173 = arith.index_cast %add3A_1172 : i32 to index
        %get3A_1174 = arith.constant 0 : index
        %get3A_1175 = tpu.vector_load %arg9[%get3A_1173, %get3A_1174] {strides = array<i32>} : memref<80x128xf32, #tpu.memory_space<vmem>>, vector<1x16xf32>,
        %get3A_1176 = vector.shape_cast %get3A_1175 : vector<1x16xf32> to vector<16xf32>
        %mul3A_1177 = arith.mulf %get3A_1176, %broadcast_in_dim3A_1168 : vector<16xf32>
        %swap3A_1178 = arith.index_cast %add3A_1172 : i32 to index
        %swap3A_1179 = arith.constant 0 : index
        %swap3A_1180 = tpu.vector_load %arg9[%swap3A_1178, %swap3A_1179] {strides = array<i32>} : memref<80x128xf32, #tpu.memory_space<vmem>>, vector<1x16xf32>,
        %swap3A_1181 = vector.shape_cast %swap3A_1180 : vector<1x16xf32> to vector<16xf32>
        %swap3A_1182 = vector.shape_cast %mul3A_1177 : vector<16xf32> to vector<1x16xf32>
        tpu.vector_store %arg9[%swap3A_1178, %swap3A_1179], %swap3A_1182 {strides = array<i32>} : memref<80x128xf32, #tpu.memory_space<vmem>>, vector<1x16xf32>,
        %get3A_1183 = arith.index_cast %add3A_1172 : i32 to index
        %get3A_1184 = arith.constant 16 : index
        %get3A_1185 = tpu.vector_load %arg9[%get3A_1183, %get3A_1184] {strides = array<i32>} : memref<80x128xf32, #tpu.memory_space<vmem>>, vector<1x16xf32>,
        %get3A_1186 = vector.shape_cast %get3A_1185 : vector<1x16xf32> to vector<16xf32>
        %mul3A_1187 = arith.mulf %get3A_1186, %broadcast_in_dim3A_1168 : vector<16xf32>
        %swap3A_1188 = arith.index_cast %add3A_1172 : i32 to index
        %swap3A_1189 = arith.constant 16 : index
        %swap3A_1190 = tpu.vector_load %arg9[%swap3A_1188, %swap3A_1189] {strides = array<i32>} : memref<80x128xf32, #tpu.memory_space<vmem>>, vector<1x16xf32>,
        %swap3A_1191 = vector.shape_cast %swap3A_1190 : vector<1x16xf32> to vector<16xf32>
        %swap3A_1192 = vector.shape_cast %mul3A_1187 : vector<16xf32> to vector<1x16xf32>
        tpu.vector_store %arg9[%swap3A_1188, %swap3A_1189], %swap3A_1192 {strides = array<i32>} : memref<80x128xf32, #tpu.memory_space<vmem>>, vector<1x16xf32>,
        %get3A_1193 = arith.index_cast %add3A_1172 : i32 to index
        %get3A_1194 = arith.constant 32 : index
        %get3A_1195 = tpu.vector_load %arg9[%get3A_1193, %get3A_1194] {strides = array<i32>} : memref<80x128xf32, #tpu.memory_space<vmem>>, vector<1x16xf32>,
        %get3A_1196 = vector.shape_cast %get3A_1195 : vector<1x16xf32> to vector<16xf32>
        %mul3A_1197 = arith.mulf %get3A_1196, %broadcast_in_dim3A_1168 : vector<16xf32>
        %swap3A_1198 = arith.index_cast %add3A_1172 : i32 to index
        %swap3A_1199 = arith.constant 32 : index
        %swap3A_1200 = tpu.vector_load %arg9[%swap3A_1198, %swap3A_1199] {strides = array<i32>} : memref<80x128xf32, #tpu.memory_space<vmem>>, vector<1x16xf32>,
        %swap3A_1201 = vector.shape_cast %swap3A_1200 : vector<1x16xf32> to vector<16xf32>
        %swap3A_1202 = vector.shape_cast %mul3A_1197 : vector<16xf32> to vector<1x16xf32>
        tpu.vector_store %arg9[%swap3A_1198, %swap3A_1199], %swap3A_1202 {strides = array<i32>} : memref<80x128xf32, #tpu.memory_space<vmem>>, vector<1x16xf32>,
        %get3A_1203 = arith.index_cast %add3A_1172 : i32 to index
        %get3A_1204 = arith.constant 48 : index
        %get3A_1205 = tpu.vector_load %arg9[%get3A_1203, %get3A_1204] {strides = array<i32>} : memref<80x128xf32, #tpu.memory_space<vmem>>, vector<1x16xf32>,
        %get3A_1206 = vector.shape_cast %get3A_1205 : vector<1x16xf32> to vector<16xf32>
        %mul3A_1207 = arith.mulf %get3A_1206, %broadcast_in_dim3A_1168 : vector<16xf32>
        %swap3A_1208 = arith.index_cast %add3A_1172 : i32 to index
        %swap3A_1209 = arith.constant 48 : index
        %swap3A_1210 = tpu.vector_load %arg9[%swap3A_1208, %swap3A_1209] {strides = array<i32>} : memref<80x128xf32, #tpu.memory_space<vmem>>, vector<1x16xf32>,
        %swap3A_1211 = vector.shape_cast %swap3A_1210 : vector<1x16xf32> to vector<16xf32>
        %swap3A_1212 = vector.shape_cast %mul3A_1207 : vector<16xf32> to vector<1x16xf32>
        tpu.vector_store %arg9[%swap3A_1208, %swap3A_1209], %swap3A_1212 {strides = array<i32>} : memref<80x128xf32, #tpu.memory_space<vmem>>, vector<1x16xf32>,
        %get3A_1213 = arith.index_cast %add3A_1172 : i32 to index
        %get3A_1214 = arith.constant 64 : index
        %get3A_1215 = tpu.vector_load %arg9[%get3A_1213, %get3A_1214] {strides = array<i32>} : memref<80x128xf32, #tpu.memory_space<vmem>>, vector<1x16xf32>,
        %get3A_1216 = vector.shape_cast %get3A_1215 : vector<1x16xf32> to vector<16xf32>
        %mul3A_1217 = arith.mulf %get3A_1216, %broadcast_in_dim3A_1168 : vector<16xf32>
        %swap3A_1218 = arith.index_cast %add3A_1172 : i32 to index
        %swap3A_1219 = arith.constant 64 : index
        %swap3A_1220 = tpu.vector_load %arg9[%swap3A_1218, %swap3A_1219] {strides = array<i32>} : memref<80x128xf32, #tpu.memory_space<vmem>>, vector<1x16xf32>,
        %swap3A_1221 = vector.shape_cast %swap3A_1220 : vector<1x16xf32> to vector<16xf32>
        %swap3A_1222 = vector.shape_cast %mul3A_1217 : vector<16xf32> to vector<1x16xf32>
        tpu.vector_store %arg9[%swap3A_1218, %swap3A_1219], %swap3A_1222 {strides = array<i32>} : memref<80x128xf32, #tpu.memory_space<vmem>>, vector<1x16xf32>,
        %get3A_1223 = arith.index_cast %add3A_1172 : i32 to index
        %get3A_1224 = arith.constant 80 : index
        %get3A_1225 = tpu.vector_load %arg9[%get3A_1223, %get3A_1224] {strides = array<i32>} : memref<80x128xf32, #tpu.memory_space<vmem>>, vector<1x16xf32>,
        %get3A_1226 = vector.shape_cast %get3A_1225 : vector<1x16xf32> to vector<16xf32>
        %mul3A_1227 = arith.mulf %get3A_1226, %broadcast_in_dim3A_1168 : vector<16xf32>
        %swap3A_1228 = arith.index_cast %add3A_1172 : i32 to index
        %swap3A_1229 = arith.constant 80 : index
        %swap3A_1230 = tpu.vector_load %arg9[%swap3A_1228, %swap3A_1229] {strides = array<i32>} : memref<80x128xf32, #tpu.memory_space<vmem>>, vector<1x16xf32>,
        %swap3A_1231 = vector.shape_cast %swap3A_1230 : vector<1x16xf32> to vector<16xf32>
        %swap3A_1232 = vector.shape_cast %mul3A_1227 : vector<16xf32> to vector<1x16xf32>
        tpu.vector_store %arg9[%swap3A_1228, %swap3A_1229], %swap3A_1232 {strides = array<i32>} : memref<80x128xf32, #tpu.memory_space<vmem>>, vector<1x16xf32>,
        %get3A_1233 = arith.index_cast %add3A_1172 : i32 to index
        %get3A_1234 = arith.constant 96 : index
        %get3A_1235 = tpu.vector_load %arg9[%get3A_1233, %get3A_1234] {strides = array<i32>} : memref<80x128xf32, #tpu.memory_space<vmem>>, vector<1x16xf32>,
        %get3A_1236 = vector.shape_cast %get3A_1235 : vector<1x16xf32> to vector<16xf32>
        %mul3A_1237 = arith.mulf %get3A_1236, %broadcast_in_dim3A_1168 : vector<16xf32>
        %swap3A_1238 = arith.index_cast %add3A_1172 : i32 to index
        %swap3A_1239 = arith.constant 96 : index
        %swap3A_1240 = tpu.vector_load %arg9[%swap3A_1238, %swap3A_1239] {strides = array<i32>} : memref<80x128xf32, #tpu.memory_space<vmem>>, vector<1x16xf32>,
        %swap3A_1241 = vector.shape_cast %swap3A_1240 : vector<1x16xf32> to vector<16xf32>
        %swap3A_1242 = vector.shape_cast %mul3A_1237 : vector<16xf32> to vector<1x16xf32>
        tpu.vector_store %arg9[%swap3A_1238, %swap3A_1239], %swap3A_1242 {strides = array<i32>} : memref<80x128xf32, #tpu.memory_space<vmem>>, vector<1x16xf32>,
        %get3A_1243 = arith.index_cast %add3A_1172 : i32 to index
        %get3A_1244 = arith.constant 112 : index
        %get3A_1245 = tpu.vector_load %arg9[%get3A_1243, %get3A_1244] {strides = array<i32>} : memref<80x128xf32, #tpu.memory_space<vmem>>, vector<1x16xf32>,
        %get3A_1246 = vector.shape_cast %get3A_1245 : vector<1x16xf32> to vector<16xf32>
        %mul3A_1247 = arith.mulf %get3A_1246, %broadcast_in_dim3A_1168 : vector<16xf32>
        %swap3A_1248 = arith.index_cast %add3A_1172 : i32 to index
        %swap3A_1249 = arith.constant 112 : index
        %swap3A_1250 = tpu.vector_load %arg9[%swap3A_1248, %swap3A_1249] {strides = array<i32>} : memref<80x128xf32, #tpu.memory_space<vmem>>, vector<1x16xf32>,
        %swap3A_1251 = vector.shape_cast %swap3A_1250 : vector<1x16xf32> to vector<16xf32>
        %swap3A_1252 = vector.shape_cast %mul3A_1247 : vector<16xf32> to vector<1x16xf32>
        tpu.vector_store %arg9[%swap3A_1248, %swap3A_1249], %swap3A_1252 {strides = array<i32>} : memref<80x128xf32, #tpu.memory_space<vmem>>, vector<1x16xf32>,
        %slice3A_1253 = vector.extract_strided_slice %div3A {offsets = [13], sizes = [1], strides = [1]} : vector<16xf32> to vector<1xf32>
        %squeeze3A_1254 = vector.extract %slice3A_1253[0] : f32 from vector<1xf32>
        %broadcast_in_dim3A_1255 = vector.broadcast %squeeze3A_1254 : f32 to vector<16xf32>
        %mul3A_1256 = arith.constant 16 : i32
        %mul3A_1257 = arith.muli %scan3A_116, %mul3A_1256 : i32
        %add3A_1258 = arith.constant 13 : i32
        %add3A_1259 = arith.addi %mul3A_1257, %add3A_1258 : i32
        %get3A_1260 = arith.index_cast %add3A_1259 : i32 to index
        %get3A_1261 = arith.constant 0 : index
        %get3A_1262 = tpu.vector_load %arg9[%get3A_1260, %get3A_1261] {strides = array<i32>} : memref<80x128xf32, #tpu.memory_space<vmem>>, vector<1x16xf32>,
        %get3A_1263 = vector.shape_cast %get3A_1262 : vector<1x16xf32> to vector<16xf32>
        %mul3A_1264 = arith.mulf %get3A_1263, %broadcast_in_dim3A_1255 : vector<16xf32>
        %swap3A_1265 = arith.index_cast %add3A_1259 : i32 to index
        %swap3A_1266 = arith.constant 0 : index
        %swap3A_1267 = tpu.vector_load %arg9[%swap3A_1265, %swap3A_1266] {strides = array<i32>} : memref<80x128xf32, #tpu.memory_space<vmem>>, vector<1x16xf32>,
        %swap3A_1268 = vector.shape_cast %swap3A_1267 : vector<1x16xf32> to vector<16xf32>
        %swap3A_1269 = vector.shape_cast %mul3A_1264 : vector<16xf32> to vector<1x16xf32>
        tpu.vector_store %arg9[%swap3A_1265, %swap3A_1266], %swap3A_1269 {strides = array<i32>} : memref<80x128xf32, #tpu.memory_space<vmem>>, vector<1x16xf32>,
        %get3A_1270 = arith.index_cast %add3A_1259 : i32 to index
        %get3A_1271 = arith.constant 16 : index
        %get3A_1272 = tpu.vector_load %arg9[%get3A_1270, %get3A_1271] {strides = array<i32>} : memref<80x128xf32, #tpu.memory_space<vmem>>, vector<1x16xf32>,
        %get3A_1273 = vector.shape_cast %get3A_1272 : vector<1x16xf32> to vector<16xf32>
        %mul3A_1274 = arith.mulf %get3A_1273, %broadcast_in_dim3A_1255 : vector<16xf32>
        %swap3A_1275 = arith.index_cast %add3A_1259 : i32 to index
        %swap3A_1276 = arith.constant 16 : index
        %swap3A_1277 = tpu.vector_load %arg9[%swap3A_1275, %swap3A_1276] {strides = array<i32>} : memref<80x128xf32, #tpu.memory_space<vmem>>, vector<1x16xf32>,
        %swap3A_1278 = vector.shape_cast %swap3A_1277 : vector<1x16xf32> to vector<16xf32>
        %swap3A_1279 = vector.shape_cast %mul3A_1274 : vector<16xf32> to vector<1x16xf32>
        tpu.vector_store %arg9[%swap3A_1275, %swap3A_1276], %swap3A_1279 {strides = array<i32>} : memref<80x128xf32, #tpu.memory_space<vmem>>, vector<1x16xf32>,
        %get3A_1280 = arith.index_cast %add3A_1259 : i32 to index
        %get3A_1281 = arith.constant 32 : index
        %get3A_1282 = tpu.vector_load %arg9[%get3A_1280, %get3A_1281] {strides = array<i32>} : memref<80x128xf32, #tpu.memory_space<vmem>>, vector<1x16xf32>,
        %get3A_1283 = vector.shape_cast %get3A_1282 : vector<1x16xf32> to vector<16xf32>
        %mul3A_1284 = arith.mulf %get3A_1283, %broadcast_in_dim3A_1255 : vector<16xf32>
        %swap3A_1285 = arith.index_cast %add3A_1259 : i32 to index
        %swap3A_1286 = arith.constant 32 : index
        %swap3A_1287 = tpu.vector_load %arg9[%swap3A_1285, %swap3A_1286] {strides = array<i32>} : memref<80x128xf32, #tpu.memory_space<vmem>>, vector<1x16xf32>,
        %swap3A_1288 = vector.shape_cast %swap3A_1287 : vector<1x16xf32> to vector<16xf32>
        %swap3A_1289 = vector.shape_cast %mul3A_1284 : vector<16xf32> to vector<1x16xf32>
        tpu.vector_store %arg9[%swap3A_1285, %swap3A_1286], %swap3A_1289 {strides = array<i32>} : memref<80x128xf32, #tpu.memory_space<vmem>>, vector<1x16xf32>,
        %get3A_1290 = arith.index_cast %add3A_1259 : i32 to index
        %get3A_1291 = arith.constant 48 : index
        %get3A_1292 = tpu.vector_load %arg9[%get3A_1290, %get3A_1291] {strides = array<i32>} : memref<80x128xf32, #tpu.memory_space<vmem>>, vector<1x16xf32>,
        %get3A_1293 = vector.shape_cast %get3A_1292 : vector<1x16xf32> to vector<16xf32>
        %mul3A_1294 = arith.mulf %get3A_1293, %broadcast_in_dim3A_1255 : vector<16xf32>
        %swap3A_1295 = arith.index_cast %add3A_1259 : i32 to index
        %swap3A_1296 = arith.constant 48 : index
        %swap3A_1297 = tpu.vector_load %arg9[%swap3A_1295, %swap3A_1296] {strides = array<i32>} : memref<80x128xf32, #tpu.memory_space<vmem>>, vector<1x16xf32>,
        %swap3A_1298 = vector.shape_cast %swap3A_1297 : vector<1x16xf32> to vector<16xf32>
        %swap3A_1299 = vector.shape_cast %mul3A_1294 : vector<16xf32> to vector<1x16xf32>
        tpu.vector_store %arg9[%swap3A_1295, %swap3A_1296], %swap3A_1299 {strides = array<i32>} : memref<80x128xf32, #tpu.memory_space<vmem>>, vector<1x16xf32>,
        %get3A_1300 = arith.index_cast %add3A_1259 : i32 to index
        %get3A_1301 = arith.constant 64 : index
        %get3A_1302 = tpu.vector_load %arg9[%get3A_1300, %get3A_1301] {strides = array<i32>} : memref<80x128xf32, #tpu.memory_space<vmem>>, vector<1x16xf32>,
        %get3A_1303 = vector.shape_cast %get3A_1302 : vector<1x16xf32> to vector<16xf32>
        %mul3A_1304 = arith.mulf %get3A_1303, %broadcast_in_dim3A_1255 : vector<16xf32>
        %swap3A_1305 = arith.index_cast %add3A_1259 : i32 to index
        %swap3A_1306 = arith.constant 64 : index
        %swap3A_1307 = tpu.vector_load %arg9[%swap3A_1305, %swap3A_1306] {strides = array<i32>} : memref<80x128xf32, #tpu.memory_space<vmem>>, vector<1x16xf32>,
        %swap3A_1308 = vector.shape_cast %swap3A_1307 : vector<1x16xf32> to vector<16xf32>
        %swap3A_1309 = vector.shape_cast %mul3A_1304 : vector<16xf32> to vector<1x16xf32>
        tpu.vector_store %arg9[%swap3A_1305, %swap3A_1306], %swap3A_1309 {strides = array<i32>} : memref<80x128xf32, #tpu.memory_space<vmem>>, vector<1x16xf32>,
        %get3A_1310 = arith.index_cast %add3A_1259 : i32 to index
        %get3A_1311 = arith.constant 80 : index
        %get3A_1312 = tpu.vector_load %arg9[%get3A_1310, %get3A_1311] {strides = array<i32>} : memref<80x128xf32, #tpu.memory_space<vmem>>, vector<1x16xf32>,
        %get3A_1313 = vector.shape_cast %get3A_1312 : vector<1x16xf32> to vector<16xf32>
        %mul3A_1314 = arith.mulf %get3A_1313, %broadcast_in_dim3A_1255 : vector<16xf32>
        %swap3A_1315 = arith.index_cast %add3A_1259 : i32 to index
        %swap3A_1316 = arith.constant 80 : index
        %swap3A_1317 = tpu.vector_load %arg9[%swap3A_1315, %swap3A_1316] {strides = array<i32>} : memref<80x128xf32, #tpu.memory_space<vmem>>, vector<1x16xf32>,
        %swap3A_1318 = vector.shape_cast %swap3A_1317 : vector<1x16xf32> to vector<16xf32>
        %swap3A_1319 = vector.shape_cast %mul3A_1314 : vector<16xf32> to vector<1x16xf32>
        tpu.vector_store %arg9[%swap3A_1315, %swap3A_1316], %swap3A_1319 {strides = array<i32>} : memref<80x128xf32, #tpu.memory_space<vmem>>, vector<1x16xf32>,
        %get3A_1320 = arith.index_cast %add3A_1259 : i32 to index
        %get3A_1321 = arith.constant 96 : index
        %get3A_1322 = tpu.vector_load %arg9[%get3A_1320, %get3A_1321] {strides = array<i32>} : memref<80x128xf32, #tpu.memory_space<vmem>>, vector<1x16xf32>,
        %get3A_1323 = vector.shape_cast %get3A_1322 : vector<1x16xf32> to vector<16xf32>
        %mul3A_1324 = arith.mulf %get3A_1323, %broadcast_in_dim3A_1255 : vector<16xf32>
        %swap3A_1325 = arith.index_cast %add3A_1259 : i32 to index
        %swap3A_1326 = arith.constant 96 : index
        %swap3A_1327 = tpu.vector_load %arg9[%swap3A_1325, %swap3A_1326] {strides = array<i32>} : memref<80x128xf32, #tpu.memory_space<vmem>>, vector<1x16xf32>,
        %swap3A_1328 = vector.shape_cast %swap3A_1327 : vector<1x16xf32> to vector<16xf32>
        %swap3A_1329 = vector.shape_cast %mul3A_1324 : vector<16xf32> to vector<1x16xf32>
        tpu.vector_store %arg9[%swap3A_1325, %swap3A_1326], %swap3A_1329 {strides = array<i32>} : memref<80x128xf32, #tpu.memory_space<vmem>>, vector<1x16xf32>,
        %get3A_1330 = arith.index_cast %add3A_1259 : i32 to index
        %get3A_1331 = arith.constant 112 : index
        %get3A_1332 = tpu.vector_load %arg9[%get3A_1330, %get3A_1331] {strides = array<i32>} : memref<80x128xf32, #tpu.memory_space<vmem>>, vector<1x16xf32>,
        %get3A_1333 = vector.shape_cast %get3A_1332 : vector<1x16xf32> to vector<16xf32>
        %mul3A_1334 = arith.mulf %get3A_1333, %broadcast_in_dim3A_1255 : vector<16xf32>
        %swap3A_1335 = arith.index_cast %add3A_1259 : i32 to index
        %swap3A_1336 = arith.constant 112 : index
        %swap3A_1337 = tpu.vector_load %arg9[%swap3A_1335, %swap3A_1336] {strides = array<i32>} : memref<80x128xf32, #tpu.memory_space<vmem>>, vector<1x16xf32>,
        %swap3A_1338 = vector.shape_cast %swap3A_1337 : vector<1x16xf32> to vector<16xf32>
        %swap3A_1339 = vector.shape_cast %mul3A_1334 : vector<16xf32> to vector<1x16xf32>
        tpu.vector_store %arg9[%swap3A_1335, %swap3A_1336], %swap3A_1339 {strides = array<i32>} : memref<80x128xf32, #tpu.memory_space<vmem>>, vector<1x16xf32>,
        %slice3A_1340 = vector.extract_strided_slice %div3A {offsets = [14], sizes = [1], strides = [1]} : vector<16xf32> to vector<1xf32>
        %squeeze3A_1341 = vector.extract %slice3A_1340[0] : f32 from vector<1xf32>
        %broadcast_in_dim3A_1342 = vector.broadcast %squeeze3A_1341 : f32 to vector<16xf32>
        %mul3A_1343 = arith.constant 16 : i32
        %mul3A_1344 = arith.muli %scan3A_116, %mul3A_1343 : i32
        %add3A_1345 = arith.constant 14 : i32
        %add3A_1346 = arith.addi %mul3A_1344, %add3A_1345 : i32
        %get3A_1347 = arith.index_cast %add3A_1346 : i32 to index
        %get3A_1348 = arith.constant 0 : index
        %get3A_1349 = tpu.vector_load %arg9[%get3A_1347, %get3A_1348] {strides = array<i32>} : memref<80x128xf32, #tpu.memory_space<vmem>>, vector<1x16xf32>,
        %get3A_1350 = vector.shape_cast %get3A_1349 : vector<1x16xf32> to vector<16xf32>
        %mul3A_1351 = arith.mulf %get3A_1350, %broadcast_in_dim3A_1342 : vector<16xf32>
        %swap3A_1352 = arith.index_cast %add3A_1346 : i32 to index
        %swap3A_1353 = arith.constant 0 : index
        %swap3A_1354 = tpu.vector_load %arg9[%swap3A_1352, %swap3A_1353] {strides = array<i32>} : memref<80x128xf32, #tpu.memory_space<vmem>>, vector<1x16xf32>,
        %swap3A_1355 = vector.shape_cast %swap3A_1354 : vector<1x16xf32> to vector<16xf32>
        %swap3A_1356 = vector.shape_cast %mul3A_1351 : vector<16xf32> to vector<1x16xf32>
        tpu.vector_store %arg9[%swap3A_1352, %swap3A_1353], %swap3A_1356 {strides = array<i32>} : memref<80x128xf32, #tpu.memory_space<vmem>>, vector<1x16xf32>,
        %get3A_1357 = arith.index_cast %add3A_1346 : i32 to index
        %get3A_1358 = arith.constant 16 : index
        %get3A_1359 = tpu.vector_load %arg9[%get3A_1357, %get3A_1358] {strides = array<i32>} : memref<80x128xf32, #tpu.memory_space<vmem>>, vector<1x16xf32>,
        %get3A_1360 = vector.shape_cast %get3A_1359 : vector<1x16xf32> to vector<16xf32>
        %mul3A_1361 = arith.mulf %get3A_1360, %broadcast_in_dim3A_1342 : vector<16xf32>
        %swap3A_1362 = arith.index_cast %add3A_1346 : i32 to index
        %swap3A_1363 = arith.constant 16 : index
        %swap3A_1364 = tpu.vector_load %arg9[%swap3A_1362, %swap3A_1363] {strides = array<i32>} : memref<80x128xf32, #tpu.memory_space<vmem>>, vector<1x16xf32>,
        %swap3A_1365 = vector.shape_cast %swap3A_1364 : vector<1x16xf32> to vector<16xf32>
        %swap3A_1366 = vector.shape_cast %mul3A_1361 : vector<16xf32> to vector<1x16xf32>
        tpu.vector_store %arg9[%swap3A_1362, %swap3A_1363], %swap3A_1366 {strides = array<i32>} : memref<80x128xf32, #tpu.memory_space<vmem>>, vector<1x16xf32>,
        %get3A_1367 = arith.index_cast %add3A_1346 : i32 to index
        %get3A_1368 = arith.constant 32 : index
        %get3A_1369 = tpu.vector_load %arg9[%get3A_1367, %get3A_1368] {strides = array<i32>} : memref<80x128xf32, #tpu.memory_space<vmem>>, vector<1x16xf32>,
        %get3A_1370 = vector.shape_cast %get3A_1369 : vector<1x16xf32> to vector<16xf32>
        %mul3A_1371 = arith.mulf %get3A_1370, %broadcast_in_dim3A_1342 : vector<16xf32>
        %swap3A_1372 = arith.index_cast %add3A_1346 : i32 to index
        %swap3A_1373 = arith.constant 32 : index
        %swap3A_1374 = tpu.vector_load %arg9[%swap3A_1372, %swap3A_1373] {strides = array<i32>} : memref<80x128xf32, #tpu.memory_space<vmem>>, vector<1x16xf32>,
        %swap3A_1375 = vector.shape_cast %swap3A_1374 : vector<1x16xf32> to vector<16xf32>
        %swap3A_1376 = vector.shape_cast %mul3A_1371 : vector<16xf32> to vector<1x16xf32>
        tpu.vector_store %arg9[%swap3A_1372, %swap3A_1373], %swap3A_1376 {strides = array<i32>} : memref<80x128xf32, #tpu.memory_space<vmem>>, vector<1x16xf32>,
        %get3A_1377 = arith.index_cast %add3A_1346 : i32 to index
        %get3A_1378 = arith.constant 48 : index
        %get3A_1379 = tpu.vector_load %arg9[%get3A_1377, %get3A_1378] {strides = array<i32>} : memref<80x128xf32, #tpu.memory_space<vmem>>, vector<1x16xf32>,
        %get3A_1380 = vector.shape_cast %get3A_1379 : vector<1x16xf32> to vector<16xf32>
        %mul3A_1381 = arith.mulf %get3A_1380, %broadcast_in_dim3A_1342 : vector<16xf32>
        %swap3A_1382 = arith.index_cast %add3A_1346 : i32 to index
        %swap3A_1383 = arith.constant 48 : index
        %swap3A_1384 = tpu.vector_load %arg9[%swap3A_1382, %swap3A_1383] {strides = array<i32>} : memref<80x128xf32, #tpu.memory_space<vmem>>, vector<1x16xf32>,
        %swap3A_1385 = vector.shape_cast %swap3A_1384 : vector<1x16xf32> to vector<16xf32>
        %swap3A_1386 = vector.shape_cast %mul3A_1381 : vector<16xf32> to vector<1x16xf32>
        tpu.vector_store %arg9[%swap3A_1382, %swap3A_1383], %swap3A_1386 {strides = array<i32>} : memref<80x128xf32, #tpu.memory_space<vmem>>, vector<1x16xf32>,
        %get3A_1387 = arith.index_cast %add3A_1346 : i32 to index
        %get3A_1388 = arith.constant 64 : index
        %get3A_1389 = tpu.vector_load %arg9[%get3A_1387, %get3A_1388] {strides = array<i32>} : memref<80x128xf32, #tpu.memory_space<vmem>>, vector<1x16xf32>,
        %get3A_1390 = vector.shape_cast %get3A_1389 : vector<1x16xf32> to vector<16xf32>
        %mul3A_1391 = arith.mulf %get3A_1390, %broadcast_in_dim3A_1342 : vector<16xf32>
        %swap3A_1392 = arith.index_cast %add3A_1346 : i32 to index
        %swap3A_1393 = arith.constant 64 : index
        %swap3A_1394 = tpu.vector_load %arg9[%swap3A_1392, %swap3A_1393] {strides = array<i32>} : memref<80x128xf32, #tpu.memory_space<vmem>>, vector<1x16xf32>,
        %swap3A_1395 = vector.shape_cast %swap3A_1394 : vector<1x16xf32> to vector<16xf32>
        %swap3A_1396 = vector.shape_cast %mul3A_1391 : vector<16xf32> to vector<1x16xf32>
        tpu.vector_store %arg9[%swap3A_1392, %swap3A_1393], %swap3A_1396 {strides = array<i32>} : memref<80x128xf32, #tpu.memory_space<vmem>>, vector<1x16xf32>,
        %get3A_1397 = arith.index_cast %add3A_1346 : i32 to index
        %get3A_1398 = arith.constant 80 : index
        %get3A_1399 = tpu.vector_load %arg9[%get3A_1397, %get3A_1398] {strides = array<i32>} : memref<80x128xf32, #tpu.memory_space<vmem>>, vector<1x16xf32>,
        %get3A_1400 = vector.shape_cast %get3A_1399 : vector<1x16xf32> to vector<16xf32>
        %mul3A_1401 = arith.mulf %get3A_1400, %broadcast_in_dim3A_1342 : vector<16xf32>
        %swap3A_1402 = arith.index_cast %add3A_1346 : i32 to index
        %swap3A_1403 = arith.constant 80 : index
        %swap3A_1404 = tpu.vector_load %arg9[%swap3A_1402, %swap3A_1403] {strides = array<i32>} : memref<80x128xf32, #tpu.memory_space<vmem>>, vector<1x16xf32>,
        %swap3A_1405 = vector.shape_cast %swap3A_1404 : vector<1x16xf32> to vector<16xf32>
        %swap3A_1406 = vector.shape_cast %mul3A_1401 : vector<16xf32> to vector<1x16xf32>
        tpu.vector_store %arg9[%swap3A_1402, %swap3A_1403], %swap3A_1406 {strides = array<i32>} : memref<80x128xf32, #tpu.memory_space<vmem>>, vector<1x16xf32>,
        %get3A_1407 = arith.index_cast %add3A_1346 : i32 to index
        %get3A_1408 = arith.constant 96 : index
        %get3A_1409 = tpu.vector_load %arg9[%get3A_1407, %get3A_1408] {strides = array<i32>} : memref<80x128xf32, #tpu.memory_space<vmem>>, vector<1x16xf32>,
        %get3A_1410 = vector.shape_cast %get3A_1409 : vector<1x16xf32> to vector<16xf32>
        %mul3A_1411 = arith.mulf %get3A_1410, %broadcast_in_dim3A_1342 : vector<16xf32>
        %swap3A_1412 = arith.index_cast %add3A_1346 : i32 to index
        %swap3A_1413 = arith.constant 96 : index
        %swap3A_1414 = tpu.vector_load %arg9[%swap3A_1412, %swap3A_1413] {strides = array<i32>} : memref<80x128xf32, #tpu.memory_space<vmem>>, vector<1x16xf32>,
        %swap3A_1415 = vector.shape_cast %swap3A_1414 : vector<1x16xf32> to vector<16xf32>
        %swap3A_1416 = vector.shape_cast %mul3A_1411 : vector<16xf32> to vector<1x16xf32>
        tpu.vector_store %arg9[%swap3A_1412, %swap3A_1413], %swap3A_1416 {strides = array<i32>} : memref<80x128xf32, #tpu.memory_space<vmem>>, vector<1x16xf32>,
        %get3A_1417 = arith.index_cast %add3A_1346 : i32 to index
        %get3A_1418 = arith.constant 112 : index
        %get3A_1419 = tpu.vector_load %arg9[%get3A_1417, %get3A_1418] {strides = array<i32>} : memref<80x128xf32, #tpu.memory_space<vmem>>, vector<1x16xf32>,
        %get3A_1420 = vector.shape_cast %get3A_1419 : vector<1x16xf32> to vector<16xf32>
        %mul3A_1421 = arith.mulf %get3A_1420, %broadcast_in_dim3A_1342 : vector<16xf32>
        %swap3A_1422 = arith.index_cast %add3A_1346 : i32 to index
        %swap3A_1423 = arith.constant 112 : index
        %swap3A_1424 = tpu.vector_load %arg9[%swap3A_1422, %swap3A_1423] {strides = array<i32>} : memref<80x128xf32, #tpu.memory_space<vmem>>, vector<1x16xf32>,
        %swap3A_1425 = vector.shape_cast %swap3A_1424 : vector<1x16xf32> to vector<16xf32>
        %swap3A_1426 = vector.shape_cast %mul3A_1421 : vector<16xf32> to vector<1x16xf32>
        tpu.vector_store %arg9[%swap3A_1422, %swap3A_1423], %swap3A_1426 {strides = array<i32>} : memref<80x128xf32, #tpu.memory_space<vmem>>, vector<1x16xf32>,
        %slice3A_1427 = vector.extract_strided_slice %div3A {offsets = [15], sizes = [1], strides = [1]} : vector<16xf32> to vector<1xf32>
        %squeeze3A_1428 = vector.extract %slice3A_1427[0] : f32 from vector<1xf32>
        %broadcast_in_dim3A_1429 = vector.broadcast %squeeze3A_1428 : f32 to vector<16xf32>
        %mul3A_1430 = arith.constant 16 : i32
        %mul3A_1431 = arith.muli %scan3A_116, %mul3A_1430 : i32
        %add3A_1432 = arith.constant 15 : i32
        %add3A_1433 = arith.addi %mul3A_1431, %add3A_1432 : i32
        %get3A_1434 = arith.index_cast %add3A_1433 : i32 to index
        %get3A_1435 = arith.constant 0 : index
        %get3A_1436 = tpu.vector_load %arg9[%get3A_1434, %get3A_1435] {strides = array<i32>} : memref<80x128xf32, #tpu.memory_space<vmem>>, vector<1x16xf32>,
        %get3A_1437 = vector.shape_cast %get3A_1436 : vector<1x16xf32> to vector<16xf32>
        %mul3A_1438 = arith.mulf %get3A_1437, %broadcast_in_dim3A_1429 : vector<16xf32>
        %swap3A_1439 = arith.index_cast %add3A_1433 : i32 to index
        %swap3A_1440 = arith.constant 0 : index
        %swap3A_1441 = tpu.vector_load %arg9[%swap3A_1439, %swap3A_1440] {strides = array<i32>} : memref<80x128xf32, #tpu.memory_space<vmem>>, vector<1x16xf32>,
        %swap3A_1442 = vector.shape_cast %swap3A_1441 : vector<1x16xf32> to vector<16xf32>
        %swap3A_1443 = vector.shape_cast %mul3A_1438 : vector<16xf32> to vector<1x16xf32>
        tpu.vector_store %arg9[%swap3A_1439, %swap3A_1440], %swap3A_1443 {strides = array<i32>} : memref<80x128xf32, #tpu.memory_space<vmem>>, vector<1x16xf32>,
        %get3A_1444 = arith.index_cast %add3A_1433 : i32 to index
        %get3A_1445 = arith.constant 16 : index
        %get3A_1446 = tpu.vector_load %arg9[%get3A_1444, %get3A_1445] {strides = array<i32>} : memref<80x128xf32, #tpu.memory_space<vmem>>, vector<1x16xf32>,
        %get3A_1447 = vector.shape_cast %get3A_1446 : vector<1x16xf32> to vector<16xf32>
        %mul3A_1448 = arith.mulf %get3A_1447, %broadcast_in_dim3A_1429 : vector<16xf32>
        %swap3A_1449 = arith.index_cast %add3A_1433 : i32 to index
        %swap3A_1450 = arith.constant 16 : index
        %swap3A_1451 = tpu.vector_load %arg9[%swap3A_1449, %swap3A_1450] {strides = array<i32>} : memref<80x128xf32, #tpu.memory_space<vmem>>, vector<1x16xf32>,
        %swap3A_1452 = vector.shape_cast %swap3A_1451 : vector<1x16xf32> to vector<16xf32>
        %swap3A_1453 = vector.shape_cast %mul3A_1448 : vector<16xf32> to vector<1x16xf32>
        tpu.vector_store %arg9[%swap3A_1449, %swap3A_1450], %swap3A_1453 {strides = array<i32>} : memref<80x128xf32, #tpu.memory_space<vmem>>, vector<1x16xf32>,
        %get3A_1454 = arith.index_cast %add3A_1433 : i32 to index
        %get3A_1455 = arith.constant 32 : index
        %get3A_1456 = tpu.vector_load %arg9[%get3A_1454, %get3A_1455] {strides = array<i32>} : memref<80x128xf32, #tpu.memory_space<vmem>>, vector<1x16xf32>,
        %get3A_1457 = vector.shape_cast %get3A_1456 : vector<1x16xf32> to vector<16xf32>
        %mul3A_1458 = arith.mulf %get3A_1457, %broadcast_in_dim3A_1429 : vector<16xf32>
        %swap3A_1459 = arith.index_cast %add3A_1433 : i32 to index
        %swap3A_1460 = arith.constant 32 : index
        %swap3A_1461 = tpu.vector_load %arg9[%swap3A_1459, %swap3A_1460] {strides = array<i32>} : memref<80x128xf32, #tpu.memory_space<vmem>>, vector<1x16xf32>,
        %swap3A_1462 = vector.shape_cast %swap3A_1461 : vector<1x16xf32> to vector<16xf32>
        %swap3A_1463 = vector.shape_cast %mul3A_1458 : vector<16xf32> to vector<1x16xf32>
        tpu.vector_store %arg9[%swap3A_1459, %swap3A_1460], %swap3A_1463 {strides = array<i32>} : memref<80x128xf32, #tpu.memory_space<vmem>>, vector<1x16xf32>,
        %get3A_1464 = arith.index_cast %add3A_1433 : i32 to index
        %get3A_1465 = arith.constant 48 : index
        %get3A_1466 = tpu.vector_load %arg9[%get3A_1464, %get3A_1465] {strides = array<i32>} : memref<80x128xf32, #tpu.memory_space<vmem>>, vector<1x16xf32>,
        %get3A_1467 = vector.shape_cast %get3A_1466 : vector<1x16xf32> to vector<16xf32>
        %mul3A_1468 = arith.mulf %get3A_1467, %broadcast_in_dim3A_1429 : vector<16xf32>
        %swap3A_1469 = arith.index_cast %add3A_1433 : i32 to index
        %swap3A_1470 = arith.constant 48 : index
        %swap3A_1471 = tpu.vector_load %arg9[%swap3A_1469, %swap3A_1470] {strides = array<i32>} : memref<80x128xf32, #tpu.memory_space<vmem>>, vector<1x16xf32>,
        %swap3A_1472 = vector.shape_cast %swap3A_1471 : vector<1x16xf32> to vector<16xf32>
        %swap3A_1473 = vector.shape_cast %mul3A_1468 : vector<16xf32> to vector<1x16xf32>
        tpu.vector_store %arg9[%swap3A_1469, %swap3A_1470], %swap3A_1473 {strides = array<i32>} : memref<80x128xf32, #tpu.memory_space<vmem>>, vector<1x16xf32>,
        %get3A_1474 = arith.index_cast %add3A_1433 : i32 to index
        %get3A_1475 = arith.constant 64 : index
        %get3A_1476 = tpu.vector_load %arg9[%get3A_1474, %get3A_1475] {strides = array<i32>} : memref<80x128xf32, #tpu.memory_space<vmem>>, vector<1x16xf32>,
        %get3A_1477 = vector.shape_cast %get3A_1476 : vector<1x16xf32> to vector<16xf32>
        %mul3A_1478 = arith.mulf %get3A_1477, %broadcast_in_dim3A_1429 : vector<16xf32>
        %swap3A_1479 = arith.index_cast %add3A_1433 : i32 to index
        %swap3A_1480 = arith.constant 64 : index
        %swap3A_1481 = tpu.vector_load %arg9[%swap3A_1479, %swap3A_1480] {strides = array<i32>} : memref<80x128xf32, #tpu.memory_space<vmem>>, vector<1x16xf32>,
        %swap3A_1482 = vector.shape_cast %swap3A_1481 : vector<1x16xf32> to vector<16xf32>
        %swap3A_1483 = vector.shape_cast %mul3A_1478 : vector<16xf32> to vector<1x16xf32>
        tpu.vector_store %arg9[%swap3A_1479, %swap3A_1480], %swap3A_1483 {strides = array<i32>} : memref<80x128xf32, #tpu.memory_space<vmem>>, vector<1x16xf32>,
        %get3A_1484 = arith.index_cast %add3A_1433 : i32 to index
        %get3A_1485 = arith.constant 80 : index
        %get3A_1486 = tpu.vector_load %arg9[%get3A_1484, %get3A_1485] {strides = array<i32>} : memref<80x128xf32, #tpu.memory_space<vmem>>, vector<1x16xf32>,
        %get3A_1487 = vector.shape_cast %get3A_1486 : vector<1x16xf32> to vector<16xf32>
        %mul3A_1488 = arith.mulf %get3A_1487, %broadcast_in_dim3A_1429 : vector<16xf32>
        %swap3A_1489 = arith.index_cast %add3A_1433 : i32 to index
        %swap3A_1490 = arith.constant 80 : index
        %swap3A_1491 = tpu.vector_load %arg9[%swap3A_1489, %swap3A_1490] {strides = array<i32>} : memref<80x128xf32, #tpu.memory_space<vmem>>, vector<1x16xf32>,
        %swap3A_1492 = vector.shape_cast %swap3A_1491 : vector<1x16xf32> to vector<16xf32>
        %swap3A_1493 = vector.shape_cast %mul3A_1488 : vector<16xf32> to vector<1x16xf32>
        tpu.vector_store %arg9[%swap3A_1489, %swap3A_1490], %swap3A_1493 {strides = array<i32>} : memref<80x128xf32, #tpu.memory_space<vmem>>, vector<1x16xf32>,
        %get3A_1494 = arith.index_cast %add3A_1433 : i32 to index
        %get3A_1495 = arith.constant 96 : index
        %get3A_1496 = tpu.vector_load %arg9[%get3A_1494, %get3A_1495] {strides = array<i32>} : memref<80x128xf32, #tpu.memory_space<vmem>>, vector<1x16xf32>,
        %get3A_1497 = vector.shape_cast %get3A_1496 : vector<1x16xf32> to vector<16xf32>
        %mul3A_1498 = arith.mulf %get3A_1497, %broadcast_in_dim3A_1429 : vector<16xf32>
        %swap3A_1499 = arith.index_cast %add3A_1433 : i32 to index
        %swap3A_1500 = arith.constant 96 : index
        %swap3A_1501 = tpu.vector_load %arg9[%swap3A_1499, %swap3A_1500] {strides = array<i32>} : memref<80x128xf32, #tpu.memory_space<vmem>>, vector<1x16xf32>,
        %swap3A_1502 = vector.shape_cast %swap3A_1501 : vector<1x16xf32> to vector<16xf32>
        %swap3A_1503 = vector.shape_cast %mul3A_1498 : vector<16xf32> to vector<1x16xf32>
        tpu.vector_store %arg9[%swap3A_1499, %swap3A_1500], %swap3A_1503 {strides = array<i32>} : memref<80x128xf32, #tpu.memory_space<vmem>>, vector<1x16xf32>,
        %get3A_1504 = arith.index_cast %add3A_1433 : i32 to index
        %get3A_1505 = arith.constant 112 : index
        %get3A_1506 = tpu.vector_load %arg9[%get3A_1504, %get3A_1505] {strides = array<i32>} : memref<80x128xf32, #tpu.memory_space<vmem>>, vector<1x16xf32>,
        %get3A_1507 = vector.shape_cast %get3A_1506 : vector<1x16xf32> to vector<16xf32>
        %mul3A_1508 = arith.mulf %get3A_1507, %broadcast_in_dim3A_1429 : vector<16xf32>
        %swap3A_1509 = arith.index_cast %add3A_1433 : i32 to index
        %swap3A_1510 = arith.constant 112 : index
        %swap3A_1511 = tpu.vector_load %arg9[%swap3A_1509, %swap3A_1510] {strides = array<i32>} : memref<80x128xf32, #tpu.memory_space<vmem>>, vector<1x16xf32>,
        %swap3A_1512 = vector.shape_cast %swap3A_1511 : vector<1x16xf32> to vector<16xf32>
        %swap3A_1513 = vector.shape_cast %mul3A_1508 : vector<16xf32> to vector<1x16xf32>
        tpu.vector_store %arg9[%swap3A_1509, %swap3A_1510], %swap3A_1513 {strides = array<i32>} : memref<80x128xf32, #tpu.memory_space<vmem>>, vector<1x16xf32>,
      }
      %scan3A_115 = arith.constant 5 : i32
      "tpu.region"() ({
        %run_scoped3A = tpu.sem_alloc : memref<!tpu.dma_semaphore, #tpu.memory_space<semaphore_mem>>
        %dma_start3A_116 = tpu.memref_slice %arg4[%add3A_109, %mul3A_0] : memref<10240x256xf32, #tpu.memory_space<hbm>> -> memref<80x128xf32, #tpu.memory_space<hbm>>
        %dma_start3A_117 = tpu.memref_slice %arg4[%add3A_109, %mul3A_0] : memref<10240x256xf32, #tpu.memory_space<hbm>> -> memref<80x128xf32, #tpu.memory_space<hbm>>
        tpu.enqueue_dma source(%arg9 : memref<80x128xf32, #tpu.memory_space<vmem>>) target(%dma_start3A_117 : memref<80x128xf32, #tpu.memory_space<hbm>>) target_semaphore(%run_scoped3A : memref<!tpu.dma_semaphore, #tpu.memory_space<semaphore_mem>>)
        %dma_wait3A_118 = tpu.memref_slice %arg4[%add3A_109, %mul3A_0] : memref<10240x256xf32, #tpu.memory_space<hbm>> -> memref<80x128xf32, #tpu.memory_space<hbm>>
        %dma_wait3A_119 = tpu.memref_slice %arg4[%add3A_109, %mul3A_0] : memref<10240x256xf32, #tpu.memory_space<hbm>> -> memref<80x128xf32, #tpu.memory_space<hbm>>
        tpu.wait_dma2 semaphore(%run_scoped3A : memref<!tpu.dma_semaphore, #tpu.memory_space<semaphore_mem>>) src(%arg9 : memref<80x128xf32, #tpu.memory_space<vmem>>) dst(%dma_wait3A_119 : memref<80x128xf32, #tpu.memory_space<hbm>>)
        tpu.yield
      }) : () -> ()
    }
    %scan3A_105 = arith.constant 8 : i32
    return
  }
}

</mosaic_0001>

<sc_bundles>
// kernel: kernel.3.cloned.1.call-start
scs
__scs_entry_jumppad:
0x0: {  	(pc) =	sbr.rel $0x88, $3  }
0x1: {  	(tag) =	ssettag $0x0;
	lr =	simm.s32 $0x1  }
0x2: {  	[smem:$0x3F9F] =	sst lr;
	_ =	strace $0xD0000000  }
0x3: {  	_ = 	snop  }
0x4: {  	_ = 	snop  }
0x5: {  	_ = 	snop  }
0x6: {  	_ = 	snop  }
0x7: {  	_ = 	snop  }
__scs_overlays_trampoline_lowered:
0x8: {  	[smem:$0x3FAE] =	sst s0  }
0x9: {  	[smem:$0x3FAF] =	sst s1  }
0xa: {  	[smem:$0x3FB0] =	sst s2  }
0xb: {  	[smem:$0x3FB1] =	sst s3  }
0xc: {  	[smem:$0x3FB2] =	sst s4  }
0xd: {  	[smem:$0x3FB3] =	sst s5  }
0xe: {  	[smem:$0x3FB4] =	sst s6  }
0xf: {  	[smem:$0x3FB5] =	sst s7  }
0x10: {  	[smem:$0x3FB6] =	sst s8  }
0x11: {  	[smem:$0x3FB7] =	sst s9;
	s0 =	simm.s32 @!p0 $0x0  }
0x12: {  	s1 =	sld [smem:$0x3F9D];
	s0 =	simm.s32 @p0 $0x1  }
0x13: {  	[smem:$0x3FB8] =	sst s0;
	s0 =	simm.s32 @!p1 $0x0  }
0x14: {  	s2 =	sld [smem:$0x3F9C];
	s0 =	simm.s32 @p1 $0x1  }
0x15: {  	[smem:$0x3FB9] =	sst s0;
	s0 =	simm.s32 @!p2 $0x0  }
0x16: {  	s3 =	sld [smem:$0x3FDB];
	s0 =	simm.s32 @p2 $0x1  }
0x17: {  	s4 =	simm.s32 $0x1BF5;
	[smem:$0x3FBB] =	sst s0  }
0x18: {  	s0 =	sld [smem:$0x3F9E];
	_ =	swait.ge [sflag:s4], $0x0  }
0x19: {  	s7 =	sld [smem:$0x3F9F]  }
0x1a: {  	s8 =	sadd.s32 $0xFFFFE003, lr  }
0x1b: {  	s9 =	sadd.s32 $0xFFFFFEF7, lr;
	s5 =	simm.s32 $0xFFFFFFFF;
	p2 =	slt.u32 s8, $0xFFFFF086  }
0x1c: {  	p1 =	slt.u32 s9, $0xF7A;
	s5 =	simm.s32 @!p2 $0x0  }
0x1d: {  	s5 =	simm.s32 @p1 $0x1;
	p0 =	seq.s32 s7, s2  }
0x1e: {  	s7 =	smul.u32 @!p0 $0xF7A, s2;
	p2 =	seq.s32 @!p0 s5, $0x0  }
0x1f: {  	s9 =	smul.u32 $0xF7A, s1;
	s8 =	simm.s32 @!p0 $0x1BF5;
	p2 =	por !p2, p0  }
0x20: {  	[sflag:s8] =	ssyncset.s32 @!p0 $0xFFFFF086;
	s6 =	sadd.s32 @!p0 s3, s7;
	s7 =	simm.s32 @!p0 $0x108  }
0x21: {  	s3 =	sadd.s32 s3, s9;
	s6 =	sadd.s32 @!p0 $0x88, s6;
	s7 =	simm.s32 @p2 $0x1082  }
0x22: {  	[simem:s7], [sflag:s8] =	dma.local @!p0 [hbm:s6], $0xF7A  }
0x23: {  	s9 =	sor.u32 $0xD0000000, s2;
	s6 =	simm.s32 $0x108;
	_ =	swait.ge @!p0 [sflag:s8], $0x0  }
0x24: {  	s3 =	sadd.s32 $0x88, s3;
	s6 =	simm.s32 @!p1 $0x1082;
	[sflag:s4] =	ssyncset.s32 $0xFFFFF086  }
0x25: {  	[simem:s6], [sflag:s4] =	dma.local [hbm:s3], $0xF7A  }
0x26: {  	[smem:$0x3F9F] =	sst s1;
	(tag) =	ssettag s2;
	_ =	strace s9  }
0x27: {  	s1 =	sld [smem:$0x3FAF]  }
0x28: {  	s2 =	sld [smem:$0x3FB0]  }
0x29: {  	s4 =	sld [smem:$0x3FB2]  }
0x2a: {  	p0 =	seq.s32 s5, $0x0;
	s5 =	sld [smem:$0x3FB3]  }
0x2b: {  	s6 =	sld [smem:$0x3FB4]  }
0x2c: {  	s7 =	sld [smem:$0x3FB5]  }
0x2d: {  	s3 =	simm.s32 $0x108;
	s8 =	sld [smem:$0x3FB6]  }
0x2e: {  	s3 =	simm.s32 @!p0 $0x1082;
	s9 =	sld [smem:$0x3FB7]  }
0x2f: {  	lr =	sadd.s32 s0, s3;
	s0 =	sld [smem:$0x3FAE]  }
0x30: {  	s3 =	sld [smem:$0x3FB1]  }
0x31: {  	[smem:$0x3FBA] =	sst s10  }
0x32: {  	s10 =	sld [smem:$0x3FB8];
	_ =	sdelay $0x3  }
0x33: {  	p0 =	seq.s32 s10, $0x1;
	s10 =	sld [smem:$0x3FBA];
	_ =	sdelay $0x3  }
0x34: {  	[smem:$0x3FBA] =	sst s10  }
0x35: {  	s10 =	sld [smem:$0x3FB9];
	_ =	sdelay $0x3  }
0x36: {  	p1 =	seq.s32 s10, $0x1;
	s10 =	sld [smem:$0x3FBA];
	_ =	sdelay $0x3  }
0x37: {  	[smem:$0x3FBA] =	sst s10  }
0x38: {  	s10 =	sld [smem:$0x3FBB]  }
0x39: {  	_ = 	snop;
	(pc) =	sbr.ind lr, $3  }
0x3a: {  	_ = 	snop  }
0x3b: {  	_ = 	snop  }
0x3c: {  	p2 =	seq.s32 s10, $0x1;
	s10 =	sld [smem:$0x3FBA]  }
0x3d: {  	_ =	shalt  }
0x3e: {  	_ =	shalt  }
0x3f: {  	_ =	shalt  }
0x40: {  	_ =	shalt  }
0x41: {  	_ =	shalt  }
0x42: {  	_ =	shalt  }
0x43: {  	_ =	shalt  }
0x44: {  	_ =	shalt  }
0x45: {  	_ =	shalt  }
0x46: {  	_ =	shalt  }
0x47: {  	_ =	shalt  }
0x48: {  	_ =	shalt  }
0x49: {  	_ =	shalt  }
0x4a: {  	_ =	shalt  }
0x4b: {  	_ =	shalt  }
0x4c: {  	_ =	shalt  }
0x4d: {  	_ =	shalt  }
0x4e: {  	_ =	shalt  }
0x4f: {  	_ =	shalt  }
0x50: {  	_ =	shalt  }
0x51: {  	_ =	shalt  }
0x52: {  	_ =	shalt  }
0x53: {  	_ =	shalt  }
0x54: {  	_ =	shalt  }
0x55: {  	_ =	shalt  }
0x56: {  	_ =	shalt  }
0x57: {  	_ =	shalt  }
0x58: {  	_ =	shalt  }
0x59: {  	_ =	shalt  }
0x5a: {  	_ =	shalt  }
0x5b: {  	_ =	shalt  }
0x5c: {  	_ =	shalt  }
0x5d: {  	_ =	shalt  }
0x5e: {  	_ =	shalt  }
0x5f: {  	_ =	shalt  }
0x60: {  	_ =	shalt  }
0x61: {  	_ =	shalt  }
0x62: {  	_ =	shalt  }
0x63: {  	_ =	shalt  }
0x64: {  	_ =	shalt  }
0x65: {  	_ =	shalt  }
0x66: {  	_ =	shalt  }
0x67: {  	_ =	shalt  }
0x68: {  	_ =	shalt  }
0x69: {  	_ =	shalt  }
0x6a: {  	_ =	shalt  }
0x6b: {  	_ =	shalt  }
0x6c: {  	_ =	shalt  }
0x6d: {  	_ =	shalt  }
0x6e: {  	_ =	shalt  }
0x6f: {  	_ =	shalt  }
0x70: {  	_ =	shalt  }
0x71: {  	_ =	shalt  }
0x72: {  	_ =	shalt  }
0x73: {  	_ =	shalt  }
0x74: {  	_ =	shalt  }
0x75: {  	_ =	shalt  }
0x76: {  	_ =	shalt  }
0x77: {  	_ =	shalt  }
0x78: {  	_ =	shalt  }
0x79: {  	_ =	shalt  }
0x7a: {  	_ =	shalt  }
0x7b: {  	_ =	shalt  }
0x7c: {  	_ =	shalt  }
0x7d: {  	_ =	shalt  }
0x7e: {  	_ =	shalt  }
0x7f: {  	_ =	shalt  }
0x80: {  	_ =	shalt  }
0x81: {  	_ =	shalt  }
0x82: {  	_ =	shalt  }
0x83: {  	_ =	shalt  }
0x84: {  	_ =	shalt  }
0x85: {  	_ =	shalt  }
0x86: {  	_ =	shalt  }
0x87: {  	_ =	shalt  }
.Lfunc_end0:
.L_simem_size_0:
called_computation_lowered:
.L_overlay_start_0:
0x88: {  	s2 =	sld [smem:$0x3FD9]  }
0x89: {  	s3 =	sld [smem:$0x3FFE];
	_ =	sdelay $0x1  }
0x8a: {  	s1 =	srdreg.scid  }
0x8b: {  	s0 =	sand.u32 $0x1, s1  }
0x8c: {  	s17 =	sshll.u32 s0, $0xA;
	s2 =	sadd.s32 s3, s2  }
0x8d: {  	s2 =	sadd.s32 s2, s17  }
0x8e: {  	[smem:$0x3FC6] =	sst s2  }
0x8f: {  	_ = 	snop  }
0x90: {  	s2 =	sld [smem:$0x3FC9]  }
0x91: {  	s18 =	sld [smem:$0x3FC8];
	(tm) =	ssettm $0x1  }
0x92: {  	s4 =	sld [smem:$0x3FFB];
	_ =	sdelay $0x3  }
0x93: {  	_ =	strace s4  }
0x94: {  	s4 =	sld [smem:$0x3FFC];
	_ =	sdelay $0x3  }
0x95: {  	_ =	strace s4  }
0x96: {  	s4 =	sld [smem:$0x3FFD];
	_ =	sdelay $0x3  }
0x97: {  	_ =	strace s4  }
0x98: {  	_ =	strace $0x8FFFFFFF  }
0x99: {  	s19 =	sld [smem:$0x3FDB];
	_ =	sdelay $0x1  }
0x9a: {  	s5 =	simm.s32 $_scs_section_size  }
0x9b: {  	s6 =	simm.s32 $_size__tile_overlayer_lowered;
	s7 =	simm.s32 $_tile_overlayer_lowered  }
0x9c: {  	s22 =	simm.s32 $0x1BFF;
	s21 =	sshll.u32 s7, $0x1;
	s4 =	sadd.s32 s5, s19  }
0x9d: {  	s8 =	simm.s32 $0x0;
	s20 =	sshll.u32 s6, $0x1;
	s6 =	sadd.s32 s21, s4  }
0x9e: {  	[timem:s8], [sflag:s22] =	dma.local [hbm:s6], s20  }
0x9f: {  	_ =	swait.ge [sflag:s22], s20  }
0xa0: {  	s5 =	ssub.s32 $0x0, s20;
	[sflag:s22] =	ssyncset.done $0x0  }
0xa1: {  	[sflag:s22] =	ssyncadd.s32 s5;
	_ =	sdelay $0x1  }
0xa2: {  	s23 =	simm.s32 $0x1B8B  }
0xa3: {  	_ =	swait.ge [sflag:s23], $0x1  }
0xa4: {  	[sflag:s23] =	ssyncset.done $0x0  }
0xa5: {  	s25 =	simm.s32 $0x1B8E;
	s24 =	sld [smem:$0x3FFE];
	[sflag:s23] =	ssyncadd.s32 $0xFFFFFFFF  }
0xa6: {  	s26 =	simm.s32 $execute0_lowered;
	[smem:$0x3FD2] =	sst s25  }
0xa7: {  	s6 =	sshll.u32 s26, $0x1;
	_ =	strace $0x80000046;
	[dreg:$0x1] =	wrdreg $0xFFFFFFFF  }
0xa8: {  	s28 =	simm.s32 $_size_execute0_lowered;
	s4 =	sadd.s32 s4, s6;
	[dreg:$0x0] =	wrdreg $0x0  }
0xa9: {  	s6 =	sshll.u32 s28, $0x1;
	[dreg:$0x2] =	wrdreg s4  }
0xaa: {  	[dreg:$0x3] =	wrdreg s6  }
0xab: {  	[dreg:$0x4] =	wrdreg $0xC0  }
0xac: {  	_ =	task [dreg:s8], $0x5FFFF  }
0xad: {  	[dreg:$0x1] =	wrdreg $0xFFFFFFFF  }
0xae: {  	[dreg:$0x0] =	wrdreg $0x60  }
0xaf: {  	[dreg:$0x2] =	wrdreg s2  }
0xb0: {  	[dreg:$0x3] =	wrdreg s18  }
0xb1: {  	[dreg:$0x4] =	wrdreg s24  }
0xb2: {  	[dreg:$0x5] =	wrdreg $0x0  }
0xb3: {  	[dreg:$0x6] =	wrdreg $0x140000  }
0xb4: {  	[dreg:$0x7] =	wrdreg $0x9  }
0xb5: {  	_ =	task.clear_ibuf [dreg:s8], $0x8FFFF;
	_ =	strace $0x90000046  }
0xb6: {  	s29 =	simm.s32 $0x9;
	_ =	strace $0x80000048  }
0xb7: {  	_ =	swait.ge [sflag:s29], $0x1  }
0xb8: {  	[sflag:s29] =	ssyncadd.s32 $0xFFFFFFFF  }
0xb9: {  	_ =	strace $0x90000048  }
0xba: {  	_ =	sfence  }
0xbb: {  	s30 =	sld [smem:$0x0];
	_ =	sdelay $0x2  }
0xbc: {  	s31 =	sshll.u32 s1, $0xD;
	s1 =	sshrl.u32 s1, $0x2  }
0xbd: {  	s3 =	sand.u32 $0x4000, s31;
	s1 =	sadd.s32 s1, s30  }
0xbe: {  	s0 =	sor.u32 s3, s0;
	s1 =	sshll.u32 s1, $0x11  }
0xbf: {  	s0 =	sor.u32 s1, s0  }
0xc0: {  	s0 =	sadd.s32 $0x8F2B, s0  }
0xc1: {  	[sflag:s0] =	ssyncadd.remote.s32 $0x1  }
0xc2: {  	_ =	sfence.sel $0xFFFF  }
0xc3: {  	[dreg:$0x0] =	wrdreg $0xFFFFFFFF;
	(pc) =	sbr.abs _section_cstart, $3  }
0xc4: {  	[dreg:$0x1] =	wrdreg $0xFFFFFFFF  }
0xc5: {  	_ =	task.clear_ibuf [dreg:s8], $0x2FFFF;
	_ =	strace $0x9FFFFFFF  }
0xc6: {  	(tm) =	ssettm $0x7FFFFFFF  }
0xc7: {  	_ =	shalt  }
tec
execute0_lowered:
.L_overlay_start_1:
0x0: {  	(tag) =	ssettag $0x1  }
0x1: {  	s12 =	rddreg [dreg:$0x0]  }
0x2: {  	s0 =	rddreg [dreg:$0x1]  }
0x3: {  	s1 =	rddreg [dreg:$0x2]  }
0x4: {  	s2 =	rddreg [dreg:$0x3]  }
0x5: {  	s4 =	rddreg [dreg:$0x4];
	s3 =	srdreg.scid  }
0x6: {  	s21 =	simm.s32 $0x0;
	s13 =	stileid.u32;
	s28 =	simm.s32 $0x1E500  }
0x7: {  	s29 =	simm.s32 $0x6;
	s30 =	simm.s32 $0x1;
	s23 =	smul.u32 $0x280, s13  }
0x8: {  	s31 =	simm.s32 $0x50;
	s3 =	sand.u32 $0x1, s3;
	s7 =	smul.u32 $0x50000, s13  }
0x9: {  	[smem:$0x7FF] =	sst s21;
	s24 =	sadd.s32 $0x400, s1;
	s26 =	smul.u32 $0x2710, s13  }
0xa: {  	s5 =	ssub.s32 $0x2, s3;
	_ =	strace $0x80000047;
	[dreg:$0x7] =	wrdreg s24  }
0xb: {  	s6 =	sshrl.u32 s5, $0x1;
	s25 =	sor.u32 $0x50, s23;
	s7 =	sshrl.u32 s7, $0x2  }
0xc: {  	s14 =	sadd.s32 $0xA0, s23;
	s16 =	sadd.s32 $0xF0, s23;
	s19 =	sshrl.u32 s26, $0x3  }
0xd: {  	s9 =	sadd.s32 $0xA0, s26;
	[dreg:$0x6] =	wrdreg s23;
	s1 =	ssub.s32 s5, s6  }
0xe: {  	s8 =	sshll.u32 s25, $0x7;
	s7 =	sadd.s32 s7, s2;
	s5 =	sadd.s32 s25, s4  }
0xf: {  	s15 =	sshll.u32 s14, $0x7;
	s17 =	sadd.s32 s14, s4;
	s18 =	sshll.u32 s16, $0x7  }
0x10: {  	s10 =	sshrl.u32 s9, $0x3;
	s6 =	sadd.s32 $0xF0, s26;
	[dreg:$0x8] =	wrdreg s7  }
0x11: {  	s11 =	sadd.s32 s8, s2;
	[dreg:$0xa] =	wrdreg s5;
	s5 =	sadd.s32 s15, s2  }
0x12: {  	[dreg:$0xc] =	wrdreg s17;
	s7 =	sadd.s32 $0x50, s26;
	s22 =	sadd.s32 s0, s10  }
0x13: {  	s25 =	sshrl.u32 s6, $0x3;
	s26 =	sadd.s32 $0x140, s23;
	s8 =	sadd.s32 s16, s4  }
0x14: {  	s15 =	sadd.s32 $0x1E0, s23;
	s16 =	smul.u32 $0x271000, s13;
	[dreg:$0x9] =	wrdreg s11  }
0x15: {  	s6 =	sshll.u32 s6, $0x8;
	[dreg:$0xb] =	wrdreg s5;
	s5 =	sadd.s32 s18, s2  }
0x16: {  	s20 =	sshrl.u32 s7, $0x3;
	s11 =	smul.u32 $0x4E2, s13;
	[dreg:$0x10] =	wrdreg s22  }
0x17: {  	[dreg:$0x12] =	wrdreg s8;
	s10 =	sshll.u32 s26, $0x7;
	s17 =	sshll.u32 s15, $0x7  }
0x18: {  	[dreg:$0xd] =	wrdreg s5;
	s5 =	sadd.s32 s0, s19;
	s19 =	sadd.s32 $0x230, s23  }
0x19: {  	[dreg:$0xe] =	wrdreg s5;
	s5 =	sadd.s32 s0, s20;
	s18 =	sadd.s32 s11, s0  }
0x1a: {  	s11 =	sadd.s32 $0x190, s23;
	[dreg:$0xf] =	wrdreg s5;
	s5 =	sadd.s32 s0, s25  }
0x1b: {  	s20 =	sshll.u32 s19, $0x7;
	s0 =	sadd.s32 s26, s4;
	[dreg:$0x11] =	wrdreg s5  }
0x1c: {  	s14 =	sshll.u32 s11, $0x7;
	s8 =	sadd.s32 s11, s4;
	[dreg:$0x14] =	wrdreg s0  }
0x1d: {  	s26 =	sshll.u32 s3, $0xA;
	s3 =	sadd.s32 s17, s2;
	[dreg:$0x16] =	wrdreg s8  }
0x1e: {  	s25 =	sadd.s32 s19, s4;
	s5 =	sadd.s32 s10, s2;
	[dreg:$0x18] =	wrdreg s3  }
0x1f: {  	s0 =	sadd.s32 s14, s2;
	s3 =	sor.u32 s26, s16;
	[dreg:$0x1b] =	wrdreg s25  }
0x20: {  	s8 =	sshll.u32 s7, $0x8;
	s10 =	sshll.u32 s9, $0x8;
	[dreg:$0x17] =	wrdreg s26  }
0x21: {  	s6 =	sor.u32 s26, s6;
	s14 =	smax.u32 s1, $0x1;
	[dreg:$0x13] =	wrdreg s5  }
0x22: {  	s25 =	sadd.s32 s23, s4;
	s9 =	simm.s32 $0x1E480;
	[dreg:$0x15] =	wrdreg s0  }
0x23: {  	s0 =	sadd.s32 s15, s4;
	s22 =	sshrl.u32 s3, $0x3;
	s6 =	sshrl.u32 s6, $0x3  }
0x24: {  	[smem:$0x7F8] =	sst s14;
	s15 =	sadd.s32 $0x23000, s3;
	s16 =	sadd.s32 $0x1E000, s3  }
0x25: {  	s17 =	sadd.s32 $0x19000, s3;
	[smem:$0x7FD] =	sst s25;
	s14 =	simm.s32 $0x14380  }
0x26: {  	[dreg:$0x19] =	wrdreg s0;
	s0 =	sadd.s32 s20, s2;
	s5 =	sadd.s32 s12, s22  }
0x27: {  	s13 =	sadd.s32 s12, s6;
	s1 =	sshrl.u32 s16, $0x3;
	[dreg:$0x1a] =	wrdreg s0  }
0x28: {  	s20 =	sshrl.u32 s17, $0x3;
	s22 =	sadd.s32 $0x14000, s3;
	[dreg:$0x1c] =	wrdreg s5  }
0x29: {  	s17 =	simm.s32 $0x1E380;
	s0 =	sor.u32 s26, s8;
	[dreg:$0x1f] =	wrdreg s13  }
0x2a: {  	s5 =	sor.u32 s26, s10;
	s19 =	sadd.s32 s1, s12;
	[smem:$0x7FC] =	sst s22  }
0x2b: {  	s8 =	simm.s32 $0x14300;
	s13 =	simm.s32 $0x1E400;
	s10 =	simm.s32 $0x1BB80  }
0x2c: {  	s1 =	simm.s32 $0xB;
	s22 =	simm.s32 $0xD;
	s0 =	sshrl.u32 s0, $0x3  }
0x2d: {  	s5 =	sshrl.u32 s5, $0x3;
	[smem:$0x7FA] =	sst s19;
	s0 =	sadd.s32 s12, s0  }
0x2e: {  	s19 =	simm.s32 $0x400;
	s11 =	sadd.s32 s12, s5;
	[dreg:$0x1d] =	wrdreg s0  }
0x2f: {  	s5 =	simm.s32 $0x0;
	[dreg:$0x1e] =	wrdreg s11;
	s0 =	sshrl.u32 s15, $0x3  }
0x30: {  	s15 =	simm.s32 $0xE;
	s11 =	simm.s32 $0x1BB80;
	s0 =	sadd.s32 s0, s12  }
0x31: {  	[smem:$0x7F9] =	sst s0;
	s0 =	sadd.s32 s20, s12;
	s20 =	simm.s32 $0x800  }
0x32: {  	v0 =	vimm.f32 $1.000000000e+00;
	v1 =	vimm.f32 $0.0e+00;
	s12 =	simm.s32 $0xA;
	[smem:$0x7FB] =	sst s0;
	s0 =	simm.s32 $0x14280  }
.LBB2_1:
0x33: {  	[tilespmem:$0x14280] =	vst v0  }
0x34: {  	[tilespmem:$0x14290] =	vst v0  }
0x35: {  	[tilespmem:$0x142A0] =	vst v0  }
0x36: {  	[tilespmem:$0x142B0] =	vst v0  }
0x37: {  	[smem:$0x7F7] =	sst s5;
	[tilespmem:$0x142C0] =	vst v0;
	s5 =	simm.s32 $0x0;
	s6 =	simm.s32 $0x200  }
.LBB2_2:
0x38: {  	p0 =	sne.s32 s6, $0x9E00;
	[tilespmem:s5+$0x143F0] =	vst v1  }
0x39: {  	[tilespmem:s5+$0x14380] =	vst v1  }
0x3a: {  	[tilespmem:s5+$0x14390] =	vst v1  }
.Ltmp0:
0x3b: {  	[tilespmem:s5+$0x143A0] =	vst v1;
	(pc) =	sbr.rel @p0 .LBB2_2-.Ltmp0, $4  }
0x3c: {  	[tilespmem:s5+$0x143B0] =	vst v1  }
0x3d: {  	[tilespmem:s5+$0x143C0] =	vst v1  }
0x3e: {  	[tilespmem:s5+$0x143D0] =	vst v1  }
0x3f: {  	[tilespmem:s5+$0x143E0] =	vst v1;
	s5 =	sshra.s32 s6, $0x2;
	s6 =	sadd.s32 $0x200, s6  }
0x40: {  	[tilespmem:s5+$0x143F0] =	vst v1  }
0x41: {  	[tilespmem:s5+$0x14380] =	vst v1  }
0x42: {  	[tilespmem:s5+$0x14390] =	vst v1  }
0x43: {  	[tilespmem:s5+$0x143A0] =	vst v1  }
0x44: {  	[tilespmem:s5+$0x143B0] =	vst v1  }
0x45: {  	[tilespmem:s5+$0x143C0] =	vst v1  }
0x46: {  	[tilespmem:s5+$0x143D0] =	vst v1  }
0x47: {  	[tilespmem:s5+$0x143E0] =	vst v1  }
0x48: {  	[tilespmem:$0x14300] =	vst v1  }
0x49: {  	[tilespmem:$0x14310] =	vst v1  }
0x4a: {  	[tilespmem:$0x14320] =	vst v1  }
0x4b: {  	[tilespmem:$0x14330] =	vst v1  }
0x4c: {  	s3 =	rddreg [dreg:$0x8];
	[tilespmem:$0x14340] =	vst v1  }
0x4d: {  	[spmem:s3] =	stream.linear.scatter [tilespmem:s14], [sflag:$0xE], $0x2800, $0x38;
	[tilespmem:$0x1E580] =	vst v63  }
0x4e: {  	_ =	swait.ge [sflag:s15], $0x2800  }
0x4f: {  	s7 =	sld [smem:$0x7FD]  }
0x50: {  	[sflag:s15] =	ssyncset.done $0x0  }
0x51: {  	[sflag:s15] =	ssyncadd.s32 $0xFFFFD800  }
0x52: {  	[spmem:s7] =	stream.linear.scatter [tilespmem:s8], [sflag:$0xE], $0x50, $0x38;
	[tilespmem:$0x1E580] =	vst v63  }
0x53: {  	_ =	swait.ge [sflag:s15], $0x50  }
0x54: {  	[sflag:s15] =	ssyncset.done $0x0  }
0x55: {  	s16 =	rddreg [dreg:$0x9];
	[sflag:s15] =	ssyncadd.s32 $0xFFFFFFB0  }
0x56: {  	[spmem:s16] =	stream.linear.scatter [tilespmem:s14], [sflag:$0xE], $0x2800, $0x38;
	[tilespmem:$0x1E580] =	vst v63  }
0x57: {  	_ =	swait.ge [sflag:s15], $0x2800  }
0x58: {  	[sflag:s15] =	ssyncset.done $0x0  }
0x59: {  	s23 =	rddreg [dreg:$0xa];
	[sflag:s15] =	ssyncadd.s32 $0xFFFFD800  }
0x5a: {  	[spmem:s23] =	stream.linear.scatter [tilespmem:s8], [sflag:$0xE], $0x50, $0x38;
	[tilespmem:$0x1E580] =	vst v63  }
0x5b: {  	_ =	swait.ge [sflag:s15], $0x50  }
0x5c: {  	[sflag:s15] =	ssyncset.done $0x0  }
0x5d: {  	s24 =	rddreg [dreg:$0xb];
	[sflag:s15] =	ssyncadd.s32 $0xFFFFFFB0  }
0x5e: {  	[spmem:s24] =	stream.linear.scatter [tilespmem:s14], [sflag:$0xE], $0x2800, $0x38;
	[tilespmem:$0x1E580] =	vst v63  }
0x5f: {  	_ =	swait.ge [sflag:s15], $0x2800  }
0x60: {  	[sflag:s15] =	ssyncset.done $0x0  }
0x61: {  	s25 =	rddreg [dreg:$0xc];
	[sflag:s15] =	ssyncadd.s32 $0xFFFFD800  }
0x62: {  	[spmem:s25] =	stream.linear.scatter [tilespmem:s8], [sflag:$0xE], $0x50, $0x38;
	[tilespmem:$0x1E580] =	vst v63  }
0x63: {  	_ =	swait.ge [sflag:s15], $0x50  }
0x64: {  	[sflag:s15] =	ssyncset.done $0x0  }
0x65: {  	s26 =	rddreg [dreg:$0xd];
	[sflag:s15] =	ssyncadd.s32 $0xFFFFFFB0  }
0x66: {  	[spmem:s26] =	stream.linear.scatter [tilespmem:s14], [sflag:$0xE], $0x2800, $0x38;
	[tilespmem:$0x1E580] =	vst v63  }
0x67: {  	_ =	swait.ge [sflag:s15], $0x2800  }
0x68: {  	[sflag:s15] =	ssyncset.done $0x0  }
0x69: {  	s5 =	rddreg [dreg:$0x12];
	[sflag:s15] =	ssyncadd.s32 $0xFFFFD800  }
0x6a: {  	[spmem:s5] =	stream.linear.scatter [tilespmem:s8], [sflag:$0xE], $0x50, $0x38;
	[tilespmem:$0x1E580] =	vst v63  }
0x6b: {  	_ =	swait.ge [sflag:s15], $0x50  }
0x6c: {  	[sflag:s15] =	ssyncset.done $0x0  }
0x6d: {  	s6 =	rddreg [dreg:$0x13];
	[sflag:s15] =	ssyncadd.s32 $0xFFFFFFB0  }
0x6e: {  	[spmem:s6] =	stream.linear.scatter [tilespmem:s14], [sflag:$0xE], $0x2800, $0x38;
	[tilespmem:$0x1E580] =	vst v63  }
0x6f: {  	_ =	swait.ge [sflag:s15], $0x2800  }
0x70: {  	[sflag:s15] =	ssyncset.done $0x0  }
0x71: {  	s7 =	rddreg [dreg:$0x14];
	[sflag:s15] =	ssyncadd.s32 $0xFFFFD800  }
0x72: {  	[spmem:s7] =	stream.linear.scatter [tilespmem:s8], [sflag:$0xE], $0x50, $0x38;
	[tilespmem:$0x1E580] =	vst v63  }
0x73: {  	_ =	swait.ge [sflag:s15], $0x50  }
0x74: {  	[sflag:s15] =	ssyncset.done $0x0  }
0x75: {  	s16 =	rddreg [dreg:$0x15];
	[sflag:s15] =	ssyncadd.s32 $0xFFFFFFB0  }
0x76: {  	[spmem:s16] =	stream.linear.scatter [tilespmem:s14], [sflag:$0xE], $0x2800, $0x38;
	[tilespmem:$0x1E580] =	vst v63  }
0x77: {  	_ =	swait.ge [sflag:s15], $0x2800  }
0x78: {  	[sflag:s15] =	ssyncset.done $0x0  }
0x79: {  	s23 =	rddreg [dreg:$0x16];
	[sflag:s15] =	ssyncadd.s32 $0xFFFFD800  }
0x7a: {  	[spmem:s23] =	stream.linear.scatter [tilespmem:s8], [sflag:$0xE], $0x50, $0x38;
	[tilespmem:$0x1E580] =	vst v63  }
0x7b: {  	_ =	swait.ge [sflag:s15], $0x50  }
0x7c: {  	[sflag:s15] =	ssyncset.done $0x0  }
0x7d: {  	s24 =	rddreg [dreg:$0x18];
	[sflag:s15] =	ssyncadd.s32 $0xFFFFFFB0  }
0x7e: {  	[spmem:s24] =	stream.linear.scatter [tilespmem:s14], [sflag:$0xE], $0x2800, $0x38;
	[tilespmem:$0x1E580] =	vst v63  }
0x7f: {  	_ =	swait.ge [sflag:s15], $0x2800  }
0x80: {  	[sflag:s15] =	ssyncset.done $0x0  }
0x81: {  	s25 =	rddreg [dreg:$0x19];
	[sflag:s15] =	ssyncadd.s32 $0xFFFFD800  }
0x82: {  	[spmem:s25] =	stream.linear.scatter [tilespmem:s8], [sflag:$0xE], $0x50, $0x38;
	[tilespmem:$0x1E580] =	vst v63  }
0x83: {  	_ =	swait.ge [sflag:s15], $0x50  }
0x84: {  	[sflag:s15] =	ssyncset.done $0x0  }
0x85: {  	s26 =	rddreg [dreg:$0x1a];
	[sflag:s15] =	ssyncadd.s32 $0xFFFFFFB0  }
0x86: {  	[spmem:s26] =	stream.linear.scatter [tilespmem:s14], [sflag:$0xE], $0x2800, $0x38;
	[tilespmem:$0x1E580] =	vst v63  }
0x87: {  	_ =	swait.ge [sflag:s15], $0x2800  }
0x88: {  	[sflag:s15] =	ssyncset.done $0x0  }
0x89: {  	s5 =	rddreg [dreg:$0x1b];
	[sflag:s15] =	ssyncadd.s32 $0xFFFFD800  }
0x8a: {  	[spmem:s5] =	stream.linear.scatter [tilespmem:s8], [sflag:$0xE], $0x50, $0x38;
	[tilespmem:$0x1E580] =	vst v63  }
0x8b: {  	_ =	swait.ge [sflag:s15], $0x50  }
0x8c: {  	[sflag:s15] =	ssyncset.done $0x0  }
0x8d: {  	[sflag:s15] =	ssyncadd.s32 $0xFFFFFFB0  }
0x8e: {  	[bflag:$0x0] =	sbarrier.arrive $0xFFFF  }
0x8f: {  	s6 =	rddreg [dreg:$0xe]  }
0x90: {  	s7 =	rddreg [dreg:$0x1c]  }
0x91: {  	s8 =	rddreg [dreg:$0xf]  }
0x92: {  	s16 =	rddreg [dreg:$0x10]  }
0x93: {  	s5 =	simm.s32 $0x0;
	s23 =	rddreg [dreg:$0x1e]  }
0x94: {  	[tilespmem:s17], [sflag:$0x6] =	stream.linear.gather [hbm4b:s6+s5], $0x50, $0x38;
	[tilespmem:$0x1E580] =	vst v63  }
0x95: {  	s25 =	rddreg [dreg:$0x11]  }
0x96: {  	[tilespmem:s14], [sflag:$0x1] =	stream.strided.gather [hbm4b:s7+s19], $0x2800, s20, s19, $0x38;
	[tilespmem:$0x1E580] =	vst v63  }
0x97: {  	s26 =	rddreg [dreg:$0x1f]  }
0x98: {  	[tilespmem:s13], [sflag:$0x7] =	stream.linear.gather [hbm4b:s8+s5], $0x50, $0x38;
	[tilespmem:$0x1E580] =	vst v63  }
0x99: {  	s6 =	simm.s32 $0x16B80;
	s13 =	rddreg [dreg:$0x1d]  }
0x9a: {  	[tilespmem:s6], [sflag:$0x2] =	stream.strided.gather [hbm4b:s13+s19], $0x2800, s20, s19, $0x38;
	[tilespmem:$0x1E580] =	vst v63  }
0x9b: {  	s7 =	sld [smem:$0x7FC]  }
0x9c: {  	[tilespmem:s9], [sflag:$0x8] =	stream.linear.gather [hbm4b:s16+s5], $0x50, $0x38;
	[tilespmem:$0x1E580] =	vst v63  }
0x9d: {  	s24 =	simm.s32 $0x19380;
	s6 =	sld [smem:$0x7F9]  }
0x9e: {  	[tilespmem:s24], [sflag:$0x3] =	stream.strided.gather [hbm4b:s23+s19], $0x2800, s20, s19, $0x38;
	[tilespmem:$0x1E580] =	vst v63  }
0x9f: {  	s16 =	sld [smem:$0x7FB]  }
0xa0: {  	[tilespmem:s28], [sflag:$0x9] =	stream.linear.gather [hbm4b:s25+s5], $0x50, $0x38;
	[tilespmem:$0x1E580] =	vst v63  }
0xa1: {  	s25 =	sld [smem:$0x7FA]  }
0xa2: {  	[tilespmem:s10], [sflag:$0x4] =	stream.strided.gather [hbm4b:s26+s19], $0x2800, s20, s19, $0x38;
	[tilespmem:$0x1E580] =	vst v63  }
.LBB2_4:
0xa3: {  	_ =	swait.ge [sflag:s29], $0x50  }
0xa4: {  	[sflag:s29] =	ssyncset.done $0x0  }
0xa5: {  	[sflag:s29] =	ssyncadd.s32 $0xFFFFFFB0  }
0xa6: {  	_ =	swait.ge [sflag:s30], $0x2800  }
0xa7: {  	[sflag:s30] =	ssyncset.done $0x0  }
0xa8: {  	[sflag:s30] =	ssyncadd.s32 $0xFFFFD800  }
0xa9: {  	[spmem:s4] =	stream.indirect.scatter.add.f32 [tilespmem:s0], [sflag:$0xA], $0x1, s17, s31, $0xb8;
	[tilespmem:$0x1E580] =	vst v63  }
0xaa: {  	s3 =	simm.s32 $0x7  }
0xab: {  	[spmem:s2] =	stream.indirect.scatter.add.f32 [tilespmem:s14], [sflag:$0xA], $0x80, s17, s31, $0xb8;
	[tilespmem:$0x1E580] =	vst v63  }
0xac: {  	_ =	swait.ge [sflag:s3], $0x50  }
0xad: {  	[sflag:s3] =	ssyncset.done $0x0  }
0xae: {  	s13 =	simm.s32 $0x2;
	[sflag:s3] =	ssyncadd.s32 $0xFFFFFFB0  }
0xaf: {  	_ =	swait.ge [sflag:s13], $0x2800  }
0xb0: {  	[sflag:s13] =	ssyncset.done $0x0  }
0xb1: {  	s23 =	simm.s32 $0x1E400;
	[sflag:s13] =	ssyncadd.s32 $0xFFFFD800  }
0xb2: {  	[spmem:s4] =	stream.indirect.scatter.add.f32 [tilespmem:s0], [sflag:$0xB], $0x1, s23, s31, $0xb8;
	[tilespmem:$0x1E580] =	vst v63  }
0xb3: {  	s8 =	simm.s32 $0x16B80;
	s24 =	simm.s32 $0x8  }
0xb4: {  	[spmem:s2] =	stream.indirect.scatter.add.f32 [tilespmem:s8], [sflag:$0xB], $0x80, s23, s31, $0xb8;
	[tilespmem:$0x1E580] =	vst v63  }
0xb5: {  	_ =	swait.ge [sflag:s24], $0x50  }
0xb6: {  	[sflag:s24] =	ssyncset.done $0x0  }
0xb7: {  	s26 =	simm.s32 $0x3;
	[sflag:s24] =	ssyncadd.s32 $0xFFFFFFB0  }
0xb8: {  	_ =	swait.ge [sflag:s26], $0x2800  }
0xb9: {  	[sflag:s26] =	ssyncset.done $0x0  }
0xba: {  	s8 =	simm.s32 $0x1E480;
	[sflag:s26] =	ssyncadd.s32 $0xFFFFD800  }
0xbb: {  	[spmem:s4] =	stream.indirect.scatter.add.f32 [tilespmem:s0], [sflag:$0xC], $0x1, s8, s31, $0xb8;
	[tilespmem:$0x1E580] =	vst v63  }
0xbc: {  	s23 =	simm.s32 $0x19380;
	s24 =	simm.s32 $0x9  }
0xbd: {  	[spmem:s2] =	stream.indirect.scatter.add.f32 [tilespmem:s23], [sflag:$0xC], $0x80, s8, s31, $0xb8;
	[tilespmem:$0x1E580] =	vst v63  }
0xbe: {  	_ =	swait.ge [sflag:s24], $0x50  }
0xbf: {  	[sflag:s24] =	ssyncset.done $0x0  }
0xc0: {  	s26 =	simm.s32 $0x4;
	[sflag:s24] =	ssyncadd.s32 $0xFFFFFFB0  }
0xc1: {  	_ =	swait.ge [sflag:s26], $0x2800  }
0xc2: {  	[sflag:s26] =	ssyncset.done $0x0  }
0xc3: {  	[sflag:s26] =	ssyncadd.s32 $0xFFFFD800  }
0xc4: {  	[spmem:s4] =	stream.indirect.scatter.add.f32 [tilespmem:s0], [sflag:$0xD], $0x1, s28, s31, $0xb8;
	[tilespmem:$0x1E580] =	vst v63  }
0xc5: {  	_ = 	snop  }
0xc6: {  	[spmem:s2] =	stream.indirect.scatter.add.f32 [tilespmem:s10], [sflag:$0xD], $0x80, s28, s31, $0xb8;
	[tilespmem:$0x1E580] =	vst v63  }
0xc7: {  	_ =	swait.ge [sflag:s12], $0x50  }
0xc8: {  	[sflag:s12] =	ssyncset.done $0x0  }
0xc9: {  	[sflag:s12] =	ssyncadd.s32 $0xFFFFFFB0  }
0xca: {  	_ =	swait.ge [sflag:s12], $0x2800  }
0xcb: {  	s24 =	sadd.s32 s5, s18;
	[sflag:s12] =	ssyncset.done $0x0  }
0xcc: {  	s8 =	sadd.s32 $0x28, s24;
	[sflag:s12] =	ssyncadd.s32 $0xFFFFD800  }
0xcd: {  	[tilespmem:s17], [sflag:$0x6] =	stream.linear.gather [hbm4b:s8+s21], $0x50, $0x38;
	[tilespmem:$0x1E580] =	vst v63  }
0xce: {  	s23 =	sshrl.u32 s7, $0x3;
	s26 =	rddreg [dreg:$0x0]  }
0xcf: {  	s28 =	sadd.s32 s26, s23  }
0xd0: {  	[tilespmem:s14], [sflag:$0x1] =	stream.strided.gather [hbm4b:s28+s19], $0x2800, s20, s19, $0x38;
	[tilespmem:$0x1E580] =	vst v63  }
0xd1: {  	_ =	swait.ge [sflag:s1], $0x50  }
0xd2: {  	[sflag:s1] =	ssyncset.done $0x0  }
0xd3: {  	[sflag:s1] =	ssyncadd.s32 $0xFFFFFFB0  }
0xd4: {  	_ =	swait.ge [sflag:s1], $0x2800  }
0xd5: {  	p0 =	seq.s32 s5, $0x4B0;
	[sflag:s1] =	ssyncset.done $0x0  }
0xd6: {  	s28 =	simm.s32 @p0 $0xC;
	[sflag:s1] =	ssyncadd.s32 $0xFFFFD800  }
0xd7: {  	_ =	swait.ge @p0 [sflag:s28], $0x50  }
0xd8: {  	[sflag:s28] =	ssyncset.done @p0 $0x0  }
0xd9: {  	[sflag:s28] =	ssyncadd.s32 @p0 $0xFFFFFFB0  }
0xda: {  	_ =	swait.ge @p0 [sflag:s28], $0x2800  }
0xdb: {  	[sflag:s28] =	ssyncset.done @p0 $0x0  }
0xdc: {  	[sflag:s28] =	ssyncadd.s32 @p0 $0xFFFFD800;
	s28 =	sadd.s32 @!p0 s5, s18  }
0xdd: {  	s23 =	simm.s32 @!p0 $0x0;
	s26 =	simm.s32 @!p0 $0x1E400;
	s21 =	sadd.s32 @!p0 $0x32, s28  }
0xde: {  	[tilespmem:s26], [sflag:$0x7] =	stream.linear.gather @!p0 [hbm4b:s21+s23], $0x50, $0x38;
	[tilespmem:$0x1E580] =	vst v63  }
0xdf: {  	s3 =	simm.s32 @!p0 $0x16B80;
	s21 =	simm.s32 @!p0 $0x400;
	s26 =	simm.s32 @!p0 $0x800  }
0xe0: {  	[tilespmem:s3], [sflag:$0x2] =	stream.strided.gather @!p0 [hbm4b:s16+s21], $0x2800, s26, s21, $0x38;
	[tilespmem:$0x1E580] =	vst v63  }
0xe1: {  	s3 =	simm.s32 @!p0 $0xC  }
0xe2: {  	_ =	swait.ge @!p0 [sflag:s3], $0x50  }
0xe3: {  	[sflag:s3] =	ssyncset.done @!p0 $0x0  }
0xe4: {  	[sflag:s3] =	ssyncadd.s32 @!p0 $0xFFFFFFB0  }
0xe5: {  	_ =	swait.ge @!p0 [sflag:s3], $0x2800  }
0xe6: {  	[sflag:s3] =	ssyncset.done @!p0 $0x0  }
0xe7: {  	[sflag:s3] =	ssyncadd.s32 @!p0 $0xFFFFD800;
	s3 =	sadd.s32 @!p0 $0x3C, s28;
	s28 =	simm.s32 @!p0 $0x1E480  }
0xe8: {  	[tilespmem:s28], [sflag:$0x8] =	stream.linear.gather @!p0 [hbm4b:s3+s23], $0x50, $0x38;
	[tilespmem:$0x1E580] =	vst v63  }
0xe9: {  	s3 =	simm.s32 @!p0 $0x19380  }
0xea: {  	[tilespmem:s3], [sflag:$0x3] =	stream.strided.gather @!p0 [hbm4b:s25+s21], $0x2800, s26, s21, $0x38;
	[tilespmem:$0x1E580] =	vst v63  }
0xeb: {  	_ =	swait.ge [sflag:s22], $0x50  }
.Ltmp1:
0xec: {  	[sflag:s22] =	ssyncset.done $0x0;
	(pc) =	sbr.rel @p0 .LBB2_6-.Ltmp1, $4  }
0xed: {  	[sflag:s22] =	ssyncadd.s32 $0xFFFFFFB0  }
0xee: {  	_ =	swait.ge [sflag:s22], $0x2800  }
0xef: {  	s9 =	simm.s32 $0x1E480;
	s13 =	simm.s32 $0x1E400;
	[sflag:s22] =	ssyncset.done $0x0  }
0xf0: {  	s10 =	simm.s32 $0x1E500;
	s8 =	simm.s32 $0x0;
	[sflag:s22] =	ssyncadd.s32 $0xFFFFD800  }
0xf1: {  	s3 =	sadd.s32 $0x46, s24  }
.Ltmp2:
0xf2: {  	s5 =	sadd.s32 $0x28, s5;
	s25 =	sadd.s32 $0x2800, s25;
	(pc) =	sbr.rel .LBB2_4-.Ltmp2, $4  }
0xf3: {  	[tilespmem:s10], [sflag:$0x9] =	stream.linear.gather [hbm4b:s3+s8], $0x50, $0x38;
	[tilespmem:$0x1E580] =	vst v63  }
0xf4: {  	s16 =	sadd.s32 $0x2800, s16;
	s7 =	sadd.s32 $0x14000, s7;
	s21 =	simm.s32 $0x0  }
0xf5: {  	[tilespmem:s11], [sflag:$0x4] =	stream.strided.gather [hbm4b:s6+s19], $0x2800, s20, s19, $0x38;
	[tilespmem:$0x1E580] =	vst v63  }
0xf6: {  	s28 =	simm.s32 $0x1E500;
	s10 =	simm.s32 $0x1BB80;
	s6 =	sadd.s32 $0x2800, s6  }
.LBB2_6:
0xf7: {  	_ =	swait.ge [sflag:s29], $0x50  }
0xf8: {  	[sflag:s29] =	ssyncset.done $0x0  }
0xf9: {  	[sflag:s29] =	ssyncadd.s32 $0xFFFFFFB0  }
0xfa: {  	_ =	swait.ge [sflag:s30], $0x2800  }
0xfb: {  	[sflag:s30] =	ssyncset.done $0x0  }
0xfc: {  	[sflag:s30] =	ssyncadd.s32 $0xFFFFD800  }
0xfd: {  	[spmem:s4] =	stream.indirect.scatter.add.f32 [tilespmem:s0], [sflag:$0x5], $0x1, s17, s31, $0xb8;
	[tilespmem:$0x1E580] =	vst v63  }
0xfe: {  	_ = 	snop  }
0xff: {  	[spmem:s2] =	stream.indirect.scatter.add.f32 [tilespmem:s14], [sflag:$0xE], $0x80, s17, s31, $0xb8;
	[tilespmem:$0x1E580] =	vst v63  }
0x100: {  	_ =	swait.ge [sflag:s15], $0x2800  }
0x101: {  	[sflag:s15] =	ssyncset.done $0x0  }
0x102: {  	s3 =	simm.s32 $0x5;
	[sflag:s15] =	ssyncadd.s32 $0xFFFFD800  }
0x103: {  	_ =	swait.ge [sflag:s3], $0x50  }
0x104: {  	[sflag:s3] =	ssyncset.done $0x0  }
0x105: {  	[sflag:s3] =	ssyncadd.s32 $0xFFFFFFB0  }
0x106: {  	[bflag:$0x0] =	sbarrier.arrive $0xFFFF  }
0x107: {  	s25 =	simm.s32 $0x0;
	s23 =	rddreg [dreg:$0x6]  }
0x108: {  	s21 =	simm.s32 $0x0;
	s8 =	simm.s32 $0x14300;
	s24 =	rddreg [dreg:$0x7]  }
0x109: {  	s28 =	simm.s32 $0x1E500;
	s10 =	simm.s32 $0x1BB80;
	s26 =	rddreg [dreg:$0x17]  }
.LBB2_7:
0x10a: {  	s3 =	smul.u32 $0x50, s25;
	_ =	sdelay $0x1  }
0x10b: {  	s16 =	sadd.s32 s23, s3  }
0x10c: {  	s3 =	sshll.u32 s16, $0x7  }
0x10d: {  	s3 =	sand.u32 $0x3FFFFF80, s3  }
0x10e: {  	s3 =	sadd.s32 s3, s2  }
0x10f: {  	[tilespmem:s14], [sflag:$0xE] =	stream.linear.gather [spmem:s3], $0x2800, $0x38;
	[tilespmem:$0x1E580] =	vst v63  }
0x110: {  	_ =	swait.ge [sflag:s15], $0x2800  }
0x111: {  	[sflag:s15] =	ssyncset.done $0x0  }
0x112: {  	s7 =	sadd.s32 s16, s4;
	[sflag:s15] =	ssyncadd.s32 $0xFFFFD800  }
0x113: {  	[tilespmem:s8], [sflag:$0xE] =	stream.linear.gather [spmem:s7], $0x50, $0x38;
	[tilespmem:$0x1E580] =	vst v63  }
0x114: {  	_ =	swait.ge [sflag:s15], $0x50  }
0x115: {  	[sflag:s15] =	ssyncset.done $0x0  }
0x116: {  	s5 =	simm.s32 $0x0;
	[sflag:s15] =	ssyncadd.s32 $0xFFFFFFB0  }
.LBB2_8:
0x117: {  	s3 =	sshll.u32 s5, $0x4  }
0x118: {  	s3 =	sand.u32 $0x3FFFFFF0, s3  }
0x119: {  	v2 =	vld [tilespmem:s3+$0x14300];
	_ =	sdelay $0x4  }
0x11a: {  	v2 =	vmax.f32 v2, $1.000000000e+00  }
0x11b: {  	(erf) = vrcp.f32 v2;
	_ =	sdelay $0x4  }
0x11c: {  	s7 =	sshll.u32 s5, $0xB  }
0x11d: {  	s7 =	sand.u32 $0x3FFFF800, s7  }
0x11e: {  	v3 =	vld [tilespmem:s7+$0x14380]  }
0x11f: {  	v4 =	vld [tilespmem:s7+$0x14390]  }
0x120: {  	v5 =	vld [tilespmem:s7+$0x143A0];
	v2 =	vpop (erf)  }
0x121: {  	v7 =	vld [tilespmem:s7+$0x143B0];
	v6 =	vbroadcast v2, $0x0  }
0x122: {  	v8 =	vld [tilespmem:s7+$0x143C0]  }
0x123: {  	v9 =	vld [tilespmem:s7+$0x143D0];
	v3 =	vmul.f32 v6, v3  }
0x124: {  	v10 =	vld [tilespmem:s7+$0x143E0];
	v4 =	vmul.f32 v6, v4  }
0x125: {  	v24 =	vld [tilespmem:s7+$0x143F0];
	[tilespmem:s7+$0x14380] =	vst v3;
	v3 =	vmul.f32 v5, v6  }
0x126: {  	v26 =	vld [tilespmem:s7+$0x14400];
	v25 =	vmul.f32 v7, v6;
	[tilespmem:s7+$0x14390] =	vst v4  }
0x127: {  	v27 =	vld [tilespmem:s7+$0x14410];
	[tilespmem:s7+$0x143A0] =	vst v3;
	v3 =	vmul.f32 v8, v6  }
0x128: {  	v29 =	vld [tilespmem:s7+$0x14420];
	v28 =	vmul.f32 v9, v6;
	[tilespmem:s7+$0x143B0] =	vst v25  }
0x129: {  	v11 =	vld [tilespmem:s7+$0x14430];
	v30 =	vbroadcast v2, $0x1;
	[tilespmem:s7+$0x143C0] =	vst v3;
	v3 =	vmul.f32 v10, v6  }
0x12a: {  	v32 =	vld [tilespmem:s7+$0x14440];
	v31 =	vmul.f32 v24, v6;
	[tilespmem:s7+$0x143D0] =	vst v28  }
0x12b: {  	v33 =	vld [tilespmem:s7+$0x14450];
	[tilespmem:s7+$0x143E0] =	vst v3;
	v3 =	vmul.f32 v26, v30  }
0x12c: {  	v35 =	vld [tilespmem:s7+$0x14460];
	v34 =	vmul.f32 v27, v30;
	[tilespmem:s7+$0x143F0] =	vst v31  }
0x12d: {  	v36 =	vld [tilespmem:s7+$0x14470];
	[tilespmem:s7+$0x14400] =	vst v3;
	v3 =	vmul.f32 v29, v30  }
0x12e: {  	v38 =	vld [tilespmem:s7+$0x14480];
	v37 =	vmul.f32 v11, v30;
	[tilespmem:s7+$0x14410] =	vst v34  }
0x12f: {  	v39 =	vld [tilespmem:s7+$0x14490];
	[tilespmem:s7+$0x14420] =	vst v3;
	v3 =	vmul.f32 v32, v30  }
0x130: {  	v41 =	vld [tilespmem:s7+$0x144A0];
	v40 =	vmul.f32 v33, v30;
	[tilespmem:s7+$0x14430] =	vst v37  }
0x131: {  	v43 =	vld [tilespmem:s7+$0x144B0];
	v42 =	vbroadcast v2, $0x2;
	[tilespmem:s7+$0x14440] =	vst v3;
	v3 =	vmul.f32 v35, v30  }
0x132: {  	v45 =	vld [tilespmem:s7+$0x144C0];
	v44 =	vmul.f32 v36, v30;
	[tilespmem:s7+$0x14450] =	vst v40  }
0x133: {  	v46 =	vld [tilespmem:s7+$0x144D0];
	[tilespmem:s7+$0x14460] =	vst v3;
	v3 =	vmul.f32 v38, v42  }
0x134: {  	v48 =	vld [tilespmem:s7+$0x144E0];
	v47 =	vmul.f32 v39, v42;
	[tilespmem:s7+$0x14470] =	vst v44  }
0x135: {  	v49 =	vld [tilespmem:s7+$0x144F0];
	[tilespmem:s7+$0x14480] =	vst v3;
	v3 =	vmul.f32 v41, v42  }
0x136: {  	v51 =	vld [tilespmem:s7+$0x14500];
	v50 =	vmul.f32 v43, v42;
	[tilespmem:s7+$0x14490] =	vst v47  }
0x137: {  	v52 =	vld [tilespmem:s7+$0x14510];
	[tilespmem:s7+$0x144A0] =	vst v3;
	v3 =	vmul.f32 v45, v42  }
0x138: {  	v54 =	vld [tilespmem:s7+$0x14520];
	v53 =	vmul.f32 v46, v42;
	[tilespmem:s7+$0x144B0] =	vst v50  }
0x139: {  	v56 =	vld [tilespmem:s7+$0x14530];
	v55 =	vbroadcast v2, $0x3;
	[tilespmem:s7+$0x144C0] =	vst v3;
	v3 =	vmul.f32 v48, v42  }
0x13a: {  	v58 =	vld [tilespmem:s7+$0x14540];
	v57 =	vmul.f32 v49, v42;
	[tilespmem:s7+$0x144D0] =	vst v53  }
0x13b: {  	v59 =	vld [tilespmem:s7+$0x14550];
	[tilespmem:s7+$0x144E0] =	vst v3;
	v3 =	vmul.f32 v51, v55  }
0x13c: {  	v61 =	vld [tilespmem:s7+$0x14560];
	v60 =	vmul.f32 v52, v55;
	[tilespmem:s7+$0x144F0] =	vst v57  }
0x13d: {  	v62 =	vld [tilespmem:s7+$0x14570];
	[tilespmem:s7+$0x14500] =	vst v3;
	v3 =	vmul.f32 v54, v55  }
0x13e: {  	v12 =	vld [tilespmem:s7+$0x14580];
	v63 =	vmul.f32 v56, v55;
	[tilespmem:s7+$0x14510] =	vst v60  }
0x13f: {  	v13 =	vld [tilespmem:s7+$0x14590];
	[tilespmem:s7+$0x14520] =	vst v3;
	v3 =	vmul.f32 v58, v55  }
0x140: {  	v15 =	vld [tilespmem:s7+$0x145A0];
	v14 =	vmul.f32 v59, v55;
	[tilespmem:s7+$0x14530] =	vst v63  }
0x141: {  	v17 =	vld [tilespmem:s7+$0x145B0];
	v16 =	vbroadcast v2, $0x4;
	[tilespmem:s7+$0x14540] =	vst v3;
	v3 =	vmul.f32 v61, v55  }
0x142: {  	v19 =	vld [tilespmem:s7+$0x145C0];
	v18 =	vmul.f32 v62, v55;
	[tilespmem:s7+$0x14550] =	vst v14  }
0x143: {  	v20 =	vld [tilespmem:s7+$0x145D0];
	[tilespmem:s7+$0x14560] =	vst v3;
	v3 =	vmul.f32 v12, v16  }
0x144: {  	v22 =	vld [tilespmem:s7+$0x145E0];
	v21 =	vmul.f32 v13, v16;
	[tilespmem:s7+$0x14570] =	vst v18  }
0x145: {  	v23 =	vld [tilespmem:s7+$0x145F0];
	[tilespmem:s7+$0x14580] =	vst v3;
	v3 =	vmul.f32 v15, v16  }
0x146: {  	v24 =	vmul.f32 v17, v16;
	[tilespmem:s7+$0x14590] =	vst v21;
	v25 =	vld [tilespmem:s7+$0x14600]  }
0x147: {  	v33 =	vld [tilespmem:s7+$0x14650];
	[tilespmem:s7+$0x145A0] =	vst v3;
	v3 =	vmul.f32 v19, v16  }
0x148: {  	v27 =	vmul.f32 v20, v16;
	[tilespmem:s7+$0x145B0] =	vst v24;
	v28 =	vld [tilespmem:s7+$0x14620]  }
0x149: {  	v36 =	vld [tilespmem:s7+$0x14670];
	v29 =	vbroadcast v2, $0x5;
	[tilespmem:s7+$0x145C0] =	vst v3;
	v3 =	vmul.f32 v22, v16  }
0x14a: {  	[tilespmem:s7+$0x145D0] =	vst v27;
	v31 =	vmul.f32 v23, v16;
	v32 =	vld [tilespmem:s7+$0x14640]  }
0x14b: {  	v26 =	vld [tilespmem:s7+$0x14610];
	[tilespmem:s7+$0x145E0] =	vst v3;
	v3 =	vmul.f32 v25, v29  }
0x14c: {  	[tilespmem:s7+$0x145F0] =	vst v31;
	v40 =	vmul.f32 v33, v29;
	v35 =	vld [tilespmem:s7+$0x14660]  }
0x14d: {  	v30 =	vld [tilespmem:s7+$0x14630];
	[tilespmem:s7+$0x14600] =	vst v3;
	v3 =	vmul.f32 v28, v29  }
0x14e: {  	v44 =	vmul.f32 v36, v29;
	[tilespmem:s7+$0x14650] =	vst v40;
	v38 =	vld [tilespmem:s7+$0x14680]  }
0x14f: {  	v39 =	vld [tilespmem:s7+$0x14690];
	[tilespmem:s7+$0x14620] =	vst v3;
	v3 =	vmul.f32 v32, v29  }
0x150: {  	v34 =	vmul.f32 v26, v29;
	[tilespmem:s7+$0x14670] =	vst v44;
	v41 =	vld [tilespmem:s7+$0x146A0]  }
0x151: {  	v43 =	vld [tilespmem:s7+$0x146B0];
	v42 =	vbroadcast v2, $0x6;
	[tilespmem:s7+$0x14640] =	vst v3;
	v3 =	vmul.f32 v35, v29  }
0x152: {  	[tilespmem:s7+$0x14610] =	vst v34;
	v37 =	vmul.f32 v30, v29;
	v45 =	vld [tilespmem:s7+$0x146C0]  }
0x153: {  	v46 =	vld [tilespmem:s7+$0x146D0];
	[tilespmem:s7+$0x14660] =	vst v3;
	v3 =	vmul.f32 v38, v42  }
0x154: {  	[tilespmem:s7+$0x14630] =	vst v37;
	v48 =	vld [tilespmem:s7+$0x146E0];
	v47 =	vmul.f32 v39, v42  }
0x155: {  	v49 =	vld [tilespmem:s7+$0x146F0];
	[tilespmem:s7+$0x14680] =	vst v3;
	v3 =	vmul.f32 v41, v42  }
0x156: {  	v50 =	vmul.f32 v43, v42;
	v51 =	vld [tilespmem:s7+$0x14700];
	[tilespmem:s7+$0x14690] =	vst v47  }
0x157: {  	v52 =	vld [tilespmem:s7+$0x14710];
	[tilespmem:s7+$0x146A0] =	vst v3;
	v3 =	vmul.f32 v45, v42  }
0x158: {  	v53 =	vmul.f32 v46, v42;
	[tilespmem:s7+$0x146B0] =	vst v50;
	v54 =	vld [tilespmem:s7+$0x14720]  }
0x159: {  	v56 =	vld [tilespmem:s7+$0x14730];
	v55 =	vbroadcast v2, $0x7;
	[tilespmem:s7+$0x146C0] =	vst v3;
	v3 =	vmul.f32 v48, v42  }
0x15a: {  	v57 =	vmul.f32 v49, v42;
	[tilespmem:s7+$0x146D0] =	vst v53;
	v58 =	vld [tilespmem:s7+$0x14740]  }
0x15b: {  	v59 =	vld [tilespmem:s7+$0x14750];
	[tilespmem:s7+$0x146E0] =	vst v3;
	v3 =	vmul.f32 v51, v55  }
0x15c: {  	[tilespmem:s7+$0x146F0] =	vst v57;
	v61 =	vld [tilespmem:s7+$0x14760];
	v60 =	vmul.f32 v52, v55  }
0x15d: {  	v62 =	vld [tilespmem:s7+$0x14770];
	[tilespmem:s7+$0x14700] =	vst v3;
	v3 =	vmul.f32 v54, v55  }
0x15e: {  	v63 =	vmul.f32 v56, v55;
	v12 =	vld [tilespmem:s7+$0x14780];
	[tilespmem:s7+$0x14710] =	vst v60  }
0x15f: {  	v13 =	vld [tilespmem:s7+$0x14790];
	[tilespmem:s7+$0x14720] =	vst v3;
	v3 =	vmul.f32 v58, v55  }
0x160: {  	v14 =	vmul.f32 v59, v55;
	[tilespmem:s7+$0x14730] =	vst v63;
	v15 =	vld [tilespmem:s7+$0x147A0]  }
0x161: {  	v17 =	vld [tilespmem:s7+$0x147B0];
	v16 =	vbroadcast v2, $0x8;
	[tilespmem:s7+$0x14740] =	vst v3;
	v3 =	vmul.f32 v61, v55  }
0x162: {  	v18 =	vmul.f32 v62, v55;
	[tilespmem:s7+$0x14750] =	vst v14;
	v19 =	vld [tilespmem:s7+$0x147C0]  }
0x163: {  	v20 =	vld [tilespmem:s7+$0x147D0];
	[tilespmem:s7+$0x14760] =	vst v3;
	v3 =	vmul.f32 v12, v16  }
0x164: {  	[tilespmem:s7+$0x14770] =	vst v18;
	v22 =	vld [tilespmem:s7+$0x147E0];
	v21 =	vmul.f32 v13, v16  }
0x165: {  	v23 =	vld [tilespmem:s7+$0x147F0];
	[tilespmem:s7+$0x14780] =	vst v3;
	v3 =	vmul.f32 v15, v16  }
0x166: {  	v24 =	vmul.f32 v17, v16;
	v25 =	vld [tilespmem:s7+$0x14800];
	[tilespmem:s7+$0x14790] =	vst v21  }
0x167: {  	v26 =	vld [tilespmem:s7+$0x14810];
	[tilespmem:s7+$0x147A0] =	vst v3;
	v3 =	vmul.f32 v19, v16  }
0x168: {  	v27 =	vmul.f32 v20, v16;
	[tilespmem:s7+$0x147B0] =	vst v24;
	v28 =	vld [tilespmem:s7+$0x14820]  }
0x169: {  	v30 =	vld [tilespmem:s7+$0x14830];
	v29 =	vbroadcast v2, $0x9;
	[tilespmem:s7+$0x147C0] =	vst v3;
	v3 =	vmul.f32 v22, v16  }
0x16a: {  	v31 =	vmul.f32 v23, v16;
	[tilespmem:s7+$0x147D0] =	vst v27;
	v32 =	vld [tilespmem:s7+$0x14840]  }
0x16b: {  	v33 =	vld [tilespmem:s7+$0x14850];
	[tilespmem:s7+$0x147E0] =	vst v3;
	v3 =	vmul.f32 v25, v29  }
0x16c: {  	[tilespmem:s7+$0x147F0] =	vst v31;
	v35 =	vld [tilespmem:s7+$0x14860];
	v34 =	vmul.f32 v26, v29  }
0x16d: {  	v36 =	vld [tilespmem:s7+$0x14870];
	[tilespmem:s7+$0x14800] =	vst v3;
	v3 =	vmul.f32 v28, v29  }
0x16e: {  	v37 =	vmul.f32 v30, v29;
	v38 =	vld [tilespmem:s7+$0x14880];
	[tilespmem:s7+$0x14810] =	vst v34  }
0x16f: {  	v39 =	vld [tilespmem:s7+$0x14890];
	[tilespmem:s7+$0x14820] =	vst v3;
	v3 =	vmul.f32 v32, v29  }
0x170: {  	v40 =	vmul.f32 v33, v29;
	[tilespmem:s7+$0x14830] =	vst v37;
	v41 =	vld [tilespmem:s7+$0x148A0]  }
0x171: {  	v43 =	vld [tilespmem:s7+$0x148B0];
	v42 =	vbroadcast v2, $0xA;
	[tilespmem:s7+$0x14840] =	vst v3;
	v3 =	vmul.f32 v35, v29  }
0x172: {  	v44 =	vmul.f32 v36, v29;
	[tilespmem:s7+$0x14850] =	vst v40;
	v45 =	vld [tilespmem:s7+$0x148C0]  }
0x173: {  	v46 =	vld [tilespmem:s7+$0x148D0];
	[tilespmem:s7+$0x14860] =	vst v3;
	v3 =	vmul.f32 v38, v42  }
0x174: {  	[tilespmem:s7+$0x14870] =	vst v44;
	v48 =	vld [tilespmem:s7+$0x148E0];
	v47 =	vmul.f32 v39, v42  }
0x175: {  	v49 =	vld [tilespmem:s7+$0x148F0];
	[tilespmem:s7+$0x14880] =	vst v3;
	v3 =	vmul.f32 v41, v42  }
0x176: {  	v50 =	vmul.f32 v43, v42;
	v51 =	vld [tilespmem:s7+$0x14900];
	[tilespmem:s7+$0x14890] =	vst v47  }
0x177: {  	v52 =	vld [tilespmem:s7+$0x14910];
	[tilespmem:s7+$0x148A0] =	vst v3;
	v3 =	vmul.f32 v45, v42  }
0x178: {  	v53 =	vmul.f32 v46, v42;
	[tilespmem:s7+$0x148B0] =	vst v50;
	v54 =	vld [tilespmem:s7+$0x14920]  }
0x179: {  	v56 =	vld [tilespmem:s7+$0x14930];
	v55 =	vbroadcast v2, $0xB;
	[tilespmem:s7+$0x148C0] =	vst v3;
	v3 =	vmul.f32 v48, v42  }
0x17a: {  	v57 =	vmul.f32 v49, v42;
	[tilespmem:s7+$0x148D0] =	vst v53;
	v58 =	vld [tilespmem:s7+$0x14940]  }
0x17b: {  	v59 =	vld [tilespmem:s7+$0x14950];
	[tilespmem:s7+$0x148E0] =	vst v3;
	v3 =	vmul.f32 v51, v55  }
0x17c: {  	[tilespmem:s7+$0x148F0] =	vst v57;
	v61 =	vld [tilespmem:s7+$0x14960];
	v60 =	vmul.f32 v52, v55  }
0x17d: {  	v62 =	vld [tilespmem:s7+$0x14970];
	[tilespmem:s7+$0x14900] =	vst v3;
	v3 =	vmul.f32 v54, v55  }
0x17e: {  	v63 =	vmul.f32 v56, v55;
	v12 =	vld [tilespmem:s7+$0x14980];
	[tilespmem:s7+$0x14910] =	vst v60  }
0x17f: {  	v13 =	vld [tilespmem:s7+$0x14990];
	[tilespmem:s7+$0x14920] =	vst v3;
	v3 =	vmul.f32 v58, v55  }
0x180: {  	v14 =	vmul.f32 v59, v55;
	[tilespmem:s7+$0x14930] =	vst v63;
	v15 =	vld [tilespmem:s7+$0x149A0]  }
0x181: {  	v17 =	vld [tilespmem:s7+$0x149B0];
	v16 =	vbroadcast v2, $0xC;
	[tilespmem:s7+$0x14940] =	vst v3;
	v3 =	vmul.f32 v61, v55  }
0x182: {  	v18 =	vmul.f32 v62, v55;
	[tilespmem:s7+$0x14950] =	vst v14;
	v19 =	vld [tilespmem:s7+$0x149C0]  }
0x183: {  	v20 =	vld [tilespmem:s7+$0x149D0];
	[tilespmem:s7+$0x14960] =	vst v3;
	v3 =	vmul.f32 v12, v16  }
0x184: {  	[tilespmem:s7+$0x14970] =	vst v18;
	v22 =	vld [tilespmem:s7+$0x149E0];
	v21 =	vmul.f32 v13, v16  }
0x185: {  	v23 =	vld [tilespmem:s7+$0x149F0];
	[tilespmem:s7+$0x14980] =	vst v3;
	v3 =	vmul.f32 v15, v16  }
0x186: {  	v24 =	vmul.f32 v17, v16;
	v25 =	vld [tilespmem:s7+$0x14A00];
	[tilespmem:s7+$0x14990] =	vst v21  }
0x187: {  	v26 =	vld [tilespmem:s7+$0x14A10];
	[tilespmem:s7+$0x149A0] =	vst v3;
	v3 =	vmul.f32 v19, v16  }
0x188: {  	v27 =	vmul.f32 v20, v16;
	[tilespmem:s7+$0x149B0] =	vst v24;
	v28 =	vld [tilespmem:s7+$0x14A20]  }
0x189: {  	v30 =	vld [tilespmem:s7+$0x14A30];
	v29 =	vbroadcast v2, $0xD;
	[tilespmem:s7+$0x149C0] =	vst v3;
	v3 =	vmul.f32 v22, v16  }
0x18a: {  	v31 =	vmul.f32 v23, v16;
	[tilespmem:s7+$0x149D0] =	vst v27;
	v32 =	vld [tilespmem:s7+$0x14A40]  }
0x18b: {  	v33 =	vld [tilespmem:s7+$0x14A50];
	[tilespmem:s7+$0x149E0] =	vst v3;
	v3 =	vmul.f32 v25, v29  }
0x18c: {  	[tilespmem:s7+$0x149F0] =	vst v31;
	v35 =	vld [tilespmem:s7+$0x14A60];
	v34 =	vmul.f32 v26, v29  }
0x18d: {  	v36 =	vld [tilespmem:s7+$0x14A70];
	[tilespmem:s7+$0x14A00] =	vst v3;
	v3 =	vmul.f32 v28, v29  }
0x18e: {  	v37 =	vmul.f32 v30, v29;
	v38 =	vld [tilespmem:s7+$0x14A80];
	[tilespmem:s7+$0x14A10] =	vst v34  }
0x18f: {  	v39 =	vld [tilespmem:s7+$0x14A90];
	[tilespmem:s7+$0x14A20] =	vst v3;
	v3 =	vmul.f32 v32, v29  }
0x190: {  	v40 =	vmul.f32 v33, v29;
	[tilespmem:s7+$0x14A30] =	vst v37;
	v41 =	vld [tilespmem:s7+$0x14AA0]  }
0x191: {  	v43 =	vld [tilespmem:s7+$0x14AB0];
	v42 =	vbroadcast v2, $0xE;
	[tilespmem:s7+$0x14A40] =	vst v3;
	v3 =	vmul.f32 v35, v29  }
0x192: {  	v44 =	vmul.f32 v36, v29;
	[tilespmem:s7+$0x14A50] =	vst v40;
	v45 =	vld [tilespmem:s7+$0x14AC0]  }
0x193: {  	v46 =	vld [tilespmem:s7+$0x14AD0];
	[tilespmem:s7+$0x14A60] =	vst v3;
	v3 =	vmul.f32 v38, v42  }
0x194: {  	[tilespmem:s7+$0x14A70] =	vst v44;
	v48 =	vld [tilespmem:s7+$0x14AE0];
	v47 =	vmul.f32 v39, v42  }
0x195: {  	v49 =	vld [tilespmem:s7+$0x14AF0];
	[tilespmem:s7+$0x14A80] =	vst v3;
	v3 =	vmul.f32 v41, v42  }
0x196: {  	v50 =	vmul.f32 v43, v42;
	v51 =	vld [tilespmem:s7+$0x14B00];
	[tilespmem:s7+$0x14A90] =	vst v47  }
0x197: {  	v52 =	vld [tilespmem:s7+$0x14B10];
	[tilespmem:s7+$0x14AA0] =	vst v3;
	v3 =	vmul.f32 v45, v42  }
0x198: {  	v53 =	vmul.f32 v46, v42;
	[tilespmem:s7+$0x14AB0] =	vst v50;
	v54 =	vld [tilespmem:s7+$0x14B20]  }
0x199: {  	v2 =	vbroadcast v2, $0xF;
	v58 =	vld [tilespmem:s7+$0x14B50];
	[tilespmem:s7+$0x14AC0] =	vst v3;
	v3 =	vmul.f32 v48, v42  }
0x19a: {  	v57 =	vld [tilespmem:s7+$0x14B40];
	v56 =	vmul.f32 v49, v42;
	[tilespmem:s7+$0x14AD0] =	vst v53  }
0x19b: {  	v55 =	vld [tilespmem:s7+$0x14B30];
	[tilespmem:s7+$0x14AE0] =	vst v3;
	v3 =	vmul.f32 v51, v2  }
0x19c: {  	v60 =	vld [tilespmem:s7+$0x14B60];
	v59 =	vmul.f32 v52, v2;
	[tilespmem:s7+$0x14AF0] =	vst v56  }
0x19d: {  	v61 =	vld [tilespmem:s7+$0x14B70];
	[tilespmem:s7+$0x14B00] =	vst v3;
	v3 =	vmul.f32 v54, v2  }
0x19e: {  	[tilespmem:s7+$0x14B10] =	vst v59;
	v63 =	vmul.f32 v58, v2  }
0x19f: {  	p0 =	sne.s32 s5, $0x4;
	[tilespmem:s7+$0x14B20] =	vst v3;
	v3 =	vmul.f32 v57, v2  }
.Ltmp3:
0x1a0: {  	v62 =	vmul.f32 v55, v2;
	[tilespmem:s7+$0x14B50] =	vst v63;
	(pc) =	sbr.rel @p0 .LBB2_8-.Ltmp3, $4  }
0x1a1: {  	[tilespmem:s7+$0x14B40] =	vst v3;
	v3 =	vmul.f32 v60, v2  }
0x1a2: {  	[tilespmem:s7+$0x14B30] =	vst v62;
	v2 =	vmul.f32 v61, v2  }
0x1a3: {  	[tilespmem:s7+$0x14B60] =	vst v3  }
0x1a4: {  	s5 =	sadd.s32 $0x1, s5;
	[tilespmem:s7+$0x14B70] =	vst v2  }
0x1a5: {  	s3 =	sshll.u32 s16, $0x8  }
0x1a6: {  	s25 =	sadd.s32 $0x1, s25;
	s3 =	sor.u32 s26, s3  }
0x1a7: {  	p0 =	sne.s32 s25, $0x8;
	s3 =	sshrl.u32 s3, $0x3  }
.Ltmp4:
0x1a8: {  	s3 =	sadd.s32 s24, s3;
	(pc) =	sbr.rel @p0 .LBB2_7-.Ltmp4, $4  }
0x1a9: {  	[hbm4b:s3+s19] =	stream.strided.scatter [tilespmem:s14], [sflag:$0xE], $0x2800, s20, s19, $0x38;
	[tilespmem:$0x1E580] =	vst v63  }
0x1aa: {  	_ =	swait.ge [sflag:s15], $0x2800  }
0x1ab: {  	[sflag:s15] =	ssyncset.done $0x0  }
0x1ac: {  	[sflag:s15] =	ssyncadd.s32 $0xFFFFD800  }
0x1ad: {  	s5 =	sld [smem:$0x7F7]  }
0x1ae: {  	s3 =	sld [smem:$0x7F8];
	_ =	sdelay $0x1  }
0x1af: {  	s5 =	sadd.s32 $0x1, s5  }
0x1b0: {  	p0 =	sne.s32 s5, s3  }
.Ltmp5:
0x1b1: {  	_ = 	snop;
	(pc) =	sbr.rel @p0 .LBB2_1-.Ltmp5, $1  }
0x1b2: {  	_ =	sdelay $0x3  }
0x1b3: {  	_ =	sfence.sel $0x180000  }
0x1b4: {  	[bflag:$0x0] =	sbarrier.arrive $0xFFFF  }
0x1b5: {  	_ =	strace $0x90000047  }
0x1b6: {  	s0 =	stileid.u32;
	[bflag:$0x2] =	sbarrier.arrive $0xFFFF  }
0x1b7: {  	p0 =	sne.s32 s0, $0x0;
	s0 =	rddreg [dreg:$0x5]  }
0x1b8: {  	s0 =	sadd.s32 @!p0 $0x100000, s0  }
0x1b9: {  	[sflag:s0] =	ssyncadd.tile.s32 @!p0 $0x1;
	_ =	shalt  }
.Lfunc_end2:
_tile_overlayer_lowered:
.L_overlay_start_2:
0x1ba: {  	(tag) =	ssettag $0x2  }
0x1bb: {  	s0 =	rddreg [dreg:$0x0];
	s2 =	stileid.u32  }
0x1bc: {  	s1 =	rddreg [dreg:$0x1];
	p0 =	sne.s32 s2, $0x0  }
0x1bd: {  	s3 =	rddreg [dreg:$0x2];
	[bflag:$0x3] =	sbarrier.arrive $0xFFFF;
	s2 =	simm.s32 @!p0 $0x1C0E  }
0x1be: {  	[timem:s3], [sflag:s2] =	dma.local @!p0 [hbm:s0], s1  }
0x1bf: {  	s0 =	simm.s32 @!p0 $0xE  }
0x1c0: {  	_ =	swait.ge @!p0 [sflag:s0], s1  }
0x1c1: {  	s1 =	ssub.s32 @!p0 $0x0, s1;
	[sflag:s0] =	ssyncset.done @!p0 $0x0  }
0x1c2: {  	[sflag:s0] =	ssyncadd.s32 @!p0 s1  }
0x1c3: {  	[bflag:$0x3] =	sbarrier.arrive $0xFFFF  }
0x1c4: {  	_ =	shalt  }

</sc_bundles>
